<compile_context>
chip_gen: v7x
topology: tpu7x:2x2x1
jax: 0.10.2.dev20260603
libtpu: 0.0.44.dev20260713+nightly
codegen_flags: <defaults>
</compile_context>

<pallas_src>
import functools

import jax
import jax.numpy as jnp
from jax import lax
from jax.experimental import pallas as pl
from jax.experimental.pallas import tpu as pltpu
from jax.experimental.pallas import tpu_sc as plsc

N = 10000
NP = 10112
E = 320000
D = 128
NC = 2
NS = 16
NT = NC * NS
CH = 128
NPASS = 2
IPP = 40
NCHUNK = NPASS * IPP
EPT = CH * NCHUNK
EPAD = EPT * NT
RPT = NP // NS

_mesh = plsc.VectorSubcoreMesh(
    core_axis_name="c", subcore_axis_name="s", num_cores=NC, num_subcores=NS)



@functools.partial(
    pl.kernel,
    out_type=jax.ShapeDtypeStruct((NC, NP, D), jnp.float32),
    mesh=_mesh,
    scratch_types=[
        pltpu.VMEM((IPP, CH), jnp.int32),
        pltpu.VMEM((CH, D), jnp.float32),
        pltpu.VMEM_SHARED((NP, D), jnp.float32),
        pltpu.SemaphoreType.DMA,
    ],
)
def _deg_kernel(dst_hbm, ones_hbm, z_hbm, out_hbm, idx_buf, ones_buf, acc_sh,
                sem):
    c = lax.axis_index("c")
    s = lax.axis_index("s")
    wid = c * NS + s
    pltpu.sync_copy(ones_hbm, ones_buf)
    pltpu.sync_copy(z_hbm, acc_sh.at[pl.ds(s * RPT, RPT)])
    plsc.subcore_barrier()

    def fire(j, carry):
        pltpu.sync_copy(ones_buf, acc_sh.at[idx_buf.at[j]], add=True)
        return carry

    for p in range(NPASS):
        pltpu.sync_copy(dst_hbm.at[wid, pl.ds(p * IPP, IPP)], idx_buf)
        lax.fori_loop(0, IPP, fire, 0)
    plsc.subcore_barrier()
    pltpu.sync_copy(acc_sh.at[pl.ds(s * RPT, RPT)],
                    out_hbm.at[c, pl.ds(s * RPT, RPT)])


@functools.partial(
    pl.kernel,
    out_type=jax.ShapeDtypeStruct((NC, NP, D), jnp.float32),
    mesh=_mesh,
    scratch_types=[
        pltpu.VMEM((IPP, CH), jnp.int32),
        pltpu.VMEM((IPP, CH), jnp.int32),
        pltpu.VMEM((2, CH, D), jnp.float32),
        pltpu.VMEM_SHARED((NP, D), jnp.float32),
        pltpu.SemaphoreType.DMA,
    ],
)
def _agg_kernel(hp_hbm, src_hbm, dst_hbm, z_hbm, out_hbm,
                src_buf, dst_buf, rows_buf, acc_sh, gsem):
    c = lax.axis_index("c")
    s = lax.axis_index("s")
    wid = c * NS + s
    pltpu.sync_copy(z_hbm, acc_sh.at[pl.ds(s * RPT, RPT)])
    plsc.subcore_barrier()

    def body(j2, carry):
        j = j2 * 2
        pltpu.make_async_copy(hp_hbm.at[src_buf.at[j]], rows_buf.at[0],
                              gsem).wait()
        pltpu.async_copy(hp_hbm.at[src_buf.at[j + 1]], rows_buf.at[1], gsem)
        pltpu.sync_copy(rows_buf.at[0], acc_sh.at[dst_buf.at[j]], add=True)
        pltpu.make_async_copy(hp_hbm.at[src_buf.at[j + 1]], rows_buf.at[1],
                              gsem).wait()

        @pl.when(j + 2 < IPP)
        def _():
            pltpu.async_copy(hp_hbm.at[src_buf.at[j + 2]], rows_buf.at[0],
                             gsem)

        pltpu.sync_copy(rows_buf.at[1], acc_sh.at[dst_buf.at[j + 1]], add=True)
        return carry

    for p in range(NPASS):
        pltpu.sync_copy(src_hbm.at[wid, pl.ds(p * IPP, IPP)], src_buf)
        pltpu.sync_copy(dst_hbm.at[wid, pl.ds(p * IPP, IPP)], dst_buf)
        pltpu.async_copy(hp_hbm.at[src_buf.at[0]], rows_buf.at[0], gsem)
        lax.fori_loop(0, IPP // 2, body, 0)
    plsc.subcore_barrier()
    pltpu.sync_copy(acc_sh.at[pl.ds(s * RPT, RPT)],
                    out_hbm.at[c, pl.ds(s * RPT, RPT)])



BR = 2528


def _k1_body(x_ref, w_ref, d0_ref, d1_ref, hp_ref, dis_ref):
    deg = d0_ref[...] + d1_ref[...] + 1.0
    dis = lax.rsqrt(deg)
    dis_ref[...] = dis
    h = jnp.dot(x_ref[...], w_ref[...], preferred_element_type=jnp.float32)
    hp_ref[...] = h * dis


def _pre_body(a0_ref, a1_ref, hp_ref, dis_ref, b_ref, out_ref):
    out_ref[...] = ((a0_ref[...] + a1_ref[...] + hp_ref[...]) * dis_ref[...]
                    + b_ref[...])


def _bn_mm_body(pre_ref, dis_ref, g_ref, be_ref, w_ref, out_ref):
    pre = pre_ref[...]
    rows = lax.broadcasted_iota(jnp.int32, (NP, 1), 0)
    mask = rows < N
    sm = jnp.sum(jnp.where(mask, pre, 0.0), axis=0, keepdims=True)
    mean = sm * (1.0 / N)
    sq = jnp.sum(jnp.where(mask, pre * pre, 0.0), axis=0, keepdims=True)
    var = sq * (1.0 / N) - mean * mean
    xb = (pre - mean) * lax.rsqrt(var + 1e-5) * g_ref[...] + be_ref[...]
    h = jnp.maximum(xb, 0.0)
    out_ref[...] = (jnp.dot(h, w_ref[...],
                            preferred_element_type=jnp.float32)
                    * dis_ref[...])


def _heads_body(a0_ref, a1_ref, hp_ref, dis_ref, b3_ref,
                w1a_ref, b1a_ref, w1b_ref, b1b_ref,
                w2a_ref, b2a_ref, w2b_ref, b2b_ref, out1_ref, out2_ref):
    h3 = ((a0_ref[...] + a1_ref[...] + hp_ref[...]) * dis_ref[...]
          + b3_ref[...])
    t1 = jnp.maximum(
        jnp.dot(h3, w1a_ref[...], preferred_element_type=jnp.float32)
        + b1a_ref[...], 0.0)
    out1_ref[...] = (jnp.dot(t1, w1b_ref[...],
                             preferred_element_type=jnp.float32) + b1b_ref[...])
    t2 = jnp.maximum(
        jnp.dot(h3, w2a_ref[...], preferred_element_type=jnp.float32)
        + b2a_ref[...], 0.0)
    out2_ref[...] = (jnp.dot(t2, w2b_ref[...],
                             preferred_element_type=jnp.float32) + b2b_ref[...])


def _row_spec(cols):
    return pl.BlockSpec((BR, cols), lambda i: (i, 0))


def _full_spec(r, cols):
    return pl.BlockSpec((r, cols), lambda i: (0, 0))


def _matmul_scale(x, w, d0, d1):
    return pl.pallas_call(
        _k1_body,
        grid=(NP // BR,),
        in_specs=[_row_spec(D), _full_spec(D, D), _row_spec(1), _row_spec(1)],
        out_specs=[_row_spec(D), _row_spec(1)],
        out_shape=[jax.ShapeDtypeStruct((NP, D), jnp.float32),
                   jax.ShapeDtypeStruct((NP, 1), jnp.float32)],
    )(x, w, d0, d1)


def _pre(a0, a1, hp, dis, b):
    return pl.pallas_call(
        _pre_body,
        grid=(NP // BR,),
        in_specs=[_row_spec(D), _row_spec(D), _row_spec(D), _row_spec(1),
                  _full_spec(1, D)],
        out_specs=_row_spec(D),
        out_shape=jax.ShapeDtypeStruct((NP, D), jnp.float32),
    )(a0, a1, hp, dis, b)


def _bn_relu_mm_scale(pre, dis, g, be, w):
    return pl.pallas_call(
        _bn_mm_body,
        out_shape=jax.ShapeDtypeStruct((NP, D), jnp.float32),
    )(pre, dis, g, be, w)


def _heads(a0, a1, hp, dis, b3, w1a, b1a, w1b, b1b, w2a, b2a, w2b, b2b):
    l1 = w1b.shape[1]
    l2 = w2b.shape[1]
    return pl.pallas_call(
        _heads_body,
        grid=(NP // BR,),
        in_specs=[_row_spec(D), _row_spec(D), _row_spec(D), _row_spec(1),
                  _full_spec(1, D),
                  _full_spec(D, 64), _full_spec(1, 64),
                  _full_spec(64, l1), _full_spec(1, l1),
                  _full_spec(D, 64), _full_spec(1, 64),
                  _full_spec(64, l2), _full_spec(1, l2)],
        out_specs=[_row_spec(l1), _row_spec(l2)],
        out_shape=[jax.ShapeDtypeStruct((NP, l1), jnp.float32),
                   jax.ShapeDtypeStruct((NP, l2), jnp.float32)],
    )(a0, a1, hp, dis, b3, w1a, b1a, w1b, b1b, w2a, b2a, w2b, b2b)



def kernel(x, edge_index, W1, b1, W2, b2, W3, b3, g1, be1, g2, be2,
           Wc1a, bc1a, Wc1b, bc1b, Wc2a, bc2a, Wc2b, bc2b):
    pad_e = jnp.full((EPAD - E,), NP - 1, edge_index.dtype)
    src = jnp.concatenate([edge_index[0], pad_e]).reshape(NT, NCHUNK, CH)
    dst = jnp.concatenate([edge_index[1], pad_e]).reshape(NT, NCHUNK, CH)
    x_pad = jnp.pad(x, ((0, NP - N), (0, 0)))
    zeros_rows = jnp.zeros((RPT, D), jnp.float32)
    ones_rows = jnp.ones((CH, D), jnp.float32)

    deg_parts = _deg_kernel(dst, ones_rows, zeros_rows)
    d0 = deg_parts[0, :, 0:1]
    d1 = deg_parts[1, :, 0:1]

    h1p, dis = _matmul_scale(x_pad, W1, d0, d1)

    a1p = _agg_kernel(h1p, src, dst, zeros_rows)
    pre1 = _pre(a1p[0], a1p[1], h1p, dis, b1.reshape(1, D))
    h2p = _bn_relu_mm_scale(pre1, dis, g1.reshape(1, D), be1.reshape(1, D), W2)

    a2p = _agg_kernel(h2p, src, dst, zeros_rows)
    pre2 = _pre(a2p[0], a2p[1], h2p, dis, b2.reshape(1, D))
    h3p = _bn_relu_mm_scale(pre2, dis, g2.reshape(1, D), be2.reshape(1, D), W3)

    a3p = _agg_kernel(h3p, src, dst, zeros_rows)
    out1, out2 = _heads(
        a3p[0], a3p[1], h3p, dis, b3.reshape(1, D),
        Wc1a, bc1a.reshape(1, -1), Wc1b, bc1b.reshape(1, -1),
        Wc2a, bc2a.reshape(1, -1), Wc2b, bc2b.reshape(1, -1))
    return (out1[:N], out2[:N])

# --- scband reference (transcript-rebuilt; emitter-appended) ---
"""Pipeline reference for scband-hierarchical-classification-gnn-47845935677473 (READ-ONLY COPY).

The authoritative reference and input builder live on the scoring server;
editing this copy changes nothing except your own understanding.
"""

import jax, jax.numpy as jnp
import numpy as np

N = 10000
E = 320000
D_IN = 128
HID = 128
L1 = 64
L2 = 512


def setup_inputs(seed: int = 0) -> dict:
    key = jax.random.key(seed)
    ks = jax.random.split(key, 24)
    s_in = 1.0 / np.sqrt(D_IN)
    s_h = 1.0 / np.sqrt(HID)
    s_h2 = 1.0 / np.sqrt(HID // 2)
    inp = {}
    inp['x'] = jax.random.normal(ks[0], (N, D_IN), dtype=jnp.float32)
    inp['edge_index'] = jax.random.randint(ks[1], (2, E), 0, N)
    # GCN layer weights (3 convs)
    inp['W1'] = jax.random.normal(ks[2], (D_IN, HID), dtype=jnp.float32) * s_in
    inp['b1'] = jnp.zeros((HID,), dtype=jnp.float32)
    inp['W2'] = jax.random.normal(ks[3], (HID, HID), dtype=jnp.float32) * s_h
    inp['b2'] = jnp.zeros((HID,), dtype=jnp.float32)
    inp['W3'] = jax.random.normal(ks[4], (HID, HID), dtype=jnp.float32) * s_h
    inp['b3'] = jnp.zeros((HID,), dtype=jnp.float32)
    # BatchNorm params (2 layers)
    inp['g1'] = jnp.ones((HID,), dtype=jnp.float32)
    inp['be1'] = jnp.zeros((HID,), dtype=jnp.float32)
    inp['g2'] = jnp.ones((HID,), dtype=jnp.float32)
    inp['be2'] = jnp.zeros((HID,), dtype=jnp.float32)
    # Level classifiers: Linear(HID, HID//2) -> ReLU -> Linear(HID//2, L)
    inp['Wc1a'] = jax.random.normal(ks[5], (HID, HID // 2), dtype=jnp.float32) * s_h
    inp['bc1a'] = jnp.zeros((HID // 2,), dtype=jnp.float32)
    inp['Wc1b'] = jax.random.normal(ks[6], (HID // 2, L1), dtype=jnp.float32) * s_h2
    inp['bc1b'] = jnp.zeros((L1,), dtype=jnp.float32)
    inp['Wc2a'] = jax.random.normal(ks[7], (HID, HID // 2), dtype=jnp.float32) * s_h
    inp['bc2a'] = jnp.zeros((HID // 2,), dtype=jnp.float32)
    inp['Wc2b'] = jax.random.normal(ks[8], (HID // 2, L2), dtype=jnp.float32) * s_h2
    inp['bc2b'] = jnp.zeros((L2,), dtype=jnp.float32)
    return inp


def gcn_conv(x, src, dst, W, b, n):
    # PyG GCNConv: linear transform, add self-loops, sym-normalize, scatter-add, bias
    h = x @ W
    loop = jnp.arange(n)
    s = jnp.concatenate([src, loop])
    d = jnp.concatenate([dst, loop])
    deg = jnp.zeros((n,), h.dtype).at[d].add(1.0)
    dis = jnp.where(deg > 0, 1.0 / jnp.sqrt(deg), 0.0)
    norm = dis[s] * dis[d]
    msg = h[s] * norm[:, None]
    out = jnp.zeros((n, h.shape[1]), h.dtype).at[d].add(msg)
    return out + b


def batch_norm(x, g, b):
    m = jnp.mean(x, axis=0)
    v = jnp.var(x, axis=0)
    return (x - m) / jnp.sqrt(v + 1e-5) * g + b


def reference(x, edge_index, W1, b1, W2, b2, W3, b3, g1, be1, g2, be2,
              Wc1a, bc1a, Wc1b, bc1b, Wc2a, bc2a, Wc2b, bc2b):
    n = x.shape[0]
    src, dst = edge_index[0], edge_index[1]
    h = gcn_conv(x, src, dst, W1, b1, n)
    h = batch_norm(h, g1, be1)
    h = jax.nn.relu(h)
    # dropout is identity in eval mode
    h = gcn_conv(h, src, dst, W2, b2, n)
    h = batch_norm(h, g2, be2)
    h = jax.nn.relu(h)
    h = gcn_conv(h, src, dst, W3, b3, n)
    # batch is None -> no pooling; per-node hierarchical logits
    out1 = jax.nn.relu(h @ Wc1a + bc1a) @ Wc1b + bc1b
    out2 = jax.nn.relu(h @ Wc2a + bc2a) @ Wc2b + bc2b
    return (out1, out2)

if __name__ == "__main__":
    import jax
    _d = setup_inputs()
    print(jax.jit(kernel)(*tuple(_d.values())))

</pallas_src>

<mosaic_0001>
#map = affine_map<(d0, d1) -> (0, 0)>
#map1 = affine_map<(d0, d1) -> (0, 0, 0)>
module attributes {stable_mosaic.version = 14 : i64} {
  func.func @_agg_kernel(%arg0: i32, %arg1: i32, %arg2: memref<10112x128xf32, #tpu.memory_space<hbm>>, %arg3: memref<32x80x128xi32, #tpu.memory_space<hbm>>, %arg4: memref<32x80x128xi32, #tpu.memory_space<hbm>>, %arg5: memref<632x128xf32, #tpu.memory_space<hbm>>, %arg6: memref<2x10112x128xf32, #tpu.memory_space<hbm>>, %arg7: memref<40x128xi32, #tpu.memory_space<vmem>>, %arg8: memref<40x128xi32, #tpu.memory_space<vmem>>, %arg9: memref<2x128x128xf32, #tpu.memory_space<vmem>>, %arg10: memref<10112x128xf32, #tpu.memory_space<vmem_shared>>, %arg11: memref<!tpu.dma_semaphore, #tpu.memory_space<semaphore_mem>>) attributes {dimension_semantics = [#tpu.dimension_semantics<core_parallel>, #tpu.dimension_semantics<subcore_parallel>], iteration_bounds = array<i64: 2, 16>, scalar_prefetch = 0 : i64, scratch_operands = 5 : i64, tpu.core_type = #tpu.core_type<sc_vector_subcore>, window_params = [{transform_indices = #map}, {transform_indices = #map1}, {transform_indices = #map1}, {transform_indices = #map}, {transform_indices = #map1}]} {
    %mul3A = arith.constant 16 : i32
    %mul3A_0 = arith.muli %arg0, %mul3A : i32
    %add3A = arith.addi %mul3A_0, %arg1 : i32
    %mul3A_1 = arith.constant 632 : i32
    %mul3A_2 = arith.muli %arg1, %mul3A_1 : i32
    "tpu.region"() ({
      %run_scoped3A = tpu.sem_alloc : memref<!tpu.dma_semaphore, #tpu.memory_space<semaphore_mem>>
      %dma_start3A_42 = arith.constant 0 : i32
      %dma_start3A_43 = tpu.memref_slice %arg10[%mul3A_2, %dma_start3A_42] : memref<10112x128xf32, #tpu.memory_space<vmem_shared>> -> memref<632x128xf32, #tpu.memory_space<vmem_shared>>
      tpu.enqueue_dma source(%arg5 : memref<632x128xf32, #tpu.memory_space<hbm>>) target(%dma_start3A_43 : memref<632x128xf32, #tpu.memory_space<vmem_shared>>) target_semaphore(%run_scoped3A : memref<!tpu.dma_semaphore, #tpu.memory_space<semaphore_mem>>)
      %dma_wait3A = arith.constant 0 : i32
      %dma_wait3A_44 = tpu.memref_slice %arg10[%mul3A_2, %dma_wait3A] : memref<10112x128xf32, #tpu.memory_space<vmem_shared>> -> memref<632x128xf32, #tpu.memory_space<vmem_shared>>
      tpu.wait_dma2 semaphore(%run_scoped3A : memref<!tpu.dma_semaphore, #tpu.memory_space<semaphore_mem>>) src(%arg5 : memref<632x128xf32, #tpu.memory_space<hbm>>) dst(%dma_wait3A_44 : memref<632x128xf32, #tpu.memory_space<vmem_shared>>)
      tpu.yield
    }) : () -> ()
    %barrier3A = arith.constant 0 : index
    tpu.barrier barrier_id(%barrier3A)
    "tpu.region"() ({
      %run_scoped3A = tpu.sem_alloc : memref<!tpu.dma_semaphore, #tpu.memory_space<semaphore_mem>>
      %dma_start3A_42 = arith.constant 0 : i32
      %dma_start3A_43 = arith.constant 0 : i32
      %dma_start3A_44 = tpu.memref_slice %arg3[%add3A, %dma_start3A_42, %dma_start3A_43] : memref<32x80x128xi32, #tpu.memory_space<hbm>> -> memref<1x40x128xi32, #tpu.memory_space<hbm>>
      %dma_start3A_45 = tpu.memref_squeeze %dma_start3A_44 : memref<1x40x128xi32, #tpu.memory_space<hbm>> -> memref<40x128xi32, #tpu.memory_space<hbm>>
      %dma_start3A_46 = arith.constant 0 : i32
      %dma_start3A_47 = arith.constant 0 : i32
      %dma_start3A_48 = tpu.memref_slice %arg3[%add3A, %dma_start3A_46, %dma_start3A_47] : memref<32x80x128xi32, #tpu.memory_space<hbm>> -> memref<1x40x128xi32, #tpu.memory_space<hbm>>
      %dma_start3A_49 = tpu.memref_squeeze %dma_start3A_48 : memref<1x40x128xi32, #tpu.memory_space<hbm>> -> memref<40x128xi32, #tpu.memory_space<hbm>>
      tpu.enqueue_dma source(%dma_start3A_49 : memref<40x128xi32, #tpu.memory_space<hbm>>) target(%arg7 : memref<40x128xi32, #tpu.memory_space<vmem>>) target_semaphore(%run_scoped3A : memref<!tpu.dma_semaphore, #tpu.memory_space<semaphore_mem>>)
      %dma_wait3A = arith.constant 0 : i32
      %dma_wait3A_50 = arith.constant 0 : i32
      %dma_wait3A_51 = tpu.memref_slice %arg3[%add3A, %dma_wait3A, %dma_wait3A_50] : memref<32x80x128xi32, #tpu.memory_space<hbm>> -> memref<1x40x128xi32, #tpu.memory_space<hbm>>
      %dma_wait3A_52 = tpu.memref_squeeze %dma_wait3A_51 : memref<1x40x128xi32, #tpu.memory_space<hbm>> -> memref<40x128xi32, #tpu.memory_space<hbm>>
      %dma_wait3A_53 = arith.constant 0 : i32
      %dma_wait3A_54 = arith.constant 0 : i32
      %dma_wait3A_55 = tpu.memref_slice %arg3[%add3A, %dma_wait3A_53, %dma_wait3A_54] : memref<32x80x128xi32, #tpu.memory_space<hbm>> -> memref<1x40x128xi32, #tpu.memory_space<hbm>>
      %dma_wait3A_56 = tpu.memref_squeeze %dma_wait3A_55 : memref<1x40x128xi32, #tpu.memory_space<hbm>> -> memref<40x128xi32, #tpu.memory_space<hbm>>
      tpu.wait_dma2 semaphore(%run_scoped3A : memref<!tpu.dma_semaphore, #tpu.memory_space<semaphore_mem>>) src(%dma_wait3A_56 : memref<40x128xi32, #tpu.memory_space<hbm>>) dst(%arg7 : memref<40x128xi32, #tpu.memory_space<vmem>>)
      tpu.yield
    }) : () -> ()
    "tpu.region"() ({
      %run_scoped3A = tpu.sem_alloc : memref<!tpu.dma_semaphore, #tpu.memory_space<semaphore_mem>>
      %dma_start3A_42 = arith.constant 0 : i32
      %dma_start3A_43 = arith.constant 0 : i32
      %dma_start3A_44 = tpu.memref_slice %arg4[%add3A, %dma_start3A_42, %dma_start3A_43] : memref<32x80x128xi32, #tpu.memory_space<hbm>> -> memref<1x40x128xi32, #tpu.memory_space<hbm>>
      %dma_start3A_45 = tpu.memref_squeeze %dma_start3A_44 : memref<1x40x128xi32, #tpu.memory_space<hbm>> -> memref<40x128xi32, #tpu.memory_space<hbm>>
      %dma_start3A_46 = arith.constant 0 : i32
      %dma_start3A_47 = arith.constant 0 : i32
      %dma_start3A_48 = tpu.memref_slice %arg4[%add3A, %dma_start3A_46, %dma_start3A_47] : memref<32x80x128xi32, #tpu.memory_space<hbm>> -> memref<1x40x128xi32, #tpu.memory_space<hbm>>
      %dma_start3A_49 = tpu.memref_squeeze %dma_start3A_48 : memref<1x40x128xi32, #tpu.memory_space<hbm>> -> memref<40x128xi32, #tpu.memory_space<hbm>>
      tpu.enqueue_dma source(%dma_start3A_49 : memref<40x128xi32, #tpu.memory_space<hbm>>) target(%arg8 : memref<40x128xi32, #tpu.memory_space<vmem>>) target_semaphore(%run_scoped3A : memref<!tpu.dma_semaphore, #tpu.memory_space<semaphore_mem>>)
      %dma_wait3A = arith.constant 0 : i32
      %dma_wait3A_50 = arith.constant 0 : i32
      %dma_wait3A_51 = tpu.memref_slice %arg4[%add3A, %dma_wait3A, %dma_wait3A_50] : memref<32x80x128xi32, #tpu.memory_space<hbm>> -> memref<1x40x128xi32, #tpu.memory_space<hbm>>
      %dma_wait3A_52 = tpu.memref_squeeze %dma_wait3A_51 : memref<1x40x128xi32, #tpu.memory_space<hbm>> -> memref<40x128xi32, #tpu.memory_space<hbm>>
      %dma_wait3A_53 = arith.constant 0 : i32
      %dma_wait3A_54 = arith.constant 0 : i32
      %dma_wait3A_55 = tpu.memref_slice %arg4[%add3A, %dma_wait3A_53, %dma_wait3A_54] : memref<32x80x128xi32, #tpu.memory_space<hbm>> -> memref<1x40x128xi32, #tpu.memory_space<hbm>>
      %dma_wait3A_56 = tpu.memref_squeeze %dma_wait3A_55 : memref<1x40x128xi32, #tpu.memory_space<hbm>> -> memref<40x128xi32, #tpu.memory_space<hbm>>
      tpu.wait_dma2 semaphore(%run_scoped3A : memref<!tpu.dma_semaphore, #tpu.memory_space<semaphore_mem>>) src(%dma_wait3A_56 : memref<40x128xi32, #tpu.memory_space<hbm>>) dst(%arg8 : memref<40x128xi32, #tpu.memory_space<vmem>>)
      tpu.yield
    }) : () -> ()
    %dma_start3A = arith.constant 0 : i32
    %dma_start3A_3 = arith.constant 0 : i32
    %dma_start3A_4 = arith.constant 0 : i32
    %dma_start3A_5 = arith.constant 0 : i32
    %dma_start3A_6 = tpu.memref_slice %arg9[%dma_start3A_3, %dma_start3A_4, %dma_start3A_5] : memref<2x128x128xf32, #tpu.memory_space<vmem>> -> memref<1x128x128xf32, #tpu.memory_space<vmem>>
    %dma_start3A_7 = tpu.memref_squeeze %dma_start3A_6 : memref<1x128x128xf32, #tpu.memory_space<vmem>> -> memref<128x128xf32, #tpu.memory_space<vmem>>
    %dma_start3A_8 = arith.constant 0 : i32
    %dma_start3A_9 = tpu.memref_slice %arg7[%dma_start3A, %dma_start3A_8] : memref<40x128xi32, #tpu.memory_space<vmem>> -> memref<1x128xi32, #tpu.memory_space<vmem>>
    %dma_start3A_10 = tpu.memref_squeeze %dma_start3A_9 : memref<1x128xi32, #tpu.memory_space<vmem>> -> memref<128xi32, #tpu.memory_space<vmem>>
    %dma_start3A_11 = arith.constant 0 : i32
    %dma_start3A_12 = arith.constant 0 : i32
    %dma_start3A_13 = tpu.memref_slice %arg2[%dma_start3A_11, %dma_start3A_12] : memref<10112x128xf32, #tpu.memory_space<hbm>> -> memref<10112x128xf32, #tpu.memory_space<hbm>>
    tpu.enqueue_indirect_dma source(%dma_start3A_13 : memref<10112x128xf32, #tpu.memory_space<hbm>>) target(%dma_start3A_7 : memref<128x128xf32, #tpu.memory_space<vmem>>) offsets(%dma_start3A_10 : memref<128xi32, #tpu.memory_space<vmem>>) semaphore(%arg11 : memref<!tpu.dma_semaphore, #tpu.memory_space<semaphore_mem>>)
    %scan3A = arith.constant 0 : i32
    %scan3A_14 = arith.constant 0 : i32
    %scan3A_15 = arith.constant 20 : i32
    %scan3A_16 = arith.addi %scan3A_14, %scan3A_15 : i32
    %scan3A_17 = arith.constant 1 : i32
    scf.for %scan3A_42 = %scan3A_14 to %scan3A_16 step %scan3A_17  : i32 {
      %mul3A_43 = arith.constant 2 : i32
      %mul3A_44 = arith.muli %scan3A_42, %mul3A_43 : i32
      %dma_wait3A = arith.constant 0 : i32
      %dma_wait3A_45 = arith.constant 0 : i32
      %dma_wait3A_46 = arith.constant 0 : i32
      %dma_wait3A_47 = tpu.memref_slice %arg9[%dma_wait3A, %dma_wait3A_45, %dma_wait3A_46] : memref<2x128x128xf32, #tpu.memory_space<vmem>> -> memref<1x128x128xf32, #tpu.memory_space<vmem>>
      %dma_wait3A_48 = tpu.memref_squeeze %dma_wait3A_47 : memref<1x128x128xf32, #tpu.memory_space<vmem>> -> memref<128x128xf32, #tpu.memory_space<vmem>>
      %dma_wait3A_49 = arith.constant 0 : i32
      %dma_wait3A_50 = tpu.memref_slice %arg7[%mul3A_44, %dma_wait3A_49] : memref<40x128xi32, #tpu.memory_space<vmem>> -> memref<1x128xi32, #tpu.memory_space<vmem>>
      %dma_wait3A_51 = tpu.memref_squeeze %dma_wait3A_50 : memref<1x128xi32, #tpu.memory_space<vmem>> -> memref<128xi32, #tpu.memory_space<vmem>>
      %dma_wait3A_52 = arith.constant 0 : i32
      %dma_wait3A_53 = arith.constant 0 : i32
      %dma_wait3A_54 = tpu.memref_slice %arg2[%dma_wait3A_52, %dma_wait3A_53] : memref<10112x128xf32, #tpu.memory_space<hbm>> -> memref<10112x128xf32, #tpu.memory_space<hbm>>
      tpu.wait_indirect_dma semaphore(%arg11 : memref<!tpu.dma_semaphore, #tpu.memory_space<semaphore_mem>>) src(%dma_wait3A_54 : memref<10112x128xf32, #tpu.memory_space<hbm>>) dst(%dma_wait3A_48 : memref<128x128xf32, #tpu.memory_space<vmem>>)
      %add3A_55 = arith.constant 1 : i32
      %add3A_56 = arith.addi %mul3A_44, %add3A_55 : i32
      %dma_start3A_57 = arith.constant 1 : i32
      %dma_start3A_58 = arith.constant 0 : i32
      %dma_start3A_59 = arith.constant 0 : i32
      %dma_start3A_60 = tpu.memref_slice %arg9[%dma_start3A_57, %dma_start3A_58, %dma_start3A_59] : memref<2x128x128xf32, #tpu.memory_space<vmem>> -> memref<1x128x128xf32, #tpu.memory_space<vmem>>
      %dma_start3A_61 = tpu.memref_squeeze %dma_start3A_60 : memref<1x128x128xf32, #tpu.memory_space<vmem>> -> memref<128x128xf32, #tpu.memory_space<vmem>>
      %dma_start3A_62 = arith.constant 0 : i32
      %dma_start3A_63 = tpu.memref_slice %arg7[%add3A_56, %dma_start3A_62] : memref<40x128xi32, #tpu.memory_space<vmem>> -> memref<1x128xi32, #tpu.memory_space<vmem>>
      %dma_start3A_64 = tpu.memref_squeeze %dma_start3A_63 : memref<1x128xi32, #tpu.memory_space<vmem>> -> memref<128xi32, #tpu.memory_space<vmem>>
      %dma_start3A_65 = arith.constant 0 : i32
      %dma_start3A_66 = arith.constant 0 : i32
      %dma_start3A_67 = tpu.memref_slice %arg2[%dma_start3A_65, %dma_start3A_66] : memref<10112x128xf32, #tpu.memory_space<hbm>> -> memref<10112x128xf32, #tpu.memory_space<hbm>>
      tpu.enqueue_indirect_dma source(%dma_start3A_67 : memref<10112x128xf32, #tpu.memory_space<hbm>>) target(%dma_start3A_61 : memref<128x128xf32, #tpu.memory_space<vmem>>) offsets(%dma_start3A_64 : memref<128xi32, #tpu.memory_space<vmem>>) semaphore(%arg11 : memref<!tpu.dma_semaphore, #tpu.memory_space<semaphore_mem>>)
      %run_scoped3A = arith.constant 0 : i32
      "tpu.region"() ({
        %run_scoped3A_88 = tpu.sem_alloc : memref<!tpu.dma_semaphore, #tpu.memory_space<semaphore_mem>>
        %dma_start3A_89 = arith.constant 0 : i32
        %dma_start3A_90 = arith.constant 0 : i32
        %dma_start3A_91 = tpu.memref_slice %arg9[%run_scoped3A, %dma_start3A_89, %dma_start3A_90] : memref<2x128x128xf32, #tpu.memory_space<vmem>> -> memref<1x128x128xf32, #tpu.memory_space<vmem>>
        %dma_start3A_92 = tpu.memref_squeeze %dma_start3A_91 : memref<1x128x128xf32, #tpu.memory_space<vmem>> -> memref<128x128xf32, #tpu.memory_space<vmem>>
        %dma_start3A_93 = arith.constant 0 : i32
        %dma_start3A_94 = tpu.memref_slice %arg8[%mul3A_44, %dma_start3A_93] : memref<40x128xi32, #tpu.memory_space<vmem>> -> memref<1x128xi32, #tpu.memory_space<vmem>>
        %dma_start3A_95 = tpu.memref_squeeze %dma_start3A_94 : memref<1x128xi32, #tpu.memory_space<vmem>> -> memref<128xi32, #tpu.memory_space<vmem>>
        %dma_start3A_96 = arith.constant 0 : i32
        %dma_start3A_97 = arith.constant 0 : i32
        %dma_start3A_98 = tpu.memref_slice %arg10[%dma_start3A_96, %dma_start3A_97] : memref<10112x128xf32, #tpu.memory_space<vmem_shared>> -> memref<10112x128xf32, #tpu.memory_space<vmem_shared>>
        tpu.enqueue_indirect_dma source(%dma_start3A_92 : memref<128x128xf32, #tpu.memory_space<vmem>>) target(%dma_start3A_98 : memref<10112x128xf32, #tpu.memory_space<vmem_shared>>) offsets(%dma_start3A_95 : memref<128xi32, #tpu.memory_space<vmem>>) semaphore(%run_scoped3A_88 : memref<!tpu.dma_semaphore, #tpu.memory_space<semaphore_mem>>) {add = true}
        %dma_wait3A_99 = arith.constant 0 : i32
        %dma_wait3A_100 = arith.constant 0 : i32
        %dma_wait3A_101 = tpu.memref_slice %arg9[%run_scoped3A, %dma_wait3A_99, %dma_wait3A_100] : memref<2x128x128xf32, #tpu.memory_space<vmem>> -> memref<1x128x128xf32, #tpu.memory_space<vmem>>
        %dma_wait3A_102 = tpu.memref_squeeze %dma_wait3A_101 : memref<1x128x128xf32, #tpu.memory_space<vmem>> -> memref<128x128xf32, #tpu.memory_space<vmem>>
        %dma_wait3A_103 = arith.constant 0 : i32
        %dma_wait3A_104 = tpu.memref_slice %arg8[%mul3A_44, %dma_wait3A_103] : memref<40x128xi32, #tpu.memory_space<vmem>> -> memref<1x128xi32, #tpu.memory_space<vmem>>
        %dma_wait3A_105 = tpu.memref_squeeze %dma_wait3A_104 : memref<1x128xi32, #tpu.memory_space<vmem>> -> memref<128xi32, #tpu.memory_space<vmem>>
        %dma_wait3A_106 = arith.constant 0 : i32
        %dma_wait3A_107 = arith.constant 0 : i32
        %dma_wait3A_108 = tpu.memref_slice %arg10[%dma_wait3A_106, %dma_wait3A_107] : memref<10112x128xf32, #tpu.memory_space<vmem_shared>> -> memref<10112x128xf32, #tpu.memory_space<vmem_shared>>
        tpu.wait_indirect_dma semaphore(%run_scoped3A_88 : memref<!tpu.dma_semaphore, #tpu.memory_space<semaphore_mem>>) src(%dma_wait3A_102 : memref<128x128xf32, #tpu.memory_space<vmem>>) dst(%dma_wait3A_108 : memref<10112x128xf32, #tpu.memory_space<vmem_shared>>)
        tpu.yield
      }) : () -> ()
      %add3A_68 = arith.constant 1 : i32
      %add3A_69 = arith.addi %mul3A_44, %add3A_68 : i32
      %dma_wait3A_70 = arith.constant 1 : i32
      %dma_wait3A_71 = arith.constant 0 : i32
      %dma_wait3A_72 = arith.constant 0 : i32
      %dma_wait3A_73 = tpu.memref_slice %arg9[%dma_wait3A_70, %dma_wait3A_71, %dma_wait3A_72] : memref<2x128x128xf32, #tpu.memory_space<vmem>> -> memref<1x128x128xf32, #tpu.memory_space<vmem>>
      %dma_wait3A_74 = tpu.memref_squeeze %dma_wait3A_73 : memref<1x128x128xf32, #tpu.memory_space<vmem>> -> memref<128x128xf32, #tpu.memory_space<vmem>>
      %dma_wait3A_75 = arith.constant 0 : i32
      %dma_wait3A_76 = tpu.memref_slice %arg7[%add3A_69, %dma_wait3A_75] : memref<40x128xi32, #tpu.memory_space<vmem>> -> memref<1x128xi32, #tpu.memory_space<vmem>>
      %dma_wait3A_77 = tpu.memref_squeeze %dma_wait3A_76 : memref<1x128xi32, #tpu.memory_space<vmem>> -> memref<128xi32, #tpu.memory_space<vmem>>
      %dma_wait3A_78 = arith.constant 0 : i32
      %dma_wait3A_79 = arith.constant 0 : i32
      %dma_wait3A_80 = tpu.memref_slice %arg2[%dma_wait3A_78, %dma_wait3A_79] : memref<10112x128xf32, #tpu.memory_space<hbm>> -> memref<10112x128xf32, #tpu.memory_space<hbm>>
      tpu.wait_indirect_dma semaphore(%arg11 : memref<!tpu.dma_semaphore, #tpu.memory_space<semaphore_mem>>) src(%dma_wait3A_80 : memref<10112x128xf32, #tpu.memory_space<hbm>>) dst(%dma_wait3A_74 : memref<128x128xf32, #tpu.memory_space<vmem>>)
      %add3A_81 = arith.constant 2 : i32
      %add3A_82 = arith.addi %mul3A_44, %add3A_81 : i32
      %lt3A = arith.constant 40 : i32
      %lt3A_83 = arith.cmpi slt, %add3A_82, %lt3A : i32
      %convert_element_type3A = arith.extui %lt3A_83 : i1 to i32
      %cond3A = arith.constant 0 : i32
      %cond3A_84 = arith.cmpi ne, %convert_element_type3A, %cond3A : i32
      scf.if %cond3A_84 {
        %add3A_88 = arith.constant 2 : i32
        %add3A_89 = arith.addi %mul3A_44, %add3A_88 : i32
        %dma_start3A_90 = arith.constant 0 : i32
        %dma_start3A_91 = arith.constant 0 : i32
        %dma_start3A_92 = arith.constant 0 : i32
        %dma_start3A_93 = tpu.memref_slice %arg9[%dma_start3A_90, %dma_start3A_91, %dma_start3A_92] : memref<2x128x128xf32, #tpu.memory_space<vmem>> -> memref<1x128x128xf32, #tpu.memory_space<vmem>>
        %dma_start3A_94 = tpu.memref_squeeze %dma_start3A_93 : memref<1x128x128xf32, #tpu.memory_space<vmem>> -> memref<128x128xf32, #tpu.memory_space<vmem>>
        %dma_start3A_95 = arith.constant 0 : i32
        %dma_start3A_96 = tpu.memref_slice %arg7[%add3A_89, %dma_start3A_95] : memref<40x128xi32, #tpu.memory_space<vmem>> -> memref<1x128xi32, #tpu.memory_space<vmem>>
        %dma_start3A_97 = tpu.memref_squeeze %dma_start3A_96 : memref<1x128xi32, #tpu.memory_space<vmem>> -> memref<128xi32, #tpu.memory_space<vmem>>
        %dma_start3A_98 = arith.constant 0 : i32
        %dma_start3A_99 = arith.constant 0 : i32
        %dma_start3A_100 = tpu.memref_slice %arg2[%dma_start3A_98, %dma_start3A_99] : memref<10112x128xf32, #tpu.memory_space<hbm>> -> memref<10112x128xf32, #tpu.memory_space<hbm>>
        tpu.enqueue_indirect_dma source(%dma_start3A_100 : memref<10112x128xf32, #tpu.memory_space<hbm>>) target(%dma_start3A_94 : memref<128x128xf32, #tpu.memory_space<vmem>>) offsets(%dma_start3A_97 : memref<128xi32, #tpu.memory_space<vmem>>) semaphore(%arg11 : memref<!tpu.dma_semaphore, #tpu.memory_space<semaphore_mem>>)
      } else {
      }
      %add3A_85 = arith.constant 1 : i32
      %add3A_86 = arith.addi %mul3A_44, %add3A_85 : i32
      %run_scoped3A_87 = arith.constant 1 : i32
      "tpu.region"() ({
        %run_scoped3A_88 = tpu.sem_alloc : memref<!tpu.dma_semaphore, #tpu.memory_space<semaphore_mem>>
        %dma_start3A_89 = arith.constant 0 : i32
        %dma_start3A_90 = arith.constant 0 : i32
        %dma_start3A_91 = tpu.memref_slice %arg9[%run_scoped3A_87, %dma_start3A_89, %dma_start3A_90] : memref<2x128x128xf32, #tpu.memory_space<vmem>> -> memref<1x128x128xf32, #tpu.memory_space<vmem>>
        %dma_start3A_92 = tpu.memref_squeeze %dma_start3A_91 : memref<1x128x128xf32, #tpu.memory_space<vmem>> -> memref<128x128xf32, #tpu.memory_space<vmem>>
        %dma_start3A_93 = arith.constant 0 : i32
        %dma_start3A_94 = tpu.memref_slice %arg8[%add3A_86, %dma_start3A_93] : memref<40x128xi32, #tpu.memory_space<vmem>> -> memref<1x128xi32, #tpu.memory_space<vmem>>
        %dma_start3A_95 = tpu.memref_squeeze %dma_start3A_94 : memref<1x128xi32, #tpu.memory_space<vmem>> -> memref<128xi32, #tpu.memory_space<vmem>>
        %dma_start3A_96 = arith.constant 0 : i32
        %dma_start3A_97 = arith.constant 0 : i32
        %dma_start3A_98 = tpu.memref_slice %arg10[%dma_start3A_96, %dma_start3A_97] : memref<10112x128xf32, #tpu.memory_space<vmem_shared>> -> memref<10112x128xf32, #tpu.memory_space<vmem_shared>>
        tpu.enqueue_indirect_dma source(%dma_start3A_92 : memref<128x128xf32, #tpu.memory_space<vmem>>) target(%dma_start3A_98 : memref<10112x128xf32, #tpu.memory_space<vmem_shared>>) offsets(%dma_start3A_95 : memref<128xi32, #tpu.memory_space<vmem>>) semaphore(%run_scoped3A_88 : memref<!tpu.dma_semaphore, #tpu.memory_space<semaphore_mem>>) {add = true}
        %dma_wait3A_99 = arith.constant 0 : i32
        %dma_wait3A_100 = arith.constant 0 : i32
        %dma_wait3A_101 = tpu.memref_slice %arg9[%run_scoped3A_87, %dma_wait3A_99, %dma_wait3A_100] : memref<2x128x128xf32, #tpu.memory_space<vmem>> -> memref<1x128x128xf32, #tpu.memory_space<vmem>>
        %dma_wait3A_102 = tpu.memref_squeeze %dma_wait3A_101 : memref<1x128x128xf32, #tpu.memory_space<vmem>> -> memref<128x128xf32, #tpu.memory_space<vmem>>
        %dma_wait3A_103 = arith.constant 0 : i32
        %dma_wait3A_104 = tpu.memref_slice %arg8[%add3A_86, %dma_wait3A_103] : memref<40x128xi32, #tpu.memory_space<vmem>> -> memref<1x128xi32, #tpu.memory_space<vmem>>
        %dma_wait3A_105 = tpu.memref_squeeze %dma_wait3A_104 : memref<1x128xi32, #tpu.memory_space<vmem>> -> memref<128xi32, #tpu.memory_space<vmem>>
        %dma_wait3A_106 = arith.constant 0 : i32
        %dma_wait3A_107 = arith.constant 0 : i32
        %dma_wait3A_108 = tpu.memref_slice %arg10[%dma_wait3A_106, %dma_wait3A_107] : memref<10112x128xf32, #tpu.memory_space<vmem_shared>> -> memref<10112x128xf32, #tpu.memory_space<vmem_shared>>
        tpu.wait_indirect_dma semaphore(%run_scoped3A_88 : memref<!tpu.dma_semaphore, #tpu.memory_space<semaphore_mem>>) src(%dma_wait3A_102 : memref<128x128xf32, #tpu.memory_space<vmem>>) dst(%dma_wait3A_108 : memref<10112x128xf32, #tpu.memory_space<vmem_shared>>)
        tpu.yield
      }) : () -> ()
    }
    %scan3A_18 = arith.constant 20 : i32
    "tpu.region"() ({
      %run_scoped3A = tpu.sem_alloc : memref<!tpu.dma_semaphore, #tpu.memory_space<semaphore_mem>>
      %dma_start3A_42 = arith.constant 40 : i32
      %dma_start3A_43 = arith.constant 0 : i32
      %dma_start3A_44 = tpu.memref_slice %arg3[%add3A, %dma_start3A_42, %dma_start3A_43] : memref<32x80x128xi32, #tpu.memory_space<hbm>> -> memref<1x40x128xi32, #tpu.memory_space<hbm>>
      %dma_start3A_45 = tpu.memref_squeeze %dma_start3A_44 : memref<1x40x128xi32, #tpu.memory_space<hbm>> -> memref<40x128xi32, #tpu.memory_space<hbm>>
      %dma_start3A_46 = arith.constant 40 : i32
      %dma_start3A_47 = arith.constant 0 : i32
      %dma_start3A_48 = tpu.memref_slice %arg3[%add3A, %dma_start3A_46, %dma_start3A_47] : memref<32x80x128xi32, #tpu.memory_space<hbm>> -> memref<1x40x128xi32, #tpu.memory_space<hbm>>
      %dma_start3A_49 = tpu.memref_squeeze %dma_start3A_48 : memref<1x40x128xi32, #tpu.memory_space<hbm>> -> memref<40x128xi32, #tpu.memory_space<hbm>>
      tpu.enqueue_dma source(%dma_start3A_49 : memref<40x128xi32, #tpu.memory_space<hbm>>) target(%arg7 : memref<40x128xi32, #tpu.memory_space<vmem>>) target_semaphore(%run_scoped3A : memref<!tpu.dma_semaphore, #tpu.memory_space<semaphore_mem>>)
      %dma_wait3A = arith.constant 40 : i32
      %dma_wait3A_50 = arith.constant 0 : i32
      %dma_wait3A_51 = tpu.memref_slice %arg3[%add3A, %dma_wait3A, %dma_wait3A_50] : memref<32x80x128xi32, #tpu.memory_space<hbm>> -> memref<1x40x128xi32, #tpu.memory_space<hbm>>
      %dma_wait3A_52 = tpu.memref_squeeze %dma_wait3A_51 : memref<1x40x128xi32, #tpu.memory_space<hbm>> -> memref<40x128xi32, #tpu.memory_space<hbm>>
      %dma_wait3A_53 = arith.constant 40 : i32
      %dma_wait3A_54 = arith.constant 0 : i32
      %dma_wait3A_55 = tpu.memref_slice %arg3[%add3A, %dma_wait3A_53, %dma_wait3A_54] : memref<32x80x128xi32, #tpu.memory_space<hbm>> -> memref<1x40x128xi32, #tpu.memory_space<hbm>>
      %dma_wait3A_56 = tpu.memref_squeeze %dma_wait3A_55 : memref<1x40x128xi32, #tpu.memory_space<hbm>> -> memref<40x128xi32, #tpu.memory_space<hbm>>
      tpu.wait_dma2 semaphore(%run_scoped3A : memref<!tpu.dma_semaphore, #tpu.memory_space<semaphore_mem>>) src(%dma_wait3A_56 : memref<40x128xi32, #tpu.memory_space<hbm>>) dst(%arg7 : memref<40x128xi32, #tpu.memory_space<vmem>>)
      tpu.yield
    }) : () -> ()
    "tpu.region"() ({
      %run_scoped3A = tpu.sem_alloc : memref<!tpu.dma_semaphore, #tpu.memory_space<semaphore_mem>>
      %dma_start3A_42 = arith.constant 40 : i32
      %dma_start3A_43 = arith.constant 0 : i32
      %dma_start3A_44 = tpu.memref_slice %arg4[%add3A, %dma_start3A_42, %dma_start3A_43] : memref<32x80x128xi32, #tpu.memory_space<hbm>> -> memref<1x40x128xi32, #tpu.memory_space<hbm>>
      %dma_start3A_45 = tpu.memref_squeeze %dma_start3A_44 : memref<1x40x128xi32, #tpu.memory_space<hbm>> -> memref<40x128xi32, #tpu.memory_space<hbm>>
      %dma_start3A_46 = arith.constant 40 : i32
      %dma_start3A_47 = arith.constant 0 : i32
      %dma_start3A_48 = tpu.memref_slice %arg4[%add3A, %dma_start3A_46, %dma_start3A_47] : memref<32x80x128xi32, #tpu.memory_space<hbm>> -> memref<1x40x128xi32, #tpu.memory_space<hbm>>
      %dma_start3A_49 = tpu.memref_squeeze %dma_start3A_48 : memref<1x40x128xi32, #tpu.memory_space<hbm>> -> memref<40x128xi32, #tpu.memory_space<hbm>>
      tpu.enqueue_dma source(%dma_start3A_49 : memref<40x128xi32, #tpu.memory_space<hbm>>) target(%arg8 : memref<40x128xi32, #tpu.memory_space<vmem>>) target_semaphore(%run_scoped3A : memref<!tpu.dma_semaphore, #tpu.memory_space<semaphore_mem>>)
      %dma_wait3A = arith.constant 40 : i32
      %dma_wait3A_50 = arith.constant 0 : i32
      %dma_wait3A_51 = tpu.memref_slice %arg4[%add3A, %dma_wait3A, %dma_wait3A_50] : memref<32x80x128xi32, #tpu.memory_space<hbm>> -> memref<1x40x128xi32, #tpu.memory_space<hbm>>
      %dma_wait3A_52 = tpu.memref_squeeze %dma_wait3A_51 : memref<1x40x128xi32, #tpu.memory_space<hbm>> -> memref<40x128xi32, #tpu.memory_space<hbm>>
      %dma_wait3A_53 = arith.constant 40 : i32
      %dma_wait3A_54 = arith.constant 0 : i32
      %dma_wait3A_55 = tpu.memref_slice %arg4[%add3A, %dma_wait3A_53, %dma_wait3A_54] : memref<32x80x128xi32, #tpu.memory_space<hbm>> -> memref<1x40x128xi32, #tpu.memory_space<hbm>>
      %dma_wait3A_56 = tpu.memref_squeeze %dma_wait3A_55 : memref<1x40x128xi32, #tpu.memory_space<hbm>> -> memref<40x128xi32, #tpu.memory_space<hbm>>
      tpu.wait_dma2 semaphore(%run_scoped3A : memref<!tpu.dma_semaphore, #tpu.memory_space<semaphore_mem>>) src(%dma_wait3A_56 : memref<40x128xi32, #tpu.memory_space<hbm>>) dst(%arg8 : memref<40x128xi32, #tpu.memory_space<vmem>>)
      tpu.yield
    }) : () -> ()
    %dma_start3A_19 = arith.constant 0 : i32
    %dma_start3A_20 = arith.constant 0 : i32
    %dma_start3A_21 = arith.constant 0 : i32
    %dma_start3A_22 = arith.constant 0 : i32
    %dma_start3A_23 = tpu.memref_slice %arg9[%dma_start3A_20, %dma_start3A_21, %dma_start3A_22] : memref<2x128x128xf32, #tpu.memory_space<vmem>> -> memref<1x128x128xf32, #tpu.memory_space<vmem>>
    %dma_start3A_24 = tpu.memref_squeeze %dma_start3A_23 : memref<1x128x128xf32, #tpu.memory_space<vmem>> -> memref<128x128xf32, #tpu.memory_space<vmem>>
    %dma_start3A_25 = arith.constant 0 : i32
    %dma_start3A_26 = tpu.memref_slice %arg7[%dma_start3A_19, %dma_start3A_25] : memref<40x128xi32, #tpu.memory_space<vmem>> -> memref<1x128xi32, #tpu.memory_space<vmem>>
    %dma_start3A_27 = tpu.memref_squeeze %dma_start3A_26 : memref<1x128xi32, #tpu.memory_space<vmem>> -> memref<128xi32, #tpu.memory_space<vmem>>
    %dma_start3A_28 = arith.constant 0 : i32
    %dma_start3A_29 = arith.constant 0 : i32
    %dma_start3A_30 = tpu.memref_slice %arg2[%dma_start3A_28, %dma_start3A_29] : memref<10112x128xf32, #tpu.memory_space<hbm>> -> memref<10112x128xf32, #tpu.memory_space<hbm>>
    tpu.enqueue_indirect_dma source(%dma_start3A_30 : memref<10112x128xf32, #tpu.memory_space<hbm>>) target(%dma_start3A_24 : memref<128x128xf32, #tpu.memory_space<vmem>>) offsets(%dma_start3A_27 : memref<128xi32, #tpu.memory_space<vmem>>) semaphore(%arg11 : memref<!tpu.dma_semaphore, #tpu.memory_space<semaphore_mem>>)
    %scan3A_31 = arith.constant 0 : i32
    %scan3A_32 = arith.constant 0 : i32
    %scan3A_33 = arith.constant 20 : i32
    %scan3A_34 = arith.addi %scan3A_32, %scan3A_33 : i32
    %scan3A_35 = arith.constant 1 : i32
    scf.for %scan3A_42 = %scan3A_32 to %scan3A_34 step %scan3A_35  : i32 {
      %mul3A_43 = arith.constant 2 : i32
      %mul3A_44 = arith.muli %scan3A_42, %mul3A_43 : i32
      %dma_wait3A = arith.constant 0 : i32
      %dma_wait3A_45 = arith.constant 0 : i32
      %dma_wait3A_46 = arith.constant 0 : i32
      %dma_wait3A_47 = tpu.memref_slice %arg9[%dma_wait3A, %dma_wait3A_45, %dma_wait3A_46] : memref<2x128x128xf32, #tpu.memory_space<vmem>> -> memref<1x128x128xf32, #tpu.memory_space<vmem>>
      %dma_wait3A_48 = tpu.memref_squeeze %dma_wait3A_47 : memref<1x128x128xf32, #tpu.memory_space<vmem>> -> memref<128x128xf32, #tpu.memory_space<vmem>>
      %dma_wait3A_49 = arith.constant 0 : i32
      %dma_wait3A_50 = tpu.memref_slice %arg7[%mul3A_44, %dma_wait3A_49] : memref<40x128xi32, #tpu.memory_space<vmem>> -> memref<1x128xi32, #tpu.memory_space<vmem>>
      %dma_wait3A_51 = tpu.memref_squeeze %dma_wait3A_50 : memref<1x128xi32, #tpu.memory_space<vmem>> -> memref<128xi32, #tpu.memory_space<vmem>>
      %dma_wait3A_52 = arith.constant 0 : i32
      %dma_wait3A_53 = arith.constant 0 : i32
      %dma_wait3A_54 = tpu.memref_slice %arg2[%dma_wait3A_52, %dma_wait3A_53] : memref<10112x128xf32, #tpu.memory_space<hbm>> -> memref<10112x128xf32, #tpu.memory_space<hbm>>
      tpu.wait_indirect_dma semaphore(%arg11 : memref<!tpu.dma_semaphore, #tpu.memory_space<semaphore_mem>>) src(%dma_wait3A_54 : memref<10112x128xf32, #tpu.memory_space<hbm>>) dst(%dma_wait3A_48 : memref<128x128xf32, #tpu.memory_space<vmem>>)
      %add3A_55 = arith.constant 1 : i32
      %add3A_56 = arith.addi %mul3A_44, %add3A_55 : i32
      %dma_start3A_57 = arith.constant 1 : i32
      %dma_start3A_58 = arith.constant 0 : i32
      %dma_start3A_59 = arith.constant 0 : i32
      %dma_start3A_60 = tpu.memref_slice %arg9[%dma_start3A_57, %dma_start3A_58, %dma_start3A_59] : memref<2x128x128xf32, #tpu.memory_space<vmem>> -> memref<1x128x128xf32, #tpu.memory_space<vmem>>
      %dma_start3A_61 = tpu.memref_squeeze %dma_start3A_60 : memref<1x128x128xf32, #tpu.memory_space<vmem>> -> memref<128x128xf32, #tpu.memory_space<vmem>>
      %dma_start3A_62 = arith.constant 0 : i32
      %dma_start3A_63 = tpu.memref_slice %arg7[%add3A_56, %dma_start3A_62] : memref<40x128xi32, #tpu.memory_space<vmem>> -> memref<1x128xi32, #tpu.memory_space<vmem>>
      %dma_start3A_64 = tpu.memref_squeeze %dma_start3A_63 : memref<1x128xi32, #tpu.memory_space<vmem>> -> memref<128xi32, #tpu.memory_space<vmem>>
      %dma_start3A_65 = arith.constant 0 : i32
      %dma_start3A_66 = arith.constant 0 : i32
      %dma_start3A_67 = tpu.memref_slice %arg2[%dma_start3A_65, %dma_start3A_66] : memref<10112x128xf32, #tpu.memory_space<hbm>> -> memref<10112x128xf32, #tpu.memory_space<hbm>>
      tpu.enqueue_indirect_dma source(%dma_start3A_67 : memref<10112x128xf32, #tpu.memory_space<hbm>>) target(%dma_start3A_61 : memref<128x128xf32, #tpu.memory_space<vmem>>) offsets(%dma_start3A_64 : memref<128xi32, #tpu.memory_space<vmem>>) semaphore(%arg11 : memref<!tpu.dma_semaphore, #tpu.memory_space<semaphore_mem>>)
      %run_scoped3A = arith.constant 0 : i32
      "tpu.region"() ({
        %run_scoped3A_88 = tpu.sem_alloc : memref<!tpu.dma_semaphore, #tpu.memory_space<semaphore_mem>>
        %dma_start3A_89 = arith.constant 0 : i32
        %dma_start3A_90 = arith.constant 0 : i32
        %dma_start3A_91 = tpu.memref_slice %arg9[%run_scoped3A, %dma_start3A_89, %dma_start3A_90] : memref<2x128x128xf32, #tpu.memory_space<vmem>> -> memref<1x128x128xf32, #tpu.memory_space<vmem>>
        %dma_start3A_92 = tpu.memref_squeeze %dma_start3A_91 : memref<1x128x128xf32, #tpu.memory_space<vmem>> -> memref<128x128xf32, #tpu.memory_space<vmem>>
        %dma_start3A_93 = arith.constant 0 : i32
        %dma_start3A_94 = tpu.memref_slice %arg8[%mul3A_44, %dma_start3A_93] : memref<40x128xi32, #tpu.memory_space<vmem>> -> memref<1x128xi32, #tpu.memory_space<vmem>>
        %dma_start3A_95 = tpu.memref_squeeze %dma_start3A_94 : memref<1x128xi32, #tpu.memory_space<vmem>> -> memref<128xi32, #tpu.memory_space<vmem>>
        %dma_start3A_96 = arith.constant 0 : i32
        %dma_start3A_97 = arith.constant 0 : i32
        %dma_start3A_98 = tpu.memref_slice %arg10[%dma_start3A_96, %dma_start3A_97] : memref<10112x128xf32, #tpu.memory_space<vmem_shared>> -> memref<10112x128xf32, #tpu.memory_space<vmem_shared>>
        tpu.enqueue_indirect_dma source(%dma_start3A_92 : memref<128x128xf32, #tpu.memory_space<vmem>>) target(%dma_start3A_98 : memref<10112x128xf32, #tpu.memory_space<vmem_shared>>) offsets(%dma_start3A_95 : memref<128xi32, #tpu.memory_space<vmem>>) semaphore(%run_scoped3A_88 : memref<!tpu.dma_semaphore, #tpu.memory_space<semaphore_mem>>) {add = true}
        %dma_wait3A_99 = arith.constant 0 : i32
        %dma_wait3A_100 = arith.constant 0 : i32
        %dma_wait3A_101 = tpu.memref_slice %arg9[%run_scoped3A, %dma_wait3A_99, %dma_wait3A_100] : memref<2x128x128xf32, #tpu.memory_space<vmem>> -> memref<1x128x128xf32, #tpu.memory_space<vmem>>
        %dma_wait3A_102 = tpu.memref_squeeze %dma_wait3A_101 : memref<1x128x128xf32, #tpu.memory_space<vmem>> -> memref<128x128xf32, #tpu.memory_space<vmem>>
        %dma_wait3A_103 = arith.constant 0 : i32
        %dma_wait3A_104 = tpu.memref_slice %arg8[%mul3A_44, %dma_wait3A_103] : memref<40x128xi32, #tpu.memory_space<vmem>> -> memref<1x128xi32, #tpu.memory_space<vmem>>
        %dma_wait3A_105 = tpu.memref_squeeze %dma_wait3A_104 : memref<1x128xi32, #tpu.memory_space<vmem>> -> memref<128xi32, #tpu.memory_space<vmem>>
        %dma_wait3A_106 = arith.constant 0 : i32
        %dma_wait3A_107 = arith.constant 0 : i32
        %dma_wait3A_108 = tpu.memref_slice %arg10[%dma_wait3A_106, %dma_wait3A_107] : memref<10112x128xf32, #tpu.memory_space<vmem_shared>> -> memref<10112x128xf32, #tpu.memory_space<vmem_shared>>
        tpu.wait_indirect_dma semaphore(%run_scoped3A_88 : memref<!tpu.dma_semaphore, #tpu.memory_space<semaphore_mem>>) src(%dma_wait3A_102 : memref<128x128xf32, #tpu.memory_space<vmem>>) dst(%dma_wait3A_108 : memref<10112x128xf32, #tpu.memory_space<vmem_shared>>)
        tpu.yield
      }) : () -> ()
      %add3A_68 = arith.constant 1 : i32
      %add3A_69 = arith.addi %mul3A_44, %add3A_68 : i32
      %dma_wait3A_70 = arith.constant 1 : i32
      %dma_wait3A_71 = arith.constant 0 : i32
      %dma_wait3A_72 = arith.constant 0 : i32
      %dma_wait3A_73 = tpu.memref_slice %arg9[%dma_wait3A_70, %dma_wait3A_71, %dma_wait3A_72] : memref<2x128x128xf32, #tpu.memory_space<vmem>> -> memref<1x128x128xf32, #tpu.memory_space<vmem>>
      %dma_wait3A_74 = tpu.memref_squeeze %dma_wait3A_73 : memref<1x128x128xf32, #tpu.memory_space<vmem>> -> memref<128x128xf32, #tpu.memory_space<vmem>>
      %dma_wait3A_75 = arith.constant 0 : i32
      %dma_wait3A_76 = tpu.memref_slice %arg7[%add3A_69, %dma_wait3A_75] : memref<40x128xi32, #tpu.memory_space<vmem>> -> memref<1x128xi32, #tpu.memory_space<vmem>>
      %dma_wait3A_77 = tpu.memref_squeeze %dma_wait3A_76 : memref<1x128xi32, #tpu.memory_space<vmem>> -> memref<128xi32, #tpu.memory_space<vmem>>
      %dma_wait3A_78 = arith.constant 0 : i32
      %dma_wait3A_79 = arith.constant 0 : i32
      %dma_wait3A_80 = tpu.memref_slice %arg2[%dma_wait3A_78, %dma_wait3A_79] : memref<10112x128xf32, #tpu.memory_space<hbm>> -> memref<10112x128xf32, #tpu.memory_space<hbm>>
      tpu.wait_indirect_dma semaphore(%arg11 : memref<!tpu.dma_semaphore, #tpu.memory_space<semaphore_mem>>) src(%dma_wait3A_80 : memref<10112x128xf32, #tpu.memory_space<hbm>>) dst(%dma_wait3A_74 : memref<128x128xf32, #tpu.memory_space<vmem>>)
      %add3A_81 = arith.constant 2 : i32
      %add3A_82 = arith.addi %mul3A_44, %add3A_81 : i32
      %lt3A = arith.constant 40 : i32
      %lt3A_83 = arith.cmpi slt, %add3A_82, %lt3A : i32
      %convert_element_type3A = arith.extui %lt3A_83 : i1 to i32
      %cond3A = arith.constant 0 : i32
      %cond3A_84 = arith.cmpi ne, %convert_element_type3A, %cond3A : i32
      scf.if %cond3A_84 {
        %add3A_88 = arith.constant 2 : i32
        %add3A_89 = arith.addi %mul3A_44, %add3A_88 : i32
        %dma_start3A_90 = arith.constant 0 : i32
        %dma_start3A_91 = arith.constant 0 : i32
        %dma_start3A_92 = arith.constant 0 : i32
        %dma_start3A_93 = tpu.memref_slice %arg9[%dma_start3A_90, %dma_start3A_91, %dma_start3A_92] : memref<2x128x128xf32, #tpu.memory_space<vmem>> -> memref<1x128x128xf32, #tpu.memory_space<vmem>>
        %dma_start3A_94 = tpu.memref_squeeze %dma_start3A_93 : memref<1x128x128xf32, #tpu.memory_space<vmem>> -> memref<128x128xf32, #tpu.memory_space<vmem>>
        %dma_start3A_95 = arith.constant 0 : i32
        %dma_start3A_96 = tpu.memref_slice %arg7[%add3A_89, %dma_start3A_95] : memref<40x128xi32, #tpu.memory_space<vmem>> -> memref<1x128xi32, #tpu.memory_space<vmem>>
        %dma_start3A_97 = tpu.memref_squeeze %dma_start3A_96 : memref<1x128xi32, #tpu.memory_space<vmem>> -> memref<128xi32, #tpu.memory_space<vmem>>
        %dma_start3A_98 = arith.constant 0 : i32
        %dma_start3A_99 = arith.constant 0 : i32
        %dma_start3A_100 = tpu.memref_slice %arg2[%dma_start3A_98, %dma_start3A_99] : memref<10112x128xf32, #tpu.memory_space<hbm>> -> memref<10112x128xf32, #tpu.memory_space<hbm>>
        tpu.enqueue_indirect_dma source(%dma_start3A_100 : memref<10112x128xf32, #tpu.memory_space<hbm>>) target(%dma_start3A_94 : memref<128x128xf32, #tpu.memory_space<vmem>>) offsets(%dma_start3A_97 : memref<128xi32, #tpu.memory_space<vmem>>) semaphore(%arg11 : memref<!tpu.dma_semaphore, #tpu.memory_space<semaphore_mem>>)
      } else {
      }
      %add3A_85 = arith.constant 1 : i32
      %add3A_86 = arith.addi %mul3A_44, %add3A_85 : i32
      %run_scoped3A_87 = arith.constant 1 : i32
      "tpu.region"() ({
        %run_scoped3A_88 = tpu.sem_alloc : memref<!tpu.dma_semaphore, #tpu.memory_space<semaphore_mem>>
        %dma_start3A_89 = arith.constant 0 : i32
        %dma_start3A_90 = arith.constant 0 : i32
        %dma_start3A_91 = tpu.memref_slice %arg9[%run_scoped3A_87, %dma_start3A_89, %dma_start3A_90] : memref<2x128x128xf32, #tpu.memory_space<vmem>> -> memref<1x128x128xf32, #tpu.memory_space<vmem>>
        %dma_start3A_92 = tpu.memref_squeeze %dma_start3A_91 : memref<1x128x128xf32, #tpu.memory_space<vmem>> -> memref<128x128xf32, #tpu.memory_space<vmem>>
        %dma_start3A_93 = arith.constant 0 : i32
        %dma_start3A_94 = tpu.memref_slice %arg8[%add3A_86, %dma_start3A_93] : memref<40x128xi32, #tpu.memory_space<vmem>> -> memref<1x128xi32, #tpu.memory_space<vmem>>
        %dma_start3A_95 = tpu.memref_squeeze %dma_start3A_94 : memref<1x128xi32, #tpu.memory_space<vmem>> -> memref<128xi32, #tpu.memory_space<vmem>>
        %dma_start3A_96 = arith.constant 0 : i32
        %dma_start3A_97 = arith.constant 0 : i32
        %dma_start3A_98 = tpu.memref_slice %arg10[%dma_start3A_96, %dma_start3A_97] : memref<10112x128xf32, #tpu.memory_space<vmem_shared>> -> memref<10112x128xf32, #tpu.memory_space<vmem_shared>>
        tpu.enqueue_indirect_dma source(%dma_start3A_92 : memref<128x128xf32, #tpu.memory_space<vmem>>) target(%dma_start3A_98 : memref<10112x128xf32, #tpu.memory_space<vmem_shared>>) offsets(%dma_start3A_95 : memref<128xi32, #tpu.memory_space<vmem>>) semaphore(%run_scoped3A_88 : memref<!tpu.dma_semaphore, #tpu.memory_space<semaphore_mem>>) {add = true}
        %dma_wait3A_99 = arith.constant 0 : i32
        %dma_wait3A_100 = arith.constant 0 : i32
        %dma_wait3A_101 = tpu.memref_slice %arg9[%run_scoped3A_87, %dma_wait3A_99, %dma_wait3A_100] : memref<2x128x128xf32, #tpu.memory_space<vmem>> -> memref<1x128x128xf32, #tpu.memory_space<vmem>>
        %dma_wait3A_102 = tpu.memref_squeeze %dma_wait3A_101 : memref<1x128x128xf32, #tpu.memory_space<vmem>> -> memref<128x128xf32, #tpu.memory_space<vmem>>
        %dma_wait3A_103 = arith.constant 0 : i32
        %dma_wait3A_104 = tpu.memref_slice %arg8[%add3A_86, %dma_wait3A_103] : memref<40x128xi32, #tpu.memory_space<vmem>> -> memref<1x128xi32, #tpu.memory_space<vmem>>
        %dma_wait3A_105 = tpu.memref_squeeze %dma_wait3A_104 : memref<1x128xi32, #tpu.memory_space<vmem>> -> memref<128xi32, #tpu.memory_space<vmem>>
        %dma_wait3A_106 = arith.constant 0 : i32
        %dma_wait3A_107 = arith.constant 0 : i32
        %dma_wait3A_108 = tpu.memref_slice %arg10[%dma_wait3A_106, %dma_wait3A_107] : memref<10112x128xf32, #tpu.memory_space<vmem_shared>> -> memref<10112x128xf32, #tpu.memory_space<vmem_shared>>
        tpu.wait_indirect_dma semaphore(%run_scoped3A_88 : memref<!tpu.dma_semaphore, #tpu.memory_space<semaphore_mem>>) src(%dma_wait3A_102 : memref<128x128xf32, #tpu.memory_space<vmem>>) dst(%dma_wait3A_108 : memref<10112x128xf32, #tpu.memory_space<vmem_shared>>)
        tpu.yield
      }) : () -> ()
    }
    %scan3A_36 = arith.constant 20 : i32
    %barrier3A_37 = arith.constant 0 : index
    tpu.barrier barrier_id(%barrier3A_37)
    %mul3A_38 = arith.constant 632 : i32
    %mul3A_39 = arith.muli %arg1, %mul3A_38 : i32
    %mul3A_40 = arith.constant 632 : i32
    %mul3A_41 = arith.muli %arg1, %mul3A_40 : i32
    "tpu.region"() ({
      %run_scoped3A = tpu.sem_alloc : memref<!tpu.dma_semaphore, #tpu.memory_space<semaphore_mem>>
      %dma_start3A_42 = arith.constant 0 : i32
      %dma_start3A_43 = tpu.memref_slice %arg6[%arg0, %mul3A_41, %dma_start3A_42] : memref<2x10112x128xf32, #tpu.memory_space<hbm>> -> memref<1x632x128xf32, #tpu.memory_space<hbm>>
      %dma_start3A_44 = tpu.memref_squeeze %dma_start3A_43 : memref<1x632x128xf32, #tpu.memory_space<hbm>> -> memref<632x128xf32, #tpu.memory_space<hbm>>
      %dma_start3A_45 = arith.constant 0 : i32
      %dma_start3A_46 = tpu.memref_slice %arg10[%mul3A_39, %dma_start3A_45] : memref<10112x128xf32, #tpu.memory_space<vmem_shared>> -> memref<632x128xf32, #tpu.memory_space<vmem_shared>>
      tpu.enqueue_dma source(%dma_start3A_46 : memref<632x128xf32, #tpu.memory_space<vmem_shared>>) target(%dma_start3A_44 : memref<632x128xf32, #tpu.memory_space<hbm>>) target_semaphore(%run_scoped3A : memref<!tpu.dma_semaphore, #tpu.memory_space<semaphore_mem>>)
      %dma_wait3A = arith.constant 0 : i32
      %dma_wait3A_47 = tpu.memref_slice %arg6[%arg0, %mul3A_41, %dma_wait3A] : memref<2x10112x128xf32, #tpu.memory_space<hbm>> -> memref<1x632x128xf32, #tpu.memory_space<hbm>>
      %dma_wait3A_48 = tpu.memref_squeeze %dma_wait3A_47 : memref<1x632x128xf32, #tpu.memory_space<hbm>> -> memref<632x128xf32, #tpu.memory_space<hbm>>
      %dma_wait3A_49 = arith.constant 0 : i32
      %dma_wait3A_50 = tpu.memref_slice %arg10[%mul3A_39, %dma_wait3A_49] : memref<10112x128xf32, #tpu.memory_space<vmem_shared>> -> memref<632x128xf32, #tpu.memory_space<vmem_shared>>
      tpu.wait_dma2 semaphore(%run_scoped3A : memref<!tpu.dma_semaphore, #tpu.memory_space<semaphore_mem>>) src(%dma_wait3A_50 : memref<632x128xf32, #tpu.memory_space<vmem_shared>>) dst(%dma_wait3A_48 : memref<632x128xf32, #tpu.memory_space<hbm>>)
      tpu.yield
    }) : () -> ()
    return
  }
}

#map = affine_map<(d0, d1) -> (0, 0, 0)>
#map1 = affine_map<(d0, d1) -> (0, 0)>
module attributes {stable_mosaic.version = 14 : i64} {
  func.func @_deg_kernel(%arg0: i32, %arg1: i32, %arg2: memref<32x80x128xi32, #tpu.memory_space<hbm>>, %arg3: memref<128x128xf32, #tpu.memory_space<hbm>>, %arg4: memref<632x128xf32, #tpu.memory_space<hbm>>, %arg5: memref<2x10112x128xf32, #tpu.memory_space<hbm>>, %arg6: memref<40x128xi32, #tpu.memory_space<vmem>>, %arg7: memref<128x128xf32, #tpu.memory_space<vmem>>, %arg8: memref<10112x128xf32, #tpu.memory_space<vmem_shared>>, %arg9: memref<!tpu.dma_semaphore, #tpu.memory_space<semaphore_mem>>) attributes {dimension_semantics = [#tpu.dimension_semantics<core_parallel>, #tpu.dimension_semantics<subcore_parallel>], iteration_bounds = array<i64: 2, 16>, scalar_prefetch = 0 : i64, scratch_operands = 4 : i64, tpu.core_type = #tpu.core_type<sc_vector_subcore>, window_params = [{transform_indices = #map}, {transform_indices = #map1}, {transform_indices = #map1}, {transform_indices = #map}]} {
    %mul3A = arith.constant 16 : i32
    %mul3A_0 = arith.muli %arg0, %mul3A : i32
    %add3A = arith.addi %mul3A_0, %arg1 : i32
    "tpu.region"() ({
      %run_scoped3A = tpu.sem_alloc : memref<!tpu.dma_semaphore, #tpu.memory_space<semaphore_mem>>
      tpu.enqueue_dma source(%arg3 : memref<128x128xf32, #tpu.memory_space<hbm>>) target(%arg7 : memref<128x128xf32, #tpu.memory_space<vmem>>) target_semaphore(%run_scoped3A : memref<!tpu.dma_semaphore, #tpu.memory_space<semaphore_mem>>)
      tpu.wait_dma2 semaphore(%run_scoped3A : memref<!tpu.dma_semaphore, #tpu.memory_space<semaphore_mem>>) src(%arg3 : memref<128x128xf32, #tpu.memory_space<hbm>>) dst(%arg7 : memref<128x128xf32, #tpu.memory_space<vmem>>)
      tpu.yield
    }) : () -> ()
    %mul3A_1 = arith.constant 632 : i32
    %mul3A_2 = arith.muli %arg1, %mul3A_1 : i32
    "tpu.region"() ({
      %run_scoped3A = tpu.sem_alloc : memref<!tpu.dma_semaphore, #tpu.memory_space<semaphore_mem>>
      %dma_start3A = arith.constant 0 : i32
      %dma_start3A_19 = tpu.memref_slice %arg8[%mul3A_2, %dma_start3A] : memref<10112x128xf32, #tpu.memory_space<vmem_shared>> -> memref<632x128xf32, #tpu.memory_space<vmem_shared>>
      tpu.enqueue_dma source(%arg4 : memref<632x128xf32, #tpu.memory_space<hbm>>) target(%dma_start3A_19 : memref<632x128xf32, #tpu.memory_space<vmem_shared>>) target_semaphore(%run_scoped3A : memref<!tpu.dma_semaphore, #tpu.memory_space<semaphore_mem>>)
      %dma_wait3A = arith.constant 0 : i32
      %dma_wait3A_20 = tpu.memref_slice %arg8[%mul3A_2, %dma_wait3A] : memref<10112x128xf32, #tpu.memory_space<vmem_shared>> -> memref<632x128xf32, #tpu.memory_space<vmem_shared>>
      tpu.wait_dma2 semaphore(%run_scoped3A : memref<!tpu.dma_semaphore, #tpu.memory_space<semaphore_mem>>) src(%arg4 : memref<632x128xf32, #tpu.memory_space<hbm>>) dst(%dma_wait3A_20 : memref<632x128xf32, #tpu.memory_space<vmem_shared>>)
      tpu.yield
    }) : () -> ()
    %barrier3A = arith.constant 0 : index
    tpu.barrier barrier_id(%barrier3A)
    "tpu.region"() ({
      %run_scoped3A = tpu.sem_alloc : memref<!tpu.dma_semaphore, #tpu.memory_space<semaphore_mem>>
      %dma_start3A = arith.constant 0 : i32
      %dma_start3A_19 = arith.constant 0 : i32
      %dma_start3A_20 = tpu.memref_slice %arg2[%add3A, %dma_start3A, %dma_start3A_19] : memref<32x80x128xi32, #tpu.memory_space<hbm>> -> memref<1x40x128xi32, #tpu.memory_space<hbm>>
      %dma_start3A_21 = tpu.memref_squeeze %dma_start3A_20 : memref<1x40x128xi32, #tpu.memory_space<hbm>> -> memref<40x128xi32, #tpu.memory_space<hbm>>
      %dma_start3A_22 = arith.constant 0 : i32
      %dma_start3A_23 = arith.constant 0 : i32
      %dma_start3A_24 = tpu.memref_slice %arg2[%add3A, %dma_start3A_22, %dma_start3A_23] : memref<32x80x128xi32, #tpu.memory_space<hbm>> -> memref<1x40x128xi32, #tpu.memory_space<hbm>>
      %dma_start3A_25 = tpu.memref_squeeze %dma_start3A_24 : memref<1x40x128xi32, #tpu.memory_space<hbm>> -> memref<40x128xi32, #tpu.memory_space<hbm>>
      tpu.enqueue_dma source(%dma_start3A_25 : memref<40x128xi32, #tpu.memory_space<hbm>>) target(%arg6 : memref<40x128xi32, #tpu.memory_space<vmem>>) target_semaphore(%run_scoped3A : memref<!tpu.dma_semaphore, #tpu.memory_space<semaphore_mem>>)
      %dma_wait3A = arith.constant 0 : i32
      %dma_wait3A_26 = arith.constant 0 : i32
      %dma_wait3A_27 = tpu.memref_slice %arg2[%add3A, %dma_wait3A, %dma_wait3A_26] : memref<32x80x128xi32, #tpu.memory_space<hbm>> -> memref<1x40x128xi32, #tpu.memory_space<hbm>>
      %dma_wait3A_28 = tpu.memref_squeeze %dma_wait3A_27 : memref<1x40x128xi32, #tpu.memory_space<hbm>> -> memref<40x128xi32, #tpu.memory_space<hbm>>
      %dma_wait3A_29 = arith.constant 0 : i32
      %dma_wait3A_30 = arith.constant 0 : i32
      %dma_wait3A_31 = tpu.memref_slice %arg2[%add3A, %dma_wait3A_29, %dma_wait3A_30] : memref<32x80x128xi32, #tpu.memory_space<hbm>> -> memref<1x40x128xi32, #tpu.memory_space<hbm>>
      %dma_wait3A_32 = tpu.memref_squeeze %dma_wait3A_31 : memref<1x40x128xi32, #tpu.memory_space<hbm>> -> memref<40x128xi32, #tpu.memory_space<hbm>>
      tpu.wait_dma2 semaphore(%run_scoped3A : memref<!tpu.dma_semaphore, #tpu.memory_space<semaphore_mem>>) src(%dma_wait3A_32 : memref<40x128xi32, #tpu.memory_space<hbm>>) dst(%arg6 : memref<40x128xi32, #tpu.memory_space<vmem>>)
      tpu.yield
    }) : () -> ()
    %scan3A = arith.constant 0 : i32
    %scan3A_3 = arith.constant 0 : i32
    %scan3A_4 = arith.constant 40 : i32
    %scan3A_5 = arith.addi %scan3A_3, %scan3A_4 : i32
    %scan3A_6 = arith.constant 1 : i32
    scf.for %scan3A_19 = %scan3A_3 to %scan3A_5 step %scan3A_6  : i32 {
      "tpu.region"() ({
        %run_scoped3A = tpu.sem_alloc : memref<!tpu.dma_semaphore, #tpu.memory_space<semaphore_mem>>
        %dma_start3A = arith.constant 0 : i32
        %dma_start3A_20 = tpu.memref_slice %arg6[%scan3A_19, %dma_start3A] : memref<40x128xi32, #tpu.memory_space<vmem>> -> memref<1x128xi32, #tpu.memory_space<vmem>>
        %dma_start3A_21 = tpu.memref_squeeze %dma_start3A_20 : memref<1x128xi32, #tpu.memory_space<vmem>> -> memref<128xi32, #tpu.memory_space<vmem>>
        %dma_start3A_22 = arith.constant 0 : i32
        %dma_start3A_23 = arith.constant 0 : i32
        %dma_start3A_24 = tpu.memref_slice %arg8[%dma_start3A_22, %dma_start3A_23] : memref<10112x128xf32, #tpu.memory_space<vmem_shared>> -> memref<10112x128xf32, #tpu.memory_space<vmem_shared>>
        tpu.enqueue_indirect_dma source(%arg7 : memref<128x128xf32, #tpu.memory_space<vmem>>) target(%dma_start3A_24 : memref<10112x128xf32, #tpu.memory_space<vmem_shared>>) offsets(%dma_start3A_21 : memref<128xi32, #tpu.memory_space<vmem>>) semaphore(%run_scoped3A : memref<!tpu.dma_semaphore, #tpu.memory_space<semaphore_mem>>) {add = true}
        %dma_wait3A = arith.constant 0 : i32
        %dma_wait3A_25 = tpu.memref_slice %arg6[%scan3A_19, %dma_wait3A] : memref<40x128xi32, #tpu.memory_space<vmem>> -> memref<1x128xi32, #tpu.memory_space<vmem>>
        %dma_wait3A_26 = tpu.memref_squeeze %dma_wait3A_25 : memref<1x128xi32, #tpu.memory_space<vmem>> -> memref<128xi32, #tpu.memory_space<vmem>>
        %dma_wait3A_27 = arith.constant 0 : i32
        %dma_wait3A_28 = arith.constant 0 : i32
        %dma_wait3A_29 = tpu.memref_slice %arg8[%dma_wait3A_27, %dma_wait3A_28] : memref<10112x128xf32, #tpu.memory_space<vmem_shared>> -> memref<10112x128xf32, #tpu.memory_space<vmem_shared>>
        tpu.wait_indirect_dma semaphore(%run_scoped3A : memref<!tpu.dma_semaphore, #tpu.memory_space<semaphore_mem>>) src(%arg7 : memref<128x128xf32, #tpu.memory_space<vmem>>) dst(%dma_wait3A_29 : memref<10112x128xf32, #tpu.memory_space<vmem_shared>>)
        tpu.yield
      }) : () -> ()
    }
    %scan3A_7 = arith.constant 40 : i32
    "tpu.region"() ({
      %run_scoped3A = tpu.sem_alloc : memref<!tpu.dma_semaphore, #tpu.memory_space<semaphore_mem>>
      %dma_start3A = arith.constant 40 : i32
      %dma_start3A_19 = arith.constant 0 : i32
      %dma_start3A_20 = tpu.memref_slice %arg2[%add3A, %dma_start3A, %dma_start3A_19] : memref<32x80x128xi32, #tpu.memory_space<hbm>> -> memref<1x40x128xi32, #tpu.memory_space<hbm>>
      %dma_start3A_21 = tpu.memref_squeeze %dma_start3A_20 : memref<1x40x128xi32, #tpu.memory_space<hbm>> -> memref<40x128xi32, #tpu.memory_space<hbm>>
      %dma_start3A_22 = arith.constant 40 : i32
      %dma_start3A_23 = arith.constant 0 : i32
      %dma_start3A_24 = tpu.memref_slice %arg2[%add3A, %dma_start3A_22, %dma_start3A_23] : memref<32x80x128xi32, #tpu.memory_space<hbm>> -> memref<1x40x128xi32, #tpu.memory_space<hbm>>
      %dma_start3A_25 = tpu.memref_squeeze %dma_start3A_24 : memref<1x40x128xi32, #tpu.memory_space<hbm>> -> memref<40x128xi32, #tpu.memory_space<hbm>>
      tpu.enqueue_dma source(%dma_start3A_25 : memref<40x128xi32, #tpu.memory_space<hbm>>) target(%arg6 : memref<40x128xi32, #tpu.memory_space<vmem>>) target_semaphore(%run_scoped3A : memref<!tpu.dma_semaphore, #tpu.memory_space<semaphore_mem>>)
      %dma_wait3A = arith.constant 40 : i32
      %dma_wait3A_26 = arith.constant 0 : i32
      %dma_wait3A_27 = tpu.memref_slice %arg2[%add3A, %dma_wait3A, %dma_wait3A_26] : memref<32x80x128xi32, #tpu.memory_space<hbm>> -> memref<1x40x128xi32, #tpu.memory_space<hbm>>
      %dma_wait3A_28 = tpu.memref_squeeze %dma_wait3A_27 : memref<1x40x128xi32, #tpu.memory_space<hbm>> -> memref<40x128xi32, #tpu.memory_space<hbm>>
      %dma_wait3A_29 = arith.constant 40 : i32
      %dma_wait3A_30 = arith.constant 0 : i32
      %dma_wait3A_31 = tpu.memref_slice %arg2[%add3A, %dma_wait3A_29, %dma_wait3A_30] : memref<32x80x128xi32, #tpu.memory_space<hbm>> -> memref<1x40x128xi32, #tpu.memory_space<hbm>>
      %dma_wait3A_32 = tpu.memref_squeeze %dma_wait3A_31 : memref<1x40x128xi32, #tpu.memory_space<hbm>> -> memref<40x128xi32, #tpu.memory_space<hbm>>
      tpu.wait_dma2 semaphore(%run_scoped3A : memref<!tpu.dma_semaphore, #tpu.memory_space<semaphore_mem>>) src(%dma_wait3A_32 : memref<40x128xi32, #tpu.memory_space<hbm>>) dst(%arg6 : memref<40x128xi32, #tpu.memory_space<vmem>>)
      tpu.yield
    }) : () -> ()
    %scan3A_8 = arith.constant 0 : i32
    %scan3A_9 = arith.constant 0 : i32
    %scan3A_10 = arith.constant 40 : i32
    %scan3A_11 = arith.addi %scan3A_9, %scan3A_10 : i32
    %scan3A_12 = arith.constant 1 : i32
    scf.for %scan3A_19 = %scan3A_9 to %scan3A_11 step %scan3A_12  : i32 {
      "tpu.region"() ({
        %run_scoped3A = tpu.sem_alloc : memref<!tpu.dma_semaphore, #tpu.memory_space<semaphore_mem>>
        %dma_start3A = arith.constant 0 : i32
        %dma_start3A_20 = tpu.memref_slice %arg6[%scan3A_19, %dma_start3A] : memref<40x128xi32, #tpu.memory_space<vmem>> -> memref<1x128xi32, #tpu.memory_space<vmem>>
        %dma_start3A_21 = tpu.memref_squeeze %dma_start3A_20 : memref<1x128xi32, #tpu.memory_space<vmem>> -> memref<128xi32, #tpu.memory_space<vmem>>
        %dma_start3A_22 = arith.constant 0 : i32
        %dma_start3A_23 = arith.constant 0 : i32
        %dma_start3A_24 = tpu.memref_slice %arg8[%dma_start3A_22, %dma_start3A_23] : memref<10112x128xf32, #tpu.memory_space<vmem_shared>> -> memref<10112x128xf32, #tpu.memory_space<vmem_shared>>
        tpu.enqueue_indirect_dma source(%arg7 : memref<128x128xf32, #tpu.memory_space<vmem>>) target(%dma_start3A_24 : memref<10112x128xf32, #tpu.memory_space<vmem_shared>>) offsets(%dma_start3A_21 : memref<128xi32, #tpu.memory_space<vmem>>) semaphore(%run_scoped3A : memref<!tpu.dma_semaphore, #tpu.memory_space<semaphore_mem>>) {add = true}
        %dma_wait3A = arith.constant 0 : i32
        %dma_wait3A_25 = tpu.memref_slice %arg6[%scan3A_19, %dma_wait3A] : memref<40x128xi32, #tpu.memory_space<vmem>> -> memref<1x128xi32, #tpu.memory_space<vmem>>
        %dma_wait3A_26 = tpu.memref_squeeze %dma_wait3A_25 : memref<1x128xi32, #tpu.memory_space<vmem>> -> memref<128xi32, #tpu.memory_space<vmem>>
        %dma_wait3A_27 = arith.constant 0 : i32
        %dma_wait3A_28 = arith.constant 0 : i32
        %dma_wait3A_29 = tpu.memref_slice %arg8[%dma_wait3A_27, %dma_wait3A_28] : memref<10112x128xf32, #tpu.memory_space<vmem_shared>> -> memref<10112x128xf32, #tpu.memory_space<vmem_shared>>
        tpu.wait_indirect_dma semaphore(%run_scoped3A : memref<!tpu.dma_semaphore, #tpu.memory_space<semaphore_mem>>) src(%arg7 : memref<128x128xf32, #tpu.memory_space<vmem>>) dst(%dma_wait3A_29 : memref<10112x128xf32, #tpu.memory_space<vmem_shared>>)
        tpu.yield
      }) : () -> ()
    }
    %scan3A_13 = arith.constant 40 : i32
    %barrier3A_14 = arith.constant 0 : index
    tpu.barrier barrier_id(%barrier3A_14)
    %mul3A_15 = arith.constant 632 : i32
    %mul3A_16 = arith.muli %arg1, %mul3A_15 : i32
    %mul3A_17 = arith.constant 632 : i32
    %mul3A_18 = arith.muli %arg1, %mul3A_17 : i32
    "tpu.region"() ({
      %run_scoped3A = tpu.sem_alloc : memref<!tpu.dma_semaphore, #tpu.memory_space<semaphore_mem>>
      %dma_start3A = arith.constant 0 : i32
      %dma_start3A_19 = tpu.memref_slice %arg5[%arg0, %mul3A_18, %dma_start3A] : memref<2x10112x128xf32, #tpu.memory_space<hbm>> -> memref<1x632x128xf32, #tpu.memory_space<hbm>>
      %dma_start3A_20 = tpu.memref_squeeze %dma_start3A_19 : memref<1x632x128xf32, #tpu.memory_space<hbm>> -> memref<632x128xf32, #tpu.memory_space<hbm>>
      %dma_start3A_21 = arith.constant 0 : i32
      %dma_start3A_22 = tpu.memref_slice %arg8[%mul3A_16, %dma_start3A_21] : memref<10112x128xf32, #tpu.memory_space<vmem_shared>> -> memref<632x128xf32, #tpu.memory_space<vmem_shared>>
      tpu.enqueue_dma source(%dma_start3A_22 : memref<632x128xf32, #tpu.memory_space<vmem_shared>>) target(%dma_start3A_20 : memref<632x128xf32, #tpu.memory_space<hbm>>) target_semaphore(%run_scoped3A : memref<!tpu.dma_semaphore, #tpu.memory_space<semaphore_mem>>)
      %dma_wait3A = arith.constant 0 : i32
      %dma_wait3A_23 = tpu.memref_slice %arg5[%arg0, %mul3A_18, %dma_wait3A] : memref<2x10112x128xf32, #tpu.memory_space<hbm>> -> memref<1x632x128xf32, #tpu.memory_space<hbm>>
      %dma_wait3A_24 = tpu.memref_squeeze %dma_wait3A_23 : memref<1x632x128xf32, #tpu.memory_space<hbm>> -> memref<632x128xf32, #tpu.memory_space<hbm>>
      %dma_wait3A_25 = arith.constant 0 : i32
      %dma_wait3A_26 = tpu.memref_slice %arg8[%mul3A_16, %dma_wait3A_25] : memref<10112x128xf32, #tpu.memory_space<vmem_shared>> -> memref<632x128xf32, #tpu.memory_space<vmem_shared>>
      tpu.wait_dma2 semaphore(%run_scoped3A : memref<!tpu.dma_semaphore, #tpu.memory_space<semaphore_mem>>) src(%dma_wait3A_26 : memref<632x128xf32, #tpu.memory_space<vmem_shared>>) dst(%dma_wait3A_24 : memref<632x128xf32, #tpu.memory_space<hbm>>)
      tpu.yield
    }) : () -> ()
    return
  }
}

#map = affine_map<(d0, d1) -> (0, 0)>
#map1 = affine_map<(d0, d1) -> (0, 0, 0)>
module attributes {stable_mosaic.version = 14 : i64} {
  func.func @_agg_kernel(%arg0: i32, %arg1: i32, %arg2: memref<10112x128xf32, #tpu.memory_space<hbm>>, %arg3: memref<32x80x128xi32, #tpu.memory_space<hbm>>, %arg4: memref<32x80x128xi32, #tpu.memory_space<hbm>>, %arg5: memref<632x128xf32, #tpu.memory_space<hbm>>, %arg6: memref<2x10112x128xf32, #tpu.memory_space<hbm>>, %arg7: memref<40x128xi32, #tpu.memory_space<vmem>>, %arg8: memref<40x128xi32, #tpu.memory_space<vmem>>, %arg9: memref<2x128x128xf32, #tpu.memory_space<vmem>>, %arg10: memref<10112x128xf32, #tpu.memory_space<vmem_shared>>, %arg11: memref<!tpu.dma_semaphore, #tpu.memory_space<semaphore_mem>>) attributes {dimension_semantics = [#tpu.dimension_semantics<core_parallel>, #tpu.dimension_semantics<subcore_parallel>], iteration_bounds = array<i64: 2, 16>, scalar_prefetch = 0 : i64, scratch_operands = 5 : i64, tpu.core_type = #tpu.core_type<sc_vector_subcore>, window_params = [{transform_indices = #map}, {transform_indices = #map1}, {transform_indices = #map1}, {transform_indices = #map}, {transform_indices = #map1}]} {
    %mul3A = arith.constant 16 : i32
    %mul3A_0 = arith.muli %arg0, %mul3A : i32
    %add3A = arith.addi %mul3A_0, %arg1 : i32
    %mul3A_1 = arith.constant 632 : i32
    %mul3A_2 = arith.muli %arg1, %mul3A_1 : i32
    "tpu.region"() ({
      %run_scoped3A = tpu.sem_alloc : memref<!tpu.dma_semaphore, #tpu.memory_space<semaphore_mem>>
      %dma_start3A_42 = arith.constant 0 : i32
      %dma_start3A_43 = tpu.memref_slice %arg10[%mul3A_2, %dma_start3A_42] : memref<10112x128xf32, #tpu.memory_space<vmem_shared>> -> memref<632x128xf32, #tpu.memory_space<vmem_shared>>
      tpu.enqueue_dma source(%arg5 : memref<632x128xf32, #tpu.memory_space<hbm>>) target(%dma_start3A_43 : memref<632x128xf32, #tpu.memory_space<vmem_shared>>) target_semaphore(%run_scoped3A : memref<!tpu.dma_semaphore, #tpu.memory_space<semaphore_mem>>)
      %dma_wait3A = arith.constant 0 : i32
      %dma_wait3A_44 = tpu.memref_slice %arg10[%mul3A_2, %dma_wait3A] : memref<10112x128xf32, #tpu.memory_space<vmem_shared>> -> memref<632x128xf32, #tpu.memory_space<vmem_shared>>
      tpu.wait_dma2 semaphore(%run_scoped3A : memref<!tpu.dma_semaphore, #tpu.memory_space<semaphore_mem>>) src(%arg5 : memref<632x128xf32, #tpu.memory_space<hbm>>) dst(%dma_wait3A_44 : memref<632x128xf32, #tpu.memory_space<vmem_shared>>)
      tpu.yield
    }) : () -> ()
    %barrier3A = arith.constant 0 : index
    tpu.barrier barrier_id(%barrier3A)
    "tpu.region"() ({
      %run_scoped3A = tpu.sem_alloc : memref<!tpu.dma_semaphore, #tpu.memory_space<semaphore_mem>>
      %dma_start3A_42 = arith.constant 0 : i32
      %dma_start3A_43 = arith.constant 0 : i32
      %dma_start3A_44 = tpu.memref_slice %arg3[%add3A, %dma_start3A_42, %dma_start3A_43] : memref<32x80x128xi32, #tpu.memory_space<hbm>> -> memref<1x40x128xi32, #tpu.memory_space<hbm>>
      %dma_start3A_45 = tpu.memref_squeeze %dma_start3A_44 : memref<1x40x128xi32, #tpu.memory_space<hbm>> -> memref<40x128xi32, #tpu.memory_space<hbm>>
      %dma_start3A_46 = arith.constant 0 : i32
      %dma_start3A_47 = arith.constant 0 : i32
      %dma_start3A_48 = tpu.memref_slice %arg3[%add3A, %dma_start3A_46, %dma_start3A_47] : memref<32x80x128xi32, #tpu.memory_space<hbm>> -> memref<1x40x128xi32, #tpu.memory_space<hbm>>
      %dma_start3A_49 = tpu.memref_squeeze %dma_start3A_48 : memref<1x40x128xi32, #tpu.memory_space<hbm>> -> memref<40x128xi32, #tpu.memory_space<hbm>>
      tpu.enqueue_dma source(%dma_start3A_49 : memref<40x128xi32, #tpu.memory_space<hbm>>) target(%arg7 : memref<40x128xi32, #tpu.memory_space<vmem>>) target_semaphore(%run_scoped3A : memref<!tpu.dma_semaphore, #tpu.memory_space<semaphore_mem>>)
      %dma_wait3A = arith.constant 0 : i32
      %dma_wait3A_50 = arith.constant 0 : i32
      %dma_wait3A_51 = tpu.memref_slice %arg3[%add3A, %dma_wait3A, %dma_wait3A_50] : memref<32x80x128xi32, #tpu.memory_space<hbm>> -> memref<1x40x128xi32, #tpu.memory_space<hbm>>
      %dma_wait3A_52 = tpu.memref_squeeze %dma_wait3A_51 : memref<1x40x128xi32, #tpu.memory_space<hbm>> -> memref<40x128xi32, #tpu.memory_space<hbm>>
      %dma_wait3A_53 = arith.constant 0 : i32
      %dma_wait3A_54 = arith.constant 0 : i32
      %dma_wait3A_55 = tpu.memref_slice %arg3[%add3A, %dma_wait3A_53, %dma_wait3A_54] : memref<32x80x128xi32, #tpu.memory_space<hbm>> -> memref<1x40x128xi32, #tpu.memory_space<hbm>>
      %dma_wait3A_56 = tpu.memref_squeeze %dma_wait3A_55 : memref<1x40x128xi32, #tpu.memory_space<hbm>> -> memref<40x128xi32, #tpu.memory_space<hbm>>
      tpu.wait_dma2 semaphore(%run_scoped3A : memref<!tpu.dma_semaphore, #tpu.memory_space<semaphore_mem>>) src(%dma_wait3A_56 : memref<40x128xi32, #tpu.memory_space<hbm>>) dst(%arg7 : memref<40x128xi32, #tpu.memory_space<vmem>>)
      tpu.yield
    }) : () -> ()
    "tpu.region"() ({
      %run_scoped3A = tpu.sem_alloc : memref<!tpu.dma_semaphore, #tpu.memory_space<semaphore_mem>>
      %dma_start3A_42 = arith.constant 0 : i32
      %dma_start3A_43 = arith.constant 0 : i32
      %dma_start3A_44 = tpu.memref_slice %arg4[%add3A, %dma_start3A_42, %dma_start3A_43] : memref<32x80x128xi32, #tpu.memory_space<hbm>> -> memref<1x40x128xi32, #tpu.memory_space<hbm>>
      %dma_start3A_45 = tpu.memref_squeeze %dma_start3A_44 : memref<1x40x128xi32, #tpu.memory_space<hbm>> -> memref<40x128xi32, #tpu.memory_space<hbm>>
      %dma_start3A_46 = arith.constant 0 : i32
      %dma_start3A_47 = arith.constant 0 : i32
      %dma_start3A_48 = tpu.memref_slice %arg4[%add3A, %dma_start3A_46, %dma_start3A_47] : memref<32x80x128xi32, #tpu.memory_space<hbm>> -> memref<1x40x128xi32, #tpu.memory_space<hbm>>
      %dma_start3A_49 = tpu.memref_squeeze %dma_start3A_48 : memref<1x40x128xi32, #tpu.memory_space<hbm>> -> memref<40x128xi32, #tpu.memory_space<hbm>>
      tpu.enqueue_dma source(%dma_start3A_49 : memref<40x128xi32, #tpu.memory_space<hbm>>) target(%arg8 : memref<40x128xi32, #tpu.memory_space<vmem>>) target_semaphore(%run_scoped3A : memref<!tpu.dma_semaphore, #tpu.memory_space<semaphore_mem>>)
      %dma_wait3A = arith.constant 0 : i32
      %dma_wait3A_50 = arith.constant 0 : i32
      %dma_wait3A_51 = tpu.memref_slice %arg4[%add3A, %dma_wait3A, %dma_wait3A_50] : memref<32x80x128xi32, #tpu.memory_space<hbm>> -> memref<1x40x128xi32, #tpu.memory_space<hbm>>
      %dma_wait3A_52 = tpu.memref_squeeze %dma_wait3A_51 : memref<1x40x128xi32, #tpu.memory_space<hbm>> -> memref<40x128xi32, #tpu.memory_space<hbm>>
      %dma_wait3A_53 = arith.constant 0 : i32
      %dma_wait3A_54 = arith.constant 0 : i32
      %dma_wait3A_55 = tpu.memref_slice %arg4[%add3A, %dma_wait3A_53, %dma_wait3A_54] : memref<32x80x128xi32, #tpu.memory_space<hbm>> -> memref<1x40x128xi32, #tpu.memory_space<hbm>>
      %dma_wait3A_56 = tpu.memref_squeeze %dma_wait3A_55 : memref<1x40x128xi32, #tpu.memory_space<hbm>> -> memref<40x128xi32, #tpu.memory_space<hbm>>
      tpu.wait_dma2 semaphore(%run_scoped3A : memref<!tpu.dma_semaphore, #tpu.memory_space<semaphore_mem>>) src(%dma_wait3A_56 : memref<40x128xi32, #tpu.memory_space<hbm>>) dst(%arg8 : memref<40x128xi32, #tpu.memory_space<vmem>>)
      tpu.yield
    }) : () -> ()
    %dma_start3A = arith.constant 0 : i32
    %dma_start3A_3 = arith.constant 0 : i32
    %dma_start3A_4 = arith.constant 0 : i32
    %dma_start3A_5 = arith.constant 0 : i32
    %dma_start3A_6 = tpu.memref_slice %arg9[%dma_start3A_3, %dma_start3A_4, %dma_start3A_5] : memref<2x128x128xf32, #tpu.memory_space<vmem>> -> memref<1x128x128xf32, #tpu.memory_space<vmem>>
    %dma_start3A_7 = tpu.memref_squeeze %dma_start3A_6 : memref<1x128x128xf32, #tpu.memory_space<vmem>> -> memref<128x128xf32, #tpu.memory_space<vmem>>
    %dma_start3A_8 = arith.constant 0 : i32
    %dma_start3A_9 = tpu.memref_slice %arg7[%dma_start3A, %dma_start3A_8] : memref<40x128xi32, #tpu.memory_space<vmem>> -> memref<1x128xi32, #tpu.memory_space<vmem>>
    %dma_start3A_10 = tpu.memref_squeeze %dma_start3A_9 : memref<1x128xi32, #tpu.memory_space<vmem>> -> memref<128xi32, #tpu.memory_space<vmem>>
    %dma_start3A_11 = arith.constant 0 : i32
    %dma_start3A_12 = arith.constant 0 : i32
    %dma_start3A_13 = tpu.memref_slice %arg2[%dma_start3A_11, %dma_start3A_12] : memref<10112x128xf32, #tpu.memory_space<hbm>> -> memref<10112x128xf32, #tpu.memory_space<hbm>>
    tpu.enqueue_indirect_dma source(%dma_start3A_13 : memref<10112x128xf32, #tpu.memory_space<hbm>>) target(%dma_start3A_7 : memref<128x128xf32, #tpu.memory_space<vmem>>) offsets(%dma_start3A_10 : memref<128xi32, #tpu.memory_space<vmem>>) semaphore(%arg11 : memref<!tpu.dma_semaphore, #tpu.memory_space<semaphore_mem>>)
    %scan3A = arith.constant 0 : i32
    %scan3A_14 = arith.constant 0 : i32
    %scan3A_15 = arith.constant 20 : i32
    %scan3A_16 = arith.addi %scan3A_14, %scan3A_15 : i32
    %scan3A_17 = arith.constant 1 : i32
    scf.for %scan3A_42 = %scan3A_14 to %scan3A_16 step %scan3A_17  : i32 {
      %mul3A_43 = arith.constant 2 : i32
      %mul3A_44 = arith.muli %scan3A_42, %mul3A_43 : i32
      %dma_wait3A = arith.constant 0 : i32
      %dma_wait3A_45 = arith.constant 0 : i32
      %dma_wait3A_46 = arith.constant 0 : i32
      %dma_wait3A_47 = tpu.memref_slice %arg9[%dma_wait3A, %dma_wait3A_45, %dma_wait3A_46] : memref<2x128x128xf32, #tpu.memory_space<vmem>> -> memref<1x128x128xf32, #tpu.memory_space<vmem>>
      %dma_wait3A_48 = tpu.memref_squeeze %dma_wait3A_47 : memref<1x128x128xf32, #tpu.memory_space<vmem>> -> memref<128x128xf32, #tpu.memory_space<vmem>>
      %dma_wait3A_49 = arith.constant 0 : i32
      %dma_wait3A_50 = tpu.memref_slice %arg7[%mul3A_44, %dma_wait3A_49] : memref<40x128xi32, #tpu.memory_space<vmem>> -> memref<1x128xi32, #tpu.memory_space<vmem>>
      %dma_wait3A_51 = tpu.memref_squeeze %dma_wait3A_50 : memref<1x128xi32, #tpu.memory_space<vmem>> -> memref<128xi32, #tpu.memory_space<vmem>>
      %dma_wait3A_52 = arith.constant 0 : i32
      %dma_wait3A_53 = arith.constant 0 : i32
      %dma_wait3A_54 = tpu.memref_slice %arg2[%dma_wait3A_52, %dma_wait3A_53] : memref<10112x128xf32, #tpu.memory_space<hbm>> -> memref<10112x128xf32, #tpu.memory_space<hbm>>
      tpu.wait_indirect_dma semaphore(%arg11 : memref<!tpu.dma_semaphore, #tpu.memory_space<semaphore_mem>>) src(%dma_wait3A_54 : memref<10112x128xf32, #tpu.memory_space<hbm>>) dst(%dma_wait3A_48 : memref<128x128xf32, #tpu.memory_space<vmem>>)
      %add3A_55 = arith.constant 1 : i32
      %add3A_56 = arith.addi %mul3A_44, %add3A_55 : i32
      %dma_start3A_57 = arith.constant 1 : i32
      %dma_start3A_58 = arith.constant 0 : i32
      %dma_start3A_59 = arith.constant 0 : i32
      %dma_start3A_60 = tpu.memref_slice %arg9[%dma_start3A_57, %dma_start3A_58, %dma_start3A_59] : memref<2x128x128xf32, #tpu.memory_space<vmem>> -> memref<1x128x128xf32, #tpu.memory_space<vmem>>
      %dma_start3A_61 = tpu.memref_squeeze %dma_start3A_60 : memref<1x128x128xf32, #tpu.memory_space<vmem>> -> memref<128x128xf32, #tpu.memory_space<vmem>>
      %dma_start3A_62 = arith.constant 0 : i32
      %dma_start3A_63 = tpu.memref_slice %arg7[%add3A_56, %dma_start3A_62] : memref<40x128xi32, #tpu.memory_space<vmem>> -> memref<1x128xi32, #tpu.memory_space<vmem>>
      %dma_start3A_64 = tpu.memref_squeeze %dma_start3A_63 : memref<1x128xi32, #tpu.memory_space<vmem>> -> memref<128xi32, #tpu.memory_space<vmem>>
      %dma_start3A_65 = arith.constant 0 : i32
      %dma_start3A_66 = arith.constant 0 : i32
      %dma_start3A_67 = tpu.memref_slice %arg2[%dma_start3A_65, %dma_start3A_66] : memref<10112x128xf32, #tpu.memory_space<hbm>> -> memref<10112x128xf32, #tpu.memory_space<hbm>>
      tpu.enqueue_indirect_dma source(%dma_start3A_67 : memref<10112x128xf32, #tpu.memory_space<hbm>>) target(%dma_start3A_61 : memref<128x128xf32, #tpu.memory_space<vmem>>) offsets(%dma_start3A_64 : memref<128xi32, #tpu.memory_space<vmem>>) semaphore(%arg11 : memref<!tpu.dma_semaphore, #tpu.memory_space<semaphore_mem>>)
      %run_scoped3A = arith.constant 0 : i32
      "tpu.region"() ({
        %run_scoped3A_88 = tpu.sem_alloc : memref<!tpu.dma_semaphore, #tpu.memory_space<semaphore_mem>>
        %dma_start3A_89 = arith.constant 0 : i32
        %dma_start3A_90 = arith.constant 0 : i32
        %dma_start3A_91 = tpu.memref_slice %arg9[%run_scoped3A, %dma_start3A_89, %dma_start3A_90] : memref<2x128x128xf32, #tpu.memory_space<vmem>> -> memref<1x128x128xf32, #tpu.memory_space<vmem>>
        %dma_start3A_92 = tpu.memref_squeeze %dma_start3A_91 : memref<1x128x128xf32, #tpu.memory_space<vmem>> -> memref<128x128xf32, #tpu.memory_space<vmem>>
        %dma_start3A_93 = arith.constant 0 : i32
        %dma_start3A_94 = tpu.memref_slice %arg8[%mul3A_44, %dma_start3A_93] : memref<40x128xi32, #tpu.memory_space<vmem>> -> memref<1x128xi32, #tpu.memory_space<vmem>>
        %dma_start3A_95 = tpu.memref_squeeze %dma_start3A_94 : memref<1x128xi32, #tpu.memory_space<vmem>> -> memref<128xi32, #tpu.memory_space<vmem>>
        %dma_start3A_96 = arith.constant 0 : i32
        %dma_start3A_97 = arith.constant 0 : i32
        %dma_start3A_98 = tpu.memref_slice %arg10[%dma_start3A_96, %dma_start3A_97] : memref<10112x128xf32, #tpu.memory_space<vmem_shared>> -> memref<10112x128xf32, #tpu.memory_space<vmem_shared>>
        tpu.enqueue_indirect_dma source(%dma_start3A_92 : memref<128x128xf32, #tpu.memory_space<vmem>>) target(%dma_start3A_98 : memref<10112x128xf32, #tpu.memory_space<vmem_shared>>) offsets(%dma_start3A_95 : memref<128xi32, #tpu.memory_space<vmem>>) semaphore(%run_scoped3A_88 : memref<!tpu.dma_semaphore, #tpu.memory_space<semaphore_mem>>) {add = true}
        %dma_wait3A_99 = arith.constant 0 : i32
        %dma_wait3A_100 = arith.constant 0 : i32
        %dma_wait3A_101 = tpu.memref_slice %arg9[%run_scoped3A, %dma_wait3A_99, %dma_wait3A_100] : memref<2x128x128xf32, #tpu.memory_space<vmem>> -> memref<1x128x128xf32, #tpu.memory_space<vmem>>
        %dma_wait3A_102 = tpu.memref_squeeze %dma_wait3A_101 : memref<1x128x128xf32, #tpu.memory_space<vmem>> -> memref<128x128xf32, #tpu.memory_space<vmem>>
        %dma_wait3A_103 = arith.constant 0 : i32
        %dma_wait3A_104 = tpu.memref_slice %arg8[%mul3A_44, %dma_wait3A_103] : memref<40x128xi32, #tpu.memory_space<vmem>> -> memref<1x128xi32, #tpu.memory_space<vmem>>
        %dma_wait3A_105 = tpu.memref_squeeze %dma_wait3A_104 : memref<1x128xi32, #tpu.memory_space<vmem>> -> memref<128xi32, #tpu.memory_space<vmem>>
        %dma_wait3A_106 = arith.constant 0 : i32
        %dma_wait3A_107 = arith.constant 0 : i32
        %dma_wait3A_108 = tpu.memref_slice %arg10[%dma_wait3A_106, %dma_wait3A_107] : memref<10112x128xf32, #tpu.memory_space<vmem_shared>> -> memref<10112x128xf32, #tpu.memory_space<vmem_shared>>
        tpu.wait_indirect_dma semaphore(%run_scoped3A_88 : memref<!tpu.dma_semaphore, #tpu.memory_space<semaphore_mem>>) src(%dma_wait3A_102 : memref<128x128xf32, #tpu.memory_space<vmem>>) dst(%dma_wait3A_108 : memref<10112x128xf32, #tpu.memory_space<vmem_shared>>)
        tpu.yield
      }) : () -> ()
      %add3A_68 = arith.constant 1 : i32
      %add3A_69 = arith.addi %mul3A_44, %add3A_68 : i32
      %dma_wait3A_70 = arith.constant 1 : i32
      %dma_wait3A_71 = arith.constant 0 : i32
      %dma_wait3A_72 = arith.constant 0 : i32
      %dma_wait3A_73 = tpu.memref_slice %arg9[%dma_wait3A_70, %dma_wait3A_71, %dma_wait3A_72] : memref<2x128x128xf32, #tpu.memory_space<vmem>> -> memref<1x128x128xf32, #tpu.memory_space<vmem>>
      %dma_wait3A_74 = tpu.memref_squeeze %dma_wait3A_73 : memref<1x128x128xf32, #tpu.memory_space<vmem>> -> memref<128x128xf32, #tpu.memory_space<vmem>>
      %dma_wait3A_75 = arith.constant 0 : i32
      %dma_wait3A_76 = tpu.memref_slice %arg7[%add3A_69, %dma_wait3A_75] : memref<40x128xi32, #tpu.memory_space<vmem>> -> memref<1x128xi32, #tpu.memory_space<vmem>>
      %dma_wait3A_77 = tpu.memref_squeeze %dma_wait3A_76 : memref<1x128xi32, #tpu.memory_space<vmem>> -> memref<128xi32, #tpu.memory_space<vmem>>
      %dma_wait3A_78 = arith.constant 0 : i32
      %dma_wait3A_79 = arith.constant 0 : i32
      %dma_wait3A_80 = tpu.memref_slice %arg2[%dma_wait3A_78, %dma_wait3A_79] : memref<10112x128xf32, #tpu.memory_space<hbm>> -> memref<10112x128xf32, #tpu.memory_space<hbm>>
      tpu.wait_indirect_dma semaphore(%arg11 : memref<!tpu.dma_semaphore, #tpu.memory_space<semaphore_mem>>) src(%dma_wait3A_80 : memref<10112x128xf32, #tpu.memory_space<hbm>>) dst(%dma_wait3A_74 : memref<128x128xf32, #tpu.memory_space<vmem>>)
      %add3A_81 = arith.constant 2 : i32
      %add3A_82 = arith.addi %mul3A_44, %add3A_81 : i32
      %lt3A = arith.constant 40 : i32
      %lt3A_83 = arith.cmpi slt, %add3A_82, %lt3A : i32
      %convert_element_type3A = arith.extui %lt3A_83 : i1 to i32
      %cond3A = arith.constant 0 : i32
      %cond3A_84 = arith.cmpi ne, %convert_element_type3A, %cond3A : i32
      scf.if %cond3A_84 {
        %add3A_88 = arith.constant 2 : i32
        %add3A_89 = arith.addi %mul3A_44, %add3A_88 : i32
        %dma_start3A_90 = arith.constant 0 : i32
        %dma_start3A_91 = arith.constant 0 : i32
        %dma_start3A_92 = arith.constant 0 : i32
        %dma_start3A_93 = tpu.memref_slice %arg9[%dma_start3A_90, %dma_start3A_91, %dma_start3A_92] : memref<2x128x128xf32, #tpu.memory_space<vmem>> -> memref<1x128x128xf32, #tpu.memory_space<vmem>>
        %dma_start3A_94 = tpu.memref_squeeze %dma_start3A_93 : memref<1x128x128xf32, #tpu.memory_space<vmem>> -> memref<128x128xf32, #tpu.memory_space<vmem>>
        %dma_start3A_95 = arith.constant 0 : i32
        %dma_start3A_96 = tpu.memref_slice %arg7[%add3A_89, %dma_start3A_95] : memref<40x128xi32, #tpu.memory_space<vmem>> -> memref<1x128xi32, #tpu.memory_space<vmem>>
        %dma_start3A_97 = tpu.memref_squeeze %dma_start3A_96 : memref<1x128xi32, #tpu.memory_space<vmem>> -> memref<128xi32, #tpu.memory_space<vmem>>
        %dma_start3A_98 = arith.constant 0 : i32
        %dma_start3A_99 = arith.constant 0 : i32
        %dma_start3A_100 = tpu.memref_slice %arg2[%dma_start3A_98, %dma_start3A_99] : memref<10112x128xf32, #tpu.memory_space<hbm>> -> memref<10112x128xf32, #tpu.memory_space<hbm>>
        tpu.enqueue_indirect_dma source(%dma_start3A_100 : memref<10112x128xf32, #tpu.memory_space<hbm>>) target(%dma_start3A_94 : memref<128x128xf32, #tpu.memory_space<vmem>>) offsets(%dma_start3A_97 : memref<128xi32, #tpu.memory_space<vmem>>) semaphore(%arg11 : memref<!tpu.dma_semaphore, #tpu.memory_space<semaphore_mem>>)
      } else {
      }
      %add3A_85 = arith.constant 1 : i32
      %add3A_86 = arith.addi %mul3A_44, %add3A_85 : i32
      %run_scoped3A_87 = arith.constant 1 : i32
      "tpu.region"() ({
        %run_scoped3A_88 = tpu.sem_alloc : memref<!tpu.dma_semaphore, #tpu.memory_space<semaphore_mem>>
        %dma_start3A_89 = arith.constant 0 : i32
        %dma_start3A_90 = arith.constant 0 : i32
        %dma_start3A_91 = tpu.memref_slice %arg9[%run_scoped3A_87, %dma_start3A_89, %dma_start3A_90] : memref<2x128x128xf32, #tpu.memory_space<vmem>> -> memref<1x128x128xf32, #tpu.memory_space<vmem>>
        %dma_start3A_92 = tpu.memref_squeeze %dma_start3A_91 : memref<1x128x128xf32, #tpu.memory_space<vmem>> -> memref<128x128xf32, #tpu.memory_space<vmem>>
        %dma_start3A_93 = arith.constant 0 : i32
        %dma_start3A_94 = tpu.memref_slice %arg8[%add3A_86, %dma_start3A_93] : memref<40x128xi32, #tpu.memory_space<vmem>> -> memref<1x128xi32, #tpu.memory_space<vmem>>
        %dma_start3A_95 = tpu.memref_squeeze %dma_start3A_94 : memref<1x128xi32, #tpu.memory_space<vmem>> -> memref<128xi32, #tpu.memory_space<vmem>>
        %dma_start3A_96 = arith.constant 0 : i32
        %dma_start3A_97 = arith.constant 0 : i32
        %dma_start3A_98 = tpu.memref_slice %arg10[%dma_start3A_96, %dma_start3A_97] : memref<10112x128xf32, #tpu.memory_space<vmem_shared>> -> memref<10112x128xf32, #tpu.memory_space<vmem_shared>>
        tpu.enqueue_indirect_dma source(%dma_start3A_92 : memref<128x128xf32, #tpu.memory_space<vmem>>) target(%dma_start3A_98 : memref<10112x128xf32, #tpu.memory_space<vmem_shared>>) offsets(%dma_start3A_95 : memref<128xi32, #tpu.memory_space<vmem>>) semaphore(%run_scoped3A_88 : memref<!tpu.dma_semaphore, #tpu.memory_space<semaphore_mem>>) {add = true}
        %dma_wait3A_99 = arith.constant 0 : i32
        %dma_wait3A_100 = arith.constant 0 : i32
        %dma_wait3A_101 = tpu.memref_slice %arg9[%run_scoped3A_87, %dma_wait3A_99, %dma_wait3A_100] : memref<2x128x128xf32, #tpu.memory_space<vmem>> -> memref<1x128x128xf32, #tpu.memory_space<vmem>>
        %dma_wait3A_102 = tpu.memref_squeeze %dma_wait3A_101 : memref<1x128x128xf32, #tpu.memory_space<vmem>> -> memref<128x128xf32, #tpu.memory_space<vmem>>
        %dma_wait3A_103 = arith.constant 0 : i32
        %dma_wait3A_104 = tpu.memref_slice %arg8[%add3A_86, %dma_wait3A_103] : memref<40x128xi32, #tpu.memory_space<vmem>> -> memref<1x128xi32, #tpu.memory_space<vmem>>
        %dma_wait3A_105 = tpu.memref_squeeze %dma_wait3A_104 : memref<1x128xi32, #tpu.memory_space<vmem>> -> memref<128xi32, #tpu.memory_space<vmem>>
        %dma_wait3A_106 = arith.constant 0 : i32
        %dma_wait3A_107 = arith.constant 0 : i32
        %dma_wait3A_108 = tpu.memref_slice %arg10[%dma_wait3A_106, %dma_wait3A_107] : memref<10112x128xf32, #tpu.memory_space<vmem_shared>> -> memref<10112x128xf32, #tpu.memory_space<vmem_shared>>
        tpu.wait_indirect_dma semaphore(%run_scoped3A_88 : memref<!tpu.dma_semaphore, #tpu.memory_space<semaphore_mem>>) src(%dma_wait3A_102 : memref<128x128xf32, #tpu.memory_space<vmem>>) dst(%dma_wait3A_108 : memref<10112x128xf32, #tpu.memory_space<vmem_shared>>)
        tpu.yield
      }) : () -> ()
    }
    %scan3A_18 = arith.constant 20 : i32
    "tpu.region"() ({
      %run_scoped3A = tpu.sem_alloc : memref<!tpu.dma_semaphore, #tpu.memory_space<semaphore_mem>>
      %dma_start3A_42 = arith.constant 40 : i32
      %dma_start3A_43 = arith.constant 0 : i32
      %dma_start3A_44 = tpu.memref_slice %arg3[%add3A, %dma_start3A_42, %dma_start3A_43] : memref<32x80x128xi32, #tpu.memory_space<hbm>> -> memref<1x40x128xi32, #tpu.memory_space<hbm>>
      %dma_start3A_45 = tpu.memref_squeeze %dma_start3A_44 : memref<1x40x128xi32, #tpu.memory_space<hbm>> -> memref<40x128xi32, #tpu.memory_space<hbm>>
      %dma_start3A_46 = arith.constant 40 : i32
      %dma_start3A_47 = arith.constant 0 : i32
      %dma_start3A_48 = tpu.memref_slice %arg3[%add3A, %dma_start3A_46, %dma_start3A_47] : memref<32x80x128xi32, #tpu.memory_space<hbm>> -> memref<1x40x128xi32, #tpu.memory_space<hbm>>
      %dma_start3A_49 = tpu.memref_squeeze %dma_start3A_48 : memref<1x40x128xi32, #tpu.memory_space<hbm>> -> memref<40x128xi32, #tpu.memory_space<hbm>>
      tpu.enqueue_dma source(%dma_start3A_49 : memref<40x128xi32, #tpu.memory_space<hbm>>) target(%arg7 : memref<40x128xi32, #tpu.memory_space<vmem>>) target_semaphore(%run_scoped3A : memref<!tpu.dma_semaphore, #tpu.memory_space<semaphore_mem>>)
      %dma_wait3A = arith.constant 40 : i32
      %dma_wait3A_50 = arith.constant 0 : i32
      %dma_wait3A_51 = tpu.memref_slice %arg3[%add3A, %dma_wait3A, %dma_wait3A_50] : memref<32x80x128xi32, #tpu.memory_space<hbm>> -> memref<1x40x128xi32, #tpu.memory_space<hbm>>
      %dma_wait3A_52 = tpu.memref_squeeze %dma_wait3A_51 : memref<1x40x128xi32, #tpu.memory_space<hbm>> -> memref<40x128xi32, #tpu.memory_space<hbm>>
      %dma_wait3A_53 = arith.constant 40 : i32
      %dma_wait3A_54 = arith.constant 0 : i32
      %dma_wait3A_55 = tpu.memref_slice %arg3[%add3A, %dma_wait3A_53, %dma_wait3A_54] : memref<32x80x128xi32, #tpu.memory_space<hbm>> -> memref<1x40x128xi32, #tpu.memory_space<hbm>>
      %dma_wait3A_56 = tpu.memref_squeeze %dma_wait3A_55 : memref<1x40x128xi32, #tpu.memory_space<hbm>> -> memref<40x128xi32, #tpu.memory_space<hbm>>
      tpu.wait_dma2 semaphore(%run_scoped3A : memref<!tpu.dma_semaphore, #tpu.memory_space<semaphore_mem>>) src(%dma_wait3A_56 : memref<40x128xi32, #tpu.memory_space<hbm>>) dst(%arg7 : memref<40x128xi32, #tpu.memory_space<vmem>>)
      tpu.yield
    }) : () -> ()
    "tpu.region"() ({
      %run_scoped3A = tpu.sem_alloc : memref<!tpu.dma_semaphore, #tpu.memory_space<semaphore_mem>>
      %dma_start3A_42 = arith.constant 40 : i32
      %dma_start3A_43 = arith.constant 0 : i32
      %dma_start3A_44 = tpu.memref_slice %arg4[%add3A, %dma_start3A_42, %dma_start3A_43] : memref<32x80x128xi32, #tpu.memory_space<hbm>> -> memref<1x40x128xi32, #tpu.memory_space<hbm>>
      %dma_start3A_45 = tpu.memref_squeeze %dma_start3A_44 : memref<1x40x128xi32, #tpu.memory_space<hbm>> -> memref<40x128xi32, #tpu.memory_space<hbm>>
      %dma_start3A_46 = arith.constant 40 : i32
      %dma_start3A_47 = arith.constant 0 : i32
      %dma_start3A_48 = tpu.memref_slice %arg4[%add3A, %dma_start3A_46, %dma_start3A_47] : memref<32x80x128xi32, #tpu.memory_space<hbm>> -> memref<1x40x128xi32, #tpu.memory_space<hbm>>
      %dma_start3A_49 = tpu.memref_squeeze %dma_start3A_48 : memref<1x40x128xi32, #tpu.memory_space<hbm>> -> memref<40x128xi32, #tpu.memory_space<hbm>>
      tpu.enqueue_dma source(%dma_start3A_49 : memref<40x128xi32, #tpu.memory_space<hbm>>) target(%arg8 : memref<40x128xi32, #tpu.memory_space<vmem>>) target_semaphore(%run_scoped3A : memref<!tpu.dma_semaphore, #tpu.memory_space<semaphore_mem>>)
      %dma_wait3A = arith.constant 40 : i32
      %dma_wait3A_50 = arith.constant 0 : i32
      %dma_wait3A_51 = tpu.memref_slice %arg4[%add3A, %dma_wait3A, %dma_wait3A_50] : memref<32x80x128xi32, #tpu.memory_space<hbm>> -> memref<1x40x128xi32, #tpu.memory_space<hbm>>
      %dma_wait3A_52 = tpu.memref_squeeze %dma_wait3A_51 : memref<1x40x128xi32, #tpu.memory_space<hbm>> -> memref<40x128xi32, #tpu.memory_space<hbm>>
      %dma_wait3A_53 = arith.constant 40 : i32
      %dma_wait3A_54 = arith.constant 0 : i32
      %dma_wait3A_55 = tpu.memref_slice %arg4[%add3A, %dma_wait3A_53, %dma_wait3A_54] : memref<32x80x128xi32, #tpu.memory_space<hbm>> -> memref<1x40x128xi32, #tpu.memory_space<hbm>>
      %dma_wait3A_56 = tpu.memref_squeeze %dma_wait3A_55 : memref<1x40x128xi32, #tpu.memory_space<hbm>> -> memref<40x128xi32, #tpu.memory_space<hbm>>
      tpu.wait_dma2 semaphore(%run_scoped3A : memref<!tpu.dma_semaphore, #tpu.memory_space<semaphore_mem>>) src(%dma_wait3A_56 : memref<40x128xi32, #tpu.memory_space<hbm>>) dst(%arg8 : memref<40x128xi32, #tpu.memory_space<vmem>>)
      tpu.yield
    }) : () -> ()
    %dma_start3A_19 = arith.constant 0 : i32
    %dma_start3A_20 = arith.constant 0 : i32
    %dma_start3A_21 = arith.constant 0 : i32
    %dma_start3A_22 = arith.constant 0 : i32
    %dma_start3A_23 = tpu.memref_slice %arg9[%dma_start3A_20, %dma_start3A_21, %dma_start3A_22] : memref<2x128x128xf32, #tpu.memory_space<vmem>> -> memref<1x128x128xf32, #tpu.memory_space<vmem>>
    %dma_start3A_24 = tpu.memref_squeeze %dma_start3A_23 : memref<1x128x128xf32, #tpu.memory_space<vmem>> -> memref<128x128xf32, #tpu.memory_space<vmem>>
    %dma_start3A_25 = arith.constant 0 : i32
    %dma_start3A_26 = tpu.memref_slice %arg7[%dma_start3A_19, %dma_start3A_25] : memref<40x128xi32, #tpu.memory_space<vmem>> -> memref<1x128xi32, #tpu.memory_space<vmem>>
    %dma_start3A_27 = tpu.memref_squeeze %dma_start3A_26 : memref<1x128xi32, #tpu.memory_space<vmem>> -> memref<128xi32, #tpu.memory_space<vmem>>
    %dma_start3A_28 = arith.constant 0 : i32
    %dma_start3A_29 = arith.constant 0 : i32
    %dma_start3A_30 = tpu.memref_slice %arg2[%dma_start3A_28, %dma_start3A_29] : memref<10112x128xf32, #tpu.memory_space<hbm>> -> memref<10112x128xf32, #tpu.memory_space<hbm>>
    tpu.enqueue_indirect_dma source(%dma_start3A_30 : memref<10112x128xf32, #tpu.memory_space<hbm>>) target(%dma_start3A_24 : memref<128x128xf32, #tpu.memory_space<vmem>>) offsets(%dma_start3A_27 : memref<128xi32, #tpu.memory_space<vmem>>) semaphore(%arg11 : memref<!tpu.dma_semaphore, #tpu.memory_space<semaphore_mem>>)
    %scan3A_31 = arith.constant 0 : i32
    %scan3A_32 = arith.constant 0 : i32
    %scan3A_33 = arith.constant 20 : i32
    %scan3A_34 = arith.addi %scan3A_32, %scan3A_33 : i32
    %scan3A_35 = arith.constant 1 : i32
    scf.for %scan3A_42 = %scan3A_32 to %scan3A_34 step %scan3A_35  : i32 {
      %mul3A_43 = arith.constant 2 : i32
      %mul3A_44 = arith.muli %scan3A_42, %mul3A_43 : i32
      %dma_wait3A = arith.constant 0 : i32
      %dma_wait3A_45 = arith.constant 0 : i32
      %dma_wait3A_46 = arith.constant 0 : i32
      %dma_wait3A_47 = tpu.memref_slice %arg9[%dma_wait3A, %dma_wait3A_45, %dma_wait3A_46] : memref<2x128x128xf32, #tpu.memory_space<vmem>> -> memref<1x128x128xf32, #tpu.memory_space<vmem>>
      %dma_wait3A_48 = tpu.memref_squeeze %dma_wait3A_47 : memref<1x128x128xf32, #tpu.memory_space<vmem>> -> memref<128x128xf32, #tpu.memory_space<vmem>>
      %dma_wait3A_49 = arith.constant 0 : i32
      %dma_wait3A_50 = tpu.memref_slice %arg7[%mul3A_44, %dma_wait3A_49] : memref<40x128xi32, #tpu.memory_space<vmem>> -> memref<1x128xi32, #tpu.memory_space<vmem>>
      %dma_wait3A_51 = tpu.memref_squeeze %dma_wait3A_50 : memref<1x128xi32, #tpu.memory_space<vmem>> -> memref<128xi32, #tpu.memory_space<vmem>>
      %dma_wait3A_52 = arith.constant 0 : i32
      %dma_wait3A_53 = arith.constant 0 : i32
      %dma_wait3A_54 = tpu.memref_slice %arg2[%dma_wait3A_52, %dma_wait3A_53] : memref<10112x128xf32, #tpu.memory_space<hbm>> -> memref<10112x128xf32, #tpu.memory_space<hbm>>
      tpu.wait_indirect_dma semaphore(%arg11 : memref<!tpu.dma_semaphore, #tpu.memory_space<semaphore_mem>>) src(%dma_wait3A_54 : memref<10112x128xf32, #tpu.memory_space<hbm>>) dst(%dma_wait3A_48 : memref<128x128xf32, #tpu.memory_space<vmem>>)
      %add3A_55 = arith.constant 1 : i32
      %add3A_56 = arith.addi %mul3A_44, %add3A_55 : i32
      %dma_start3A_57 = arith.constant 1 : i32
      %dma_start3A_58 = arith.constant 0 : i32
      %dma_start3A_59 = arith.constant 0 : i32
      %dma_start3A_60 = tpu.memref_slice %arg9[%dma_start3A_57, %dma_start3A_58, %dma_start3A_59] : memref<2x128x128xf32, #tpu.memory_space<vmem>> -> memref<1x128x128xf32, #tpu.memory_space<vmem>>
      %dma_start3A_61 = tpu.memref_squeeze %dma_start3A_60 : memref<1x128x128xf32, #tpu.memory_space<vmem>> -> memref<128x128xf32, #tpu.memory_space<vmem>>
      %dma_start3A_62 = arith.constant 0 : i32
      %dma_start3A_63 = tpu.memref_slice %arg7[%add3A_56, %dma_start3A_62] : memref<40x128xi32, #tpu.memory_space<vmem>> -> memref<1x128xi32, #tpu.memory_space<vmem>>
      %dma_start3A_64 = tpu.memref_squeeze %dma_start3A_63 : memref<1x128xi32, #tpu.memory_space<vmem>> -> memref<128xi32, #tpu.memory_space<vmem>>
      %dma_start3A_65 = arith.constant 0 : i32
      %dma_start3A_66 = arith.constant 0 : i32
      %dma_start3A_67 = tpu.memref_slice %arg2[%dma_start3A_65, %dma_start3A_66] : memref<10112x128xf32, #tpu.memory_space<hbm>> -> memref<10112x128xf32, #tpu.memory_space<hbm>>
      tpu.enqueue_indirect_dma source(%dma_start3A_67 : memref<10112x128xf32, #tpu.memory_space<hbm>>) target(%dma_start3A_61 : memref<128x128xf32, #tpu.memory_space<vmem>>) offsets(%dma_start3A_64 : memref<128xi32, #tpu.memory_space<vmem>>) semaphore(%arg11 : memref<!tpu.dma_semaphore, #tpu.memory_space<semaphore_mem>>)
      %run_scoped3A = arith.constant 0 : i32
      "tpu.region"() ({
        %run_scoped3A_88 = tpu.sem_alloc : memref<!tpu.dma_semaphore, #tpu.memory_space<semaphore_mem>>
        %dma_start3A_89 = arith.constant 0 : i32
        %dma_start3A_90 = arith.constant 0 : i32
        %dma_start3A_91 = tpu.memref_slice %arg9[%run_scoped3A, %dma_start3A_89, %dma_start3A_90] : memref<2x128x128xf32, #tpu.memory_space<vmem>> -> memref<1x128x128xf32, #tpu.memory_space<vmem>>
        %dma_start3A_92 = tpu.memref_squeeze %dma_start3A_91 : memref<1x128x128xf32, #tpu.memory_space<vmem>> -> memref<128x128xf32, #tpu.memory_space<vmem>>
        %dma_start3A_93 = arith.constant 0 : i32
        %dma_start3A_94 = tpu.memref_slice %arg8[%mul3A_44, %dma_start3A_93] : memref<40x128xi32, #tpu.memory_space<vmem>> -> memref<1x128xi32, #tpu.memory_space<vmem>>
        %dma_start3A_95 = tpu.memref_squeeze %dma_start3A_94 : memref<1x128xi32, #tpu.memory_space<vmem>> -> memref<128xi32, #tpu.memory_space<vmem>>
        %dma_start3A_96 = arith.constant 0 : i32
        %dma_start3A_97 = arith.constant 0 : i32
        %dma_start3A_98 = tpu.memref_slice %arg10[%dma_start3A_96, %dma_start3A_97] : memref<10112x128xf32, #tpu.memory_space<vmem_shared>> -> memref<10112x128xf32, #tpu.memory_space<vmem_shared>>
        tpu.enqueue_indirect_dma source(%dma_start3A_92 : memref<128x128xf32, #tpu.memory_space<vmem>>) target(%dma_start3A_98 : memref<10112x128xf32, #tpu.memory_space<vmem_shared>>) offsets(%dma_start3A_95 : memref<128xi32, #tpu.memory_space<vmem>>) semaphore(%run_scoped3A_88 : memref<!tpu.dma_semaphore, #tpu.memory_space<semaphore_mem>>) {add = true}
        %dma_wait3A_99 = arith.constant 0 : i32
        %dma_wait3A_100 = arith.constant 0 : i32
        %dma_wait3A_101 = tpu.memref_slice %arg9[%run_scoped3A, %dma_wait3A_99, %dma_wait3A_100] : memref<2x128x128xf32, #tpu.memory_space<vmem>> -> memref<1x128x128xf32, #tpu.memory_space<vmem>>
        %dma_wait3A_102 = tpu.memref_squeeze %dma_wait3A_101 : memref<1x128x128xf32, #tpu.memory_space<vmem>> -> memref<128x128xf32, #tpu.memory_space<vmem>>
        %dma_wait3A_103 = arith.constant 0 : i32
        %dma_wait3A_104 = tpu.memref_slice %arg8[%mul3A_44, %dma_wait3A_103] : memref<40x128xi32, #tpu.memory_space<vmem>> -> memref<1x128xi32, #tpu.memory_space<vmem>>
        %dma_wait3A_105 = tpu.memref_squeeze %dma_wait3A_104 : memref<1x128xi32, #tpu.memory_space<vmem>> -> memref<128xi32, #tpu.memory_space<vmem>>
        %dma_wait3A_106 = arith.constant 0 : i32
        %dma_wait3A_107 = arith.constant 0 : i32
        %dma_wait3A_108 = tpu.memref_slice %arg10[%dma_wait3A_106, %dma_wait3A_107] : memref<10112x128xf32, #tpu.memory_space<vmem_shared>> -> memref<10112x128xf32, #tpu.memory_space<vmem_shared>>
        tpu.wait_indirect_dma semaphore(%run_scoped3A_88 : memref<!tpu.dma_semaphore, #tpu.memory_space<semaphore_mem>>) src(%dma_wait3A_102 : memref<128x128xf32, #tpu.memory_space<vmem>>) dst(%dma_wait3A_108 : memref<10112x128xf32, #tpu.memory_space<vmem_shared>>)
        tpu.yield
      }) : () -> ()
      %add3A_68 = arith.constant 1 : i32
      %add3A_69 = arith.addi %mul3A_44, %add3A_68 : i32
      %dma_wait3A_70 = arith.constant 1 : i32
      %dma_wait3A_71 = arith.constant 0 : i32
      %dma_wait3A_72 = arith.constant 0 : i32
      %dma_wait3A_73 = tpu.memref_slice %arg9[%dma_wait3A_70, %dma_wait3A_71, %dma_wait3A_72] : memref<2x128x128xf32, #tpu.memory_space<vmem>> -> memref<1x128x128xf32, #tpu.memory_space<vmem>>
      %dma_wait3A_74 = tpu.memref_squeeze %dma_wait3A_73 : memref<1x128x128xf32, #tpu.memory_space<vmem>> -> memref<128x128xf32, #tpu.memory_space<vmem>>
      %dma_wait3A_75 = arith.constant 0 : i32
      %dma_wait3A_76 = tpu.memref_slice %arg7[%add3A_69, %dma_wait3A_75] : memref<40x128xi32, #tpu.memory_space<vmem>> -> memref<1x128xi32, #tpu.memory_space<vmem>>
      %dma_wait3A_77 = tpu.memref_squeeze %dma_wait3A_76 : memref<1x128xi32, #tpu.memory_space<vmem>> -> memref<128xi32, #tpu.memory_space<vmem>>
      %dma_wait3A_78 = arith.constant 0 : i32
      %dma_wait3A_79 = arith.constant 0 : i32
      %dma_wait3A_80 = tpu.memref_slice %arg2[%dma_wait3A_78, %dma_wait3A_79] : memref<10112x128xf32, #tpu.memory_space<hbm>> -> memref<10112x128xf32, #tpu.memory_space<hbm>>
      tpu.wait_indirect_dma semaphore(%arg11 : memref<!tpu.dma_semaphore, #tpu.memory_space<semaphore_mem>>) src(%dma_wait3A_80 : memref<10112x128xf32, #tpu.memory_space<hbm>>) dst(%dma_wait3A_74 : memref<128x128xf32, #tpu.memory_space<vmem>>)
      %add3A_81 = arith.constant 2 : i32
      %add3A_82 = arith.addi %mul3A_44, %add3A_81 : i32
      %lt3A = arith.constant 40 : i32
      %lt3A_83 = arith.cmpi slt, %add3A_82, %lt3A : i32
      %convert_element_type3A = arith.extui %lt3A_83 : i1 to i32
      %cond3A = arith.constant 0 : i32
      %cond3A_84 = arith.cmpi ne, %convert_element_type3A, %cond3A : i32
      scf.if %cond3A_84 {
        %add3A_88 = arith.constant 2 : i32
        %add3A_89 = arith.addi %mul3A_44, %add3A_88 : i32
        %dma_start3A_90 = arith.constant 0 : i32
        %dma_start3A_91 = arith.constant 0 : i32
        %dma_start3A_92 = arith.constant 0 : i32
        %dma_start3A_93 = tpu.memref_slice %arg9[%dma_start3A_90, %dma_start3A_91, %dma_start3A_92] : memref<2x128x128xf32, #tpu.memory_space<vmem>> -> memref<1x128x128xf32, #tpu.memory_space<vmem>>
        %dma_start3A_94 = tpu.memref_squeeze %dma_start3A_93 : memref<1x128x128xf32, #tpu.memory_space<vmem>> -> memref<128x128xf32, #tpu.memory_space<vmem>>
        %dma_start3A_95 = arith.constant 0 : i32
        %dma_start3A_96 = tpu.memref_slice %arg7[%add3A_89, %dma_start3A_95] : memref<40x128xi32, #tpu.memory_space<vmem>> -> memref<1x128xi32, #tpu.memory_space<vmem>>
        %dma_start3A_97 = tpu.memref_squeeze %dma_start3A_96 : memref<1x128xi32, #tpu.memory_space<vmem>> -> memref<128xi32, #tpu.memory_space<vmem>>
        %dma_start3A_98 = arith.constant 0 : i32
        %dma_start3A_99 = arith.constant 0 : i32
        %dma_start3A_100 = tpu.memref_slice %arg2[%dma_start3A_98, %dma_start3A_99] : memref<10112x128xf32, #tpu.memory_space<hbm>> -> memref<10112x128xf32, #tpu.memory_space<hbm>>
        tpu.enqueue_indirect_dma source(%dma_start3A_100 : memref<10112x128xf32, #tpu.memory_space<hbm>>) target(%dma_start3A_94 : memref<128x128xf32, #tpu.memory_space<vmem>>) offsets(%dma_start3A_97 : memref<128xi32, #tpu.memory_space<vmem>>) semaphore(%arg11 : memref<!tpu.dma_semaphore, #tpu.memory_space<semaphore_mem>>)
      } else {
      }
      %add3A_85 = arith.constant 1 : i32
      %add3A_86 = arith.addi %mul3A_44, %add3A_85 : i32
      %run_scoped3A_87 = arith.constant 1 : i32
      "tpu.region"() ({
        %run_scoped3A_88 = tpu.sem_alloc : memref<!tpu.dma_semaphore, #tpu.memory_space<semaphore_mem>>
        %dma_start3A_89 = arith.constant 0 : i32
        %dma_start3A_90 = arith.constant 0 : i32
        %dma_start3A_91 = tpu.memref_slice %arg9[%run_scoped3A_87, %dma_start3A_89, %dma_start3A_90] : memref<2x128x128xf32, #tpu.memory_space<vmem>> -> memref<1x128x128xf32, #tpu.memory_space<vmem>>
        %dma_start3A_92 = tpu.memref_squeeze %dma_start3A_91 : memref<1x128x128xf32, #tpu.memory_space<vmem>> -> memref<128x128xf32, #tpu.memory_space<vmem>>
        %dma_start3A_93 = arith.constant 0 : i32
        %dma_start3A_94 = tpu.memref_slice %arg8[%add3A_86, %dma_start3A_93] : memref<40x128xi32, #tpu.memory_space<vmem>> -> memref<1x128xi32, #tpu.memory_space<vmem>>
        %dma_start3A_95 = tpu.memref_squeeze %dma_start3A_94 : memref<1x128xi32, #tpu.memory_space<vmem>> -> memref<128xi32, #tpu.memory_space<vmem>>
        %dma_start3A_96 = arith.constant 0 : i32
        %dma_start3A_97 = arith.constant 0 : i32
        %dma_start3A_98 = tpu.memref_slice %arg10[%dma_start3A_96, %dma_start3A_97] : memref<10112x128xf32, #tpu.memory_space<vmem_shared>> -> memref<10112x128xf32, #tpu.memory_space<vmem_shared>>
        tpu.enqueue_indirect_dma source(%dma_start3A_92 : memref<128x128xf32, #tpu.memory_space<vmem>>) target(%dma_start3A_98 : memref<10112x128xf32, #tpu.memory_space<vmem_shared>>) offsets(%dma_start3A_95 : memref<128xi32, #tpu.memory_space<vmem>>) semaphore(%run_scoped3A_88 : memref<!tpu.dma_semaphore, #tpu.memory_space<semaphore_mem>>) {add = true}
        %dma_wait3A_99 = arith.constant 0 : i32
        %dma_wait3A_100 = arith.constant 0 : i32
        %dma_wait3A_101 = tpu.memref_slice %arg9[%run_scoped3A_87, %dma_wait3A_99, %dma_wait3A_100] : memref<2x128x128xf32, #tpu.memory_space<vmem>> -> memref<1x128x128xf32, #tpu.memory_space<vmem>>
        %dma_wait3A_102 = tpu.memref_squeeze %dma_wait3A_101 : memref<1x128x128xf32, #tpu.memory_space<vmem>> -> memref<128x128xf32, #tpu.memory_space<vmem>>
        %dma_wait3A_103 = arith.constant 0 : i32
        %dma_wait3A_104 = tpu.memref_slice %arg8[%add3A_86, %dma_wait3A_103] : memref<40x128xi32, #tpu.memory_space<vmem>> -> memref<1x128xi32, #tpu.memory_space<vmem>>
        %dma_wait3A_105 = tpu.memref_squeeze %dma_wait3A_104 : memref<1x128xi32, #tpu.memory_space<vmem>> -> memref<128xi32, #tpu.memory_space<vmem>>
        %dma_wait3A_106 = arith.constant 0 : i32
        %dma_wait3A_107 = arith.constant 0 : i32
        %dma_wait3A_108 = tpu.memref_slice %arg10[%dma_wait3A_106, %dma_wait3A_107] : memref<10112x128xf32, #tpu.memory_space<vmem_shared>> -> memref<10112x128xf32, #tpu.memory_space<vmem_shared>>
        tpu.wait_indirect_dma semaphore(%run_scoped3A_88 : memref<!tpu.dma_semaphore, #tpu.memory_space<semaphore_mem>>) src(%dma_wait3A_102 : memref<128x128xf32, #tpu.memory_space<vmem>>) dst(%dma_wait3A_108 : memref<10112x128xf32, #tpu.memory_space<vmem_shared>>)
        tpu.yield
      }) : () -> ()
    }
    %scan3A_36 = arith.constant 20 : i32
    %barrier3A_37 = arith.constant 0 : index
    tpu.barrier barrier_id(%barrier3A_37)
    %mul3A_38 = arith.constant 632 : i32
    %mul3A_39 = arith.muli %arg1, %mul3A_38 : i32
    %mul3A_40 = arith.constant 632 : i32
    %mul3A_41 = arith.muli %arg1, %mul3A_40 : i32
    "tpu.region"() ({
      %run_scoped3A = tpu.sem_alloc : memref<!tpu.dma_semaphore, #tpu.memory_space<semaphore_mem>>
      %dma_start3A_42 = arith.constant 0 : i32
      %dma_start3A_43 = tpu.memref_slice %arg6[%arg0, %mul3A_41, %dma_start3A_42] : memref<2x10112x128xf32, #tpu.memory_space<hbm>> -> memref<1x632x128xf32, #tpu.memory_space<hbm>>
      %dma_start3A_44 = tpu.memref_squeeze %dma_start3A_43 : memref<1x632x128xf32, #tpu.memory_space<hbm>> -> memref<632x128xf32, #tpu.memory_space<hbm>>
      %dma_start3A_45 = arith.constant 0 : i32
      %dma_start3A_46 = tpu.memref_slice %arg10[%mul3A_39, %dma_start3A_45] : memref<10112x128xf32, #tpu.memory_space<vmem_shared>> -> memref<632x128xf32, #tpu.memory_space<vmem_shared>>
      tpu.enqueue_dma source(%dma_start3A_46 : memref<632x128xf32, #tpu.memory_space<vmem_shared>>) target(%dma_start3A_44 : memref<632x128xf32, #tpu.memory_space<hbm>>) target_semaphore(%run_scoped3A : memref<!tpu.dma_semaphore, #tpu.memory_space<semaphore_mem>>)
      %dma_wait3A = arith.constant 0 : i32
      %dma_wait3A_47 = tpu.memref_slice %arg6[%arg0, %mul3A_41, %dma_wait3A] : memref<2x10112x128xf32, #tpu.memory_space<hbm>> -> memref<1x632x128xf32, #tpu.memory_space<hbm>>
      %dma_wait3A_48 = tpu.memref_squeeze %dma_wait3A_47 : memref<1x632x128xf32, #tpu.memory_space<hbm>> -> memref<632x128xf32, #tpu.memory_space<hbm>>
      %dma_wait3A_49 = arith.constant 0 : i32
      %dma_wait3A_50 = tpu.memref_slice %arg10[%mul3A_39, %dma_wait3A_49] : memref<10112x128xf32, #tpu.memory_space<vmem_shared>> -> memref<632x128xf32, #tpu.memory_space<vmem_shared>>
      tpu.wait_dma2 semaphore(%run_scoped3A : memref<!tpu.dma_semaphore, #tpu.memory_space<semaphore_mem>>) src(%dma_wait3A_50 : memref<632x128xf32, #tpu.memory_space<vmem_shared>>) dst(%dma_wait3A_48 : memref<632x128xf32, #tpu.memory_space<hbm>>)
      tpu.yield
    }) : () -> ()
    return
  }
}

#map = affine_map<(d0, d1) -> (0, 0)>
#map1 = affine_map<(d0, d1) -> (0, 0, 0)>
module attributes {stable_mosaic.version = 14 : i64} {
  func.func @_agg_kernel(%arg0: i32, %arg1: i32, %arg2: memref<10112x128xf32, #tpu.memory_space<hbm>>, %arg3: memref<32x80x128xi32, #tpu.memory_space<hbm>>, %arg4: memref<32x80x128xi32, #tpu.memory_space<hbm>>, %arg5: memref<632x128xf32, #tpu.memory_space<hbm>>, %arg6: memref<2x10112x128xf32, #tpu.memory_space<hbm>>, %arg7: memref<40x128xi32, #tpu.memory_space<vmem>>, %arg8: memref<40x128xi32, #tpu.memory_space<vmem>>, %arg9: memref<2x128x128xf32, #tpu.memory_space<vmem>>, %arg10: memref<10112x128xf32, #tpu.memory_space<vmem_shared>>, %arg11: memref<!tpu.dma_semaphore, #tpu.memory_space<semaphore_mem>>) attributes {dimension_semantics = [#tpu.dimension_semantics<core_parallel>, #tpu.dimension_semantics<subcore_parallel>], iteration_bounds = array<i64: 2, 16>, scalar_prefetch = 0 : i64, scratch_operands = 5 : i64, tpu.core_type = #tpu.core_type<sc_vector_subcore>, window_params = [{transform_indices = #map}, {transform_indices = #map1}, {transform_indices = #map1}, {transform_indices = #map}, {transform_indices = #map1}]} {
    %mul3A = arith.constant 16 : i32
    %mul3A_0 = arith.muli %arg0, %mul3A : i32
    %add3A = arith.addi %mul3A_0, %arg1 : i32
    %mul3A_1 = arith.constant 632 : i32
    %mul3A_2 = arith.muli %arg1, %mul3A_1 : i32
    "tpu.region"() ({
      %run_scoped3A = tpu.sem_alloc : memref<!tpu.dma_semaphore, #tpu.memory_space<semaphore_mem>>
      %dma_start3A_42 = arith.constant 0 : i32
      %dma_start3A_43 = tpu.memref_slice %arg10[%mul3A_2, %dma_start3A_42] : memref<10112x128xf32, #tpu.memory_space<vmem_shared>> -> memref<632x128xf32, #tpu.memory_space<vmem_shared>>
      tpu.enqueue_dma source(%arg5 : memref<632x128xf32, #tpu.memory_space<hbm>>) target(%dma_start3A_43 : memref<632x128xf32, #tpu.memory_space<vmem_shared>>) target_semaphore(%run_scoped3A : memref<!tpu.dma_semaphore, #tpu.memory_space<semaphore_mem>>)
      %dma_wait3A = arith.constant 0 : i32
      %dma_wait3A_44 = tpu.memref_slice %arg10[%mul3A_2, %dma_wait3A] : memref<10112x128xf32, #tpu.memory_space<vmem_shared>> -> memref<632x128xf32, #tpu.memory_space<vmem_shared>>
      tpu.wait_dma2 semaphore(%run_scoped3A : memref<!tpu.dma_semaphore, #tpu.memory_space<semaphore_mem>>) src(%arg5 : memref<632x128xf32, #tpu.memory_space<hbm>>) dst(%dma_wait3A_44 : memref<632x128xf32, #tpu.memory_space<vmem_shared>>)
      tpu.yield
    }) : () -> ()
    %barrier3A = arith.constant 0 : index
    tpu.barrier barrier_id(%barrier3A)
    "tpu.region"() ({
      %run_scoped3A = tpu.sem_alloc : memref<!tpu.dma_semaphore, #tpu.memory_space<semaphore_mem>>
      %dma_start3A_42 = arith.constant 0 : i32
      %dma_start3A_43 = arith.constant 0 : i32
      %dma_start3A_44 = tpu.memref_slice %arg3[%add3A, %dma_start3A_42, %dma_start3A_43] : memref<32x80x128xi32, #tpu.memory_space<hbm>> -> memref<1x40x128xi32, #tpu.memory_space<hbm>>
      %dma_start3A_45 = tpu.memref_squeeze %dma_start3A_44 : memref<1x40x128xi32, #tpu.memory_space<hbm>> -> memref<40x128xi32, #tpu.memory_space<hbm>>
      %dma_start3A_46 = arith.constant 0 : i32
      %dma_start3A_47 = arith.constant 0 : i32
      %dma_start3A_48 = tpu.memref_slice %arg3[%add3A, %dma_start3A_46, %dma_start3A_47] : memref<32x80x128xi32, #tpu.memory_space<hbm>> -> memref<1x40x128xi32, #tpu.memory_space<hbm>>
      %dma_start3A_49 = tpu.memref_squeeze %dma_start3A_48 : memref<1x40x128xi32, #tpu.memory_space<hbm>> -> memref<40x128xi32, #tpu.memory_space<hbm>>
      tpu.enqueue_dma source(%dma_start3A_49 : memref<40x128xi32, #tpu.memory_space<hbm>>) target(%arg7 : memref<40x128xi32, #tpu.memory_space<vmem>>) target_semaphore(%run_scoped3A : memref<!tpu.dma_semaphore, #tpu.memory_space<semaphore_mem>>)
      %dma_wait3A = arith.constant 0 : i32
      %dma_wait3A_50 = arith.constant 0 : i32
      %dma_wait3A_51 = tpu.memref_slice %arg3[%add3A, %dma_wait3A, %dma_wait3A_50] : memref<32x80x128xi32, #tpu.memory_space<hbm>> -> memref<1x40x128xi32, #tpu.memory_space<hbm>>
      %dma_wait3A_52 = tpu.memref_squeeze %dma_wait3A_51 : memref<1x40x128xi32, #tpu.memory_space<hbm>> -> memref<40x128xi32, #tpu.memory_space<hbm>>
      %dma_wait3A_53 = arith.constant 0 : i32
      %dma_wait3A_54 = arith.constant 0 : i32
      %dma_wait3A_55 = tpu.memref_slice %arg3[%add3A, %dma_wait3A_53, %dma_wait3A_54] : memref<32x80x128xi32, #tpu.memory_space<hbm>> -> memref<1x40x128xi32, #tpu.memory_space<hbm>>
      %dma_wait3A_56 = tpu.memref_squeeze %dma_wait3A_55 : memref<1x40x128xi32, #tpu.memory_space<hbm>> -> memref<40x128xi32, #tpu.memory_space<hbm>>
      tpu.wait_dma2 semaphore(%run_scoped3A : memref<!tpu.dma_semaphore, #tpu.memory_space<semaphore_mem>>) src(%dma_wait3A_56 : memref<40x128xi32, #tpu.memory_space<hbm>>) dst(%arg7 : memref<40x128xi32, #tpu.memory_space<vmem>>)
      tpu.yield
    }) : () -> ()
    "tpu.region"() ({
      %run_scoped3A = tpu.sem_alloc : memref<!tpu.dma_semaphore, #tpu.memory_space<semaphore_mem>>
      %dma_start3A_42 = arith.constant 0 : i32
      %dma_start3A_43 = arith.constant 0 : i32
      %dma_start3A_44 = tpu.memref_slice %arg4[%add3A, %dma_start3A_42, %dma_start3A_43] : memref<32x80x128xi32, #tpu.memory_space<hbm>> -> memref<1x40x128xi32, #tpu.memory_space<hbm>>
      %dma_start3A_45 = tpu.memref_squeeze %dma_start3A_44 : memref<1x40x128xi32, #tpu.memory_space<hbm>> -> memref<40x128xi32, #tpu.memory_space<hbm>>
      %dma_start3A_46 = arith.constant 0 : i32
      %dma_start3A_47 = arith.constant 0 : i32
      %dma_start3A_48 = tpu.memref_slice %arg4[%add3A, %dma_start3A_46, %dma_start3A_47] : memref<32x80x128xi32, #tpu.memory_space<hbm>> -> memref<1x40x128xi32, #tpu.memory_space<hbm>>
      %dma_start3A_49 = tpu.memref_squeeze %dma_start3A_48 : memref<1x40x128xi32, #tpu.memory_space<hbm>> -> memref<40x128xi32, #tpu.memory_space<hbm>>
      tpu.enqueue_dma source(%dma_start3A_49 : memref<40x128xi32, #tpu.memory_space<hbm>>) target(%arg8 : memref<40x128xi32, #tpu.memory_space<vmem>>) target_semaphore(%run_scoped3A : memref<!tpu.dma_semaphore, #tpu.memory_space<semaphore_mem>>)
      %dma_wait3A = arith.constant 0 : i32
      %dma_wait3A_50 = arith.constant 0 : i32
      %dma_wait3A_51 = tpu.memref_slice %arg4[%add3A, %dma_wait3A, %dma_wait3A_50] : memref<32x80x128xi32, #tpu.memory_space<hbm>> -> memref<1x40x128xi32, #tpu.memory_space<hbm>>
      %dma_wait3A_52 = tpu.memref_squeeze %dma_wait3A_51 : memref<1x40x128xi32, #tpu.memory_space<hbm>> -> memref<40x128xi32, #tpu.memory_space<hbm>>
      %dma_wait3A_53 = arith.constant 0 : i32
      %dma_wait3A_54 = arith.constant 0 : i32
      %dma_wait3A_55 = tpu.memref_slice %arg4[%add3A, %dma_wait3A_53, %dma_wait3A_54] : memref<32x80x128xi32, #tpu.memory_space<hbm>> -> memref<1x40x128xi32, #tpu.memory_space<hbm>>
      %dma_wait3A_56 = tpu.memref_squeeze %dma_wait3A_55 : memref<1x40x128xi32, #tpu.memory_space<hbm>> -> memref<40x128xi32, #tpu.memory_space<hbm>>
      tpu.wait_dma2 semaphore(%run_scoped3A : memref<!tpu.dma_semaphore, #tpu.memory_space<semaphore_mem>>) src(%dma_wait3A_56 : memref<40x128xi32, #tpu.memory_space<hbm>>) dst(%arg8 : memref<40x128xi32, #tpu.memory_space<vmem>>)
      tpu.yield
    }) : () -> ()
    %dma_start3A = arith.constant 0 : i32
    %dma_start3A_3 = arith.constant 0 : i32
    %dma_start3A_4 = arith.constant 0 : i32
    %dma_start3A_5 = arith.constant 0 : i32
    %dma_start3A_6 = tpu.memref_slice %arg9[%dma_start3A_3, %dma_start3A_4, %dma_start3A_5] : memref<2x128x128xf32, #tpu.memory_space<vmem>> -> memref<1x128x128xf32, #tpu.memory_space<vmem>>
    %dma_start3A_7 = tpu.memref_squeeze %dma_start3A_6 : memref<1x128x128xf32, #tpu.memory_space<vmem>> -> memref<128x128xf32, #tpu.memory_space<vmem>>
    %dma_start3A_8 = arith.constant 0 : i32
    %dma_start3A_9 = tpu.memref_slice %arg7[%dma_start3A, %dma_start3A_8] : memref<40x128xi32, #tpu.memory_space<vmem>> -> memref<1x128xi32, #tpu.memory_space<vmem>>
    %dma_start3A_10 = tpu.memref_squeeze %dma_start3A_9 : memref<1x128xi32, #tpu.memory_space<vmem>> -> memref<128xi32, #tpu.memory_space<vmem>>
    %dma_start3A_11 = arith.constant 0 : i32
    %dma_start3A_12 = arith.constant 0 : i32
    %dma_start3A_13 = tpu.memref_slice %arg2[%dma_start3A_11, %dma_start3A_12] : memref<10112x128xf32, #tpu.memory_space<hbm>> -> memref<10112x128xf32, #tpu.memory_space<hbm>>
    tpu.enqueue_indirect_dma source(%dma_start3A_13 : memref<10112x128xf32, #tpu.memory_space<hbm>>) target(%dma_start3A_7 : memref<128x128xf32, #tpu.memory_space<vmem>>) offsets(%dma_start3A_10 : memref<128xi32, #tpu.memory_space<vmem>>) semaphore(%arg11 : memref<!tpu.dma_semaphore, #tpu.memory_space<semaphore_mem>>)
    %scan3A = arith.constant 0 : i32
    %scan3A_14 = arith.constant 0 : i32
    %scan3A_15 = arith.constant 20 : i32
    %scan3A_16 = arith.addi %scan3A_14, %scan3A_15 : i32
    %scan3A_17 = arith.constant 1 : i32
    scf.for %scan3A_42 = %scan3A_14 to %scan3A_16 step %scan3A_17  : i32 {
      %mul3A_43 = arith.constant 2 : i32
      %mul3A_44 = arith.muli %scan3A_42, %mul3A_43 : i32
      %dma_wait3A = arith.constant 0 : i32
      %dma_wait3A_45 = arith.constant 0 : i32
      %dma_wait3A_46 = arith.constant 0 : i32
      %dma_wait3A_47 = tpu.memref_slice %arg9[%dma_wait3A, %dma_wait3A_45, %dma_wait3A_46] : memref<2x128x128xf32, #tpu.memory_space<vmem>> -> memref<1x128x128xf32, #tpu.memory_space<vmem>>
      %dma_wait3A_48 = tpu.memref_squeeze %dma_wait3A_47 : memref<1x128x128xf32, #tpu.memory_space<vmem>> -> memref<128x128xf32, #tpu.memory_space<vmem>>
      %dma_wait3A_49 = arith.constant 0 : i32
      %dma_wait3A_50 = tpu.memref_slice %arg7[%mul3A_44, %dma_wait3A_49] : memref<40x128xi32, #tpu.memory_space<vmem>> -> memref<1x128xi32, #tpu.memory_space<vmem>>
      %dma_wait3A_51 = tpu.memref_squeeze %dma_wait3A_50 : memref<1x128xi32, #tpu.memory_space<vmem>> -> memref<128xi32, #tpu.memory_space<vmem>>
      %dma_wait3A_52 = arith.constant 0 : i32
      %dma_wait3A_53 = arith.constant 0 : i32
      %dma_wait3A_54 = tpu.memref_slice %arg2[%dma_wait3A_52, %dma_wait3A_53] : memref<10112x128xf32, #tpu.memory_space<hbm>> -> memref<10112x128xf32, #tpu.memory_space<hbm>>
      tpu.wait_indirect_dma semaphore(%arg11 : memref<!tpu.dma_semaphore, #tpu.memory_space<semaphore_mem>>) src(%dma_wait3A_54 : memref<10112x128xf32, #tpu.memory_space<hbm>>) dst(%dma_wait3A_48 : memref<128x128xf32, #tpu.memory_space<vmem>>)
      %add3A_55 = arith.constant 1 : i32
      %add3A_56 = arith.addi %mul3A_44, %add3A_55 : i32
      %dma_start3A_57 = arith.constant 1 : i32
      %dma_start3A_58 = arith.constant 0 : i32
      %dma_start3A_59 = arith.constant 0 : i32
      %dma_start3A_60 = tpu.memref_slice %arg9[%dma_start3A_57, %dma_start3A_58, %dma_start3A_59] : memref<2x128x128xf32, #tpu.memory_space<vmem>> -> memref<1x128x128xf32, #tpu.memory_space<vmem>>
      %dma_start3A_61 = tpu.memref_squeeze %dma_start3A_60 : memref<1x128x128xf32, #tpu.memory_space<vmem>> -> memref<128x128xf32, #tpu.memory_space<vmem>>
      %dma_start3A_62 = arith.constant 0 : i32
      %dma_start3A_63 = tpu.memref_slice %arg7[%add3A_56, %dma_start3A_62] : memref<40x128xi32, #tpu.memory_space<vmem>> -> memref<1x128xi32, #tpu.memory_space<vmem>>
      %dma_start3A_64 = tpu.memref_squeeze %dma_start3A_63 : memref<1x128xi32, #tpu.memory_space<vmem>> -> memref<128xi32, #tpu.memory_space<vmem>>
      %dma_start3A_65 = arith.constant 0 : i32
      %dma_start3A_66 = arith.constant 0 : i32
      %dma_start3A_67 = tpu.memref_slice %arg2[%dma_start3A_65, %dma_start3A_66] : memref<10112x128xf32, #tpu.memory_space<hbm>> -> memref<10112x128xf32, #tpu.memory_space<hbm>>
      tpu.enqueue_indirect_dma source(%dma_start3A_67 : memref<10112x128xf32, #tpu.memory_space<hbm>>) target(%dma_start3A_61 : memref<128x128xf32, #tpu.memory_space<vmem>>) offsets(%dma_start3A_64 : memref<128xi32, #tpu.memory_space<vmem>>) semaphore(%arg11 : memref<!tpu.dma_semaphore, #tpu.memory_space<semaphore_mem>>)
      %run_scoped3A = arith.constant 0 : i32
      "tpu.region"() ({
        %run_scoped3A_88 = tpu.sem_alloc : memref<!tpu.dma_semaphore, #tpu.memory_space<semaphore_mem>>
        %dma_start3A_89 = arith.constant 0 : i32
        %dma_start3A_90 = arith.constant 0 : i32
        %dma_start3A_91 = tpu.memref_slice %arg9[%run_scoped3A, %dma_start3A_89, %dma_start3A_90] : memref<2x128x128xf32, #tpu.memory_space<vmem>> -> memref<1x128x128xf32, #tpu.memory_space<vmem>>
        %dma_start3A_92 = tpu.memref_squeeze %dma_start3A_91 : memref<1x128x128xf32, #tpu.memory_space<vmem>> -> memref<128x128xf32, #tpu.memory_space<vmem>>
        %dma_start3A_93 = arith.constant 0 : i32
        %dma_start3A_94 = tpu.memref_slice %arg8[%mul3A_44, %dma_start3A_93] : memref<40x128xi32, #tpu.memory_space<vmem>> -> memref<1x128xi32, #tpu.memory_space<vmem>>
        %dma_start3A_95 = tpu.memref_squeeze %dma_start3A_94 : memref<1x128xi32, #tpu.memory_space<vmem>> -> memref<128xi32, #tpu.memory_space<vmem>>
        %dma_start3A_96 = arith.constant 0 : i32
        %dma_start3A_97 = arith.constant 0 : i32
        %dma_start3A_98 = tpu.memref_slice %arg10[%dma_start3A_96, %dma_start3A_97] : memref<10112x128xf32, #tpu.memory_space<vmem_shared>> -> memref<10112x128xf32, #tpu.memory_space<vmem_shared>>
        tpu.enqueue_indirect_dma source(%dma_start3A_92 : memref<128x128xf32, #tpu.memory_space<vmem>>) target(%dma_start3A_98 : memref<10112x128xf32, #tpu.memory_space<vmem_shared>>) offsets(%dma_start3A_95 : memref<128xi32, #tpu.memory_space<vmem>>) semaphore(%run_scoped3A_88 : memref<!tpu.dma_semaphore, #tpu.memory_space<semaphore_mem>>) {add = true}
        %dma_wait3A_99 = arith.constant 0 : i32
        %dma_wait3A_100 = arith.constant 0 : i32
        %dma_wait3A_101 = tpu.memref_slice %arg9[%run_scoped3A, %dma_wait3A_99, %dma_wait3A_100] : memref<2x128x128xf32, #tpu.memory_space<vmem>> -> memref<1x128x128xf32, #tpu.memory_space<vmem>>
        %dma_wait3A_102 = tpu.memref_squeeze %dma_wait3A_101 : memref<1x128x128xf32, #tpu.memory_space<vmem>> -> memref<128x128xf32, #tpu.memory_space<vmem>>
        %dma_wait3A_103 = arith.constant 0 : i32
        %dma_wait3A_104 = tpu.memref_slice %arg8[%mul3A_44, %dma_wait3A_103] : memref<40x128xi32, #tpu.memory_space<vmem>> -> memref<1x128xi32, #tpu.memory_space<vmem>>
        %dma_wait3A_105 = tpu.memref_squeeze %dma_wait3A_104 : memref<1x128xi32, #tpu.memory_space<vmem>> -> memref<128xi32, #tpu.memory_space<vmem>>
        %dma_wait3A_106 = arith.constant 0 : i32
        %dma_wait3A_107 = arith.constant 0 : i32
        %dma_wait3A_108 = tpu.memref_slice %arg10[%dma_wait3A_106, %dma_wait3A_107] : memref<10112x128xf32, #tpu.memory_space<vmem_shared>> -> memref<10112x128xf32, #tpu.memory_space<vmem_shared>>
        tpu.wait_indirect_dma semaphore(%run_scoped3A_88 : memref<!tpu.dma_semaphore, #tpu.memory_space<semaphore_mem>>) src(%dma_wait3A_102 : memref<128x128xf32, #tpu.memory_space<vmem>>) dst(%dma_wait3A_108 : memref<10112x128xf32, #tpu.memory_space<vmem_shared>>)
        tpu.yield
      }) : () -> ()
      %add3A_68 = arith.constant 1 : i32
      %add3A_69 = arith.addi %mul3A_44, %add3A_68 : i32
      %dma_wait3A_70 = arith.constant 1 : i32
      %dma_wait3A_71 = arith.constant 0 : i32
      %dma_wait3A_72 = arith.constant 0 : i32
      %dma_wait3A_73 = tpu.memref_slice %arg9[%dma_wait3A_70, %dma_wait3A_71, %dma_wait3A_72] : memref<2x128x128xf32, #tpu.memory_space<vmem>> -> memref<1x128x128xf32, #tpu.memory_space<vmem>>
      %dma_wait3A_74 = tpu.memref_squeeze %dma_wait3A_73 : memref<1x128x128xf32, #tpu.memory_space<vmem>> -> memref<128x128xf32, #tpu.memory_space<vmem>>
      %dma_wait3A_75 = arith.constant 0 : i32
      %dma_wait3A_76 = tpu.memref_slice %arg7[%add3A_69, %dma_wait3A_75] : memref<40x128xi32, #tpu.memory_space<vmem>> -> memref<1x128xi32, #tpu.memory_space<vmem>>
      %dma_wait3A_77 = tpu.memref_squeeze %dma_wait3A_76 : memref<1x128xi32, #tpu.memory_space<vmem>> -> memref<128xi32, #tpu.memory_space<vmem>>
      %dma_wait3A_78 = arith.constant 0 : i32
      %dma_wait3A_79 = arith.constant 0 : i32
      %dma_wait3A_80 = tpu.memref_slice %arg2[%dma_wait3A_78, %dma_wait3A_79] : memref<10112x128xf32, #tpu.memory_space<hbm>> -> memref<10112x128xf32, #tpu.memory_space<hbm>>
      tpu.wait_indirect_dma semaphore(%arg11 : memref<!tpu.dma_semaphore, #tpu.memory_space<semaphore_mem>>) src(%dma_wait3A_80 : memref<10112x128xf32, #tpu.memory_space<hbm>>) dst(%dma_wait3A_74 : memref<128x128xf32, #tpu.memory_space<vmem>>)
      %add3A_81 = arith.constant 2 : i32
      %add3A_82 = arith.addi %mul3A_44, %add3A_81 : i32
      %lt3A = arith.constant 40 : i32
      %lt3A_83 = arith.cmpi slt, %add3A_82, %lt3A : i32
      %convert_element_type3A = arith.extui %lt3A_83 : i1 to i32
      %cond3A = arith.constant 0 : i32
      %cond3A_84 = arith.cmpi ne, %convert_element_type3A, %cond3A : i32
      scf.if %cond3A_84 {
        %add3A_88 = arith.constant 2 : i32
        %add3A_89 = arith.addi %mul3A_44, %add3A_88 : i32
        %dma_start3A_90 = arith.constant 0 : i32
        %dma_start3A_91 = arith.constant 0 : i32
        %dma_start3A_92 = arith.constant 0 : i32
        %dma_start3A_93 = tpu.memref_slice %arg9[%dma_start3A_90, %dma_start3A_91, %dma_start3A_92] : memref<2x128x128xf32, #tpu.memory_space<vmem>> -> memref<1x128x128xf32, #tpu.memory_space<vmem>>
        %dma_start3A_94 = tpu.memref_squeeze %dma_start3A_93 : memref<1x128x128xf32, #tpu.memory_space<vmem>> -> memref<128x128xf32, #tpu.memory_space<vmem>>
        %dma_start3A_95 = arith.constant 0 : i32
        %dma_start3A_96 = tpu.memref_slice %arg7[%add3A_89, %dma_start3A_95] : memref<40x128xi32, #tpu.memory_space<vmem>> -> memref<1x128xi32, #tpu.memory_space<vmem>>
        %dma_start3A_97 = tpu.memref_squeeze %dma_start3A_96 : memref<1x128xi32, #tpu.memory_space<vmem>> -> memref<128xi32, #tpu.memory_space<vmem>>
        %dma_start3A_98 = arith.constant 0 : i32
        %dma_start3A_99 = arith.constant 0 : i32
        %dma_start3A_100 = tpu.memref_slice %arg2[%dma_start3A_98, %dma_start3A_99] : memref<10112x128xf32, #tpu.memory_space<hbm>> -> memref<10112x128xf32, #tpu.memory_space<hbm>>
        tpu.enqueue_indirect_dma source(%dma_start3A_100 : memref<10112x128xf32, #tpu.memory_space<hbm>>) target(%dma_start3A_94 : memref<128x128xf32, #tpu.memory_space<vmem>>) offsets(%dma_start3A_97 : memref<128xi32, #tpu.memory_space<vmem>>) semaphore(%arg11 : memref<!tpu.dma_semaphore, #tpu.memory_space<semaphore_mem>>)
      } else {
      }
      %add3A_85 = arith.constant 1 : i32
      %add3A_86 = arith.addi %mul3A_44, %add3A_85 : i32
      %run_scoped3A_87 = arith.constant 1 : i32
      "tpu.region"() ({
        %run_scoped3A_88 = tpu.sem_alloc : memref<!tpu.dma_semaphore, #tpu.memory_space<semaphore_mem>>
        %dma_start3A_89 = arith.constant 0 : i32
        %dma_start3A_90 = arith.constant 0 : i32
        %dma_start3A_91 = tpu.memref_slice %arg9[%run_scoped3A_87, %dma_start3A_89, %dma_start3A_90] : memref<2x128x128xf32, #tpu.memory_space<vmem>> -> memref<1x128x128xf32, #tpu.memory_space<vmem>>
        %dma_start3A_92 = tpu.memref_squeeze %dma_start3A_91 : memref<1x128x128xf32, #tpu.memory_space<vmem>> -> memref<128x128xf32, #tpu.memory_space<vmem>>
        %dma_start3A_93 = arith.constant 0 : i32
        %dma_start3A_94 = tpu.memref_slice %arg8[%add3A_86, %dma_start3A_93] : memref<40x128xi32, #tpu.memory_space<vmem>> -> memref<1x128xi32, #tpu.memory_space<vmem>>
        %dma_start3A_95 = tpu.memref_squeeze %dma_start3A_94 : memref<1x128xi32, #tpu.memory_space<vmem>> -> memref<128xi32, #tpu.memory_space<vmem>>
        %dma_start3A_96 = arith.constant 0 : i32
        %dma_start3A_97 = arith.constant 0 : i32
        %dma_start3A_98 = tpu.memref_slice %arg10[%dma_start3A_96, %dma_start3A_97] : memref<10112x128xf32, #tpu.memory_space<vmem_shared>> -> memref<10112x128xf32, #tpu.memory_space<vmem_shared>>
        tpu.enqueue_indirect_dma source(%dma_start3A_92 : memref<128x128xf32, #tpu.memory_space<vmem>>) target(%dma_start3A_98 : memref<10112x128xf32, #tpu.memory_space<vmem_shared>>) offsets(%dma_start3A_95 : memref<128xi32, #tpu.memory_space<vmem>>) semaphore(%run_scoped3A_88 : memref<!tpu.dma_semaphore, #tpu.memory_space<semaphore_mem>>) {add = true}
        %dma_wait3A_99 = arith.constant 0 : i32
        %dma_wait3A_100 = arith.constant 0 : i32
        %dma_wait3A_101 = tpu.memref_slice %arg9[%run_scoped3A_87, %dma_wait3A_99, %dma_wait3A_100] : memref<2x128x128xf32, #tpu.memory_space<vmem>> -> memref<1x128x128xf32, #tpu.memory_space<vmem>>
        %dma_wait3A_102 = tpu.memref_squeeze %dma_wait3A_101 : memref<1x128x128xf32, #tpu.memory_space<vmem>> -> memref<128x128xf32, #tpu.memory_space<vmem>>
        %dma_wait3A_103 = arith.constant 0 : i32
        %dma_wait3A_104 = tpu.memref_slice %arg8[%add3A_86, %dma_wait3A_103] : memref<40x128xi32, #tpu.memory_space<vmem>> -> memref<1x128xi32, #tpu.memory_space<vmem>>
        %dma_wait3A_105 = tpu.memref_squeeze %dma_wait3A_104 : memref<1x128xi32, #tpu.memory_space<vmem>> -> memref<128xi32, #tpu.memory_space<vmem>>
        %dma_wait3A_106 = arith.constant 0 : i32
        %dma_wait3A_107 = arith.constant 0 : i32
        %dma_wait3A_108 = tpu.memref_slice %arg10[%dma_wait3A_106, %dma_wait3A_107] : memref<10112x128xf32, #tpu.memory_space<vmem_shared>> -> memref<10112x128xf32, #tpu.memory_space<vmem_shared>>
        tpu.wait_indirect_dma semaphore(%run_scoped3A_88 : memref<!tpu.dma_semaphore, #tpu.memory_space<semaphore_mem>>) src(%dma_wait3A_102 : memref<128x128xf32, #tpu.memory_space<vmem>>) dst(%dma_wait3A_108 : memref<10112x128xf32, #tpu.memory_space<vmem_shared>>)
        tpu.yield
      }) : () -> ()
    }
    %scan3A_18 = arith.constant 20 : i32
    "tpu.region"() ({
      %run_scoped3A = tpu.sem_alloc : memref<!tpu.dma_semaphore, #tpu.memory_space<semaphore_mem>>
      %dma_start3A_42 = arith.constant 40 : i32
      %dma_start3A_43 = arith.constant 0 : i32
      %dma_start3A_44 = tpu.memref_slice %arg3[%add3A, %dma_start3A_42, %dma_start3A_43] : memref<32x80x128xi32, #tpu.memory_space<hbm>> -> memref<1x40x128xi32, #tpu.memory_space<hbm>>
      %dma_start3A_45 = tpu.memref_squeeze %dma_start3A_44 : memref<1x40x128xi32, #tpu.memory_space<hbm>> -> memref<40x128xi32, #tpu.memory_space<hbm>>
      %dma_start3A_46 = arith.constant 40 : i32
      %dma_start3A_47 = arith.constant 0 : i32
      %dma_start3A_48 = tpu.memref_slice %arg3[%add3A, %dma_start3A_46, %dma_start3A_47] : memref<32x80x128xi32, #tpu.memory_space<hbm>> -> memref<1x40x128xi32, #tpu.memory_space<hbm>>
      %dma_start3A_49 = tpu.memref_squeeze %dma_start3A_48 : memref<1x40x128xi32, #tpu.memory_space<hbm>> -> memref<40x128xi32, #tpu.memory_space<hbm>>
      tpu.enqueue_dma source(%dma_start3A_49 : memref<40x128xi32, #tpu.memory_space<hbm>>) target(%arg7 : memref<40x128xi32, #tpu.memory_space<vmem>>) target_semaphore(%run_scoped3A : memref<!tpu.dma_semaphore, #tpu.memory_space<semaphore_mem>>)
      %dma_wait3A = arith.constant 40 : i32
      %dma_wait3A_50 = arith.constant 0 : i32
      %dma_wait3A_51 = tpu.memref_slice %arg3[%add3A, %dma_wait3A, %dma_wait3A_50] : memref<32x80x128xi32, #tpu.memory_space<hbm>> -> memref<1x40x128xi32, #tpu.memory_space<hbm>>
      %dma_wait3A_52 = tpu.memref_squeeze %dma_wait3A_51 : memref<1x40x128xi32, #tpu.memory_space<hbm>> -> memref<40x128xi32, #tpu.memory_space<hbm>>
      %dma_wait3A_53 = arith.constant 40 : i32
      %dma_wait3A_54 = arith.constant 0 : i32
      %dma_wait3A_55 = tpu.memref_slice %arg3[%add3A, %dma_wait3A_53, %dma_wait3A_54] : memref<32x80x128xi32, #tpu.memory_space<hbm>> -> memref<1x40x128xi32, #tpu.memory_space<hbm>>
      %dma_wait3A_56 = tpu.memref_squeeze %dma_wait3A_55 : memref<1x40x128xi32, #tpu.memory_space<hbm>> -> memref<40x128xi32, #tpu.memory_space<hbm>>
      tpu.wait_dma2 semaphore(%run_scoped3A : memref<!tpu.dma_semaphore, #tpu.memory_space<semaphore_mem>>) src(%dma_wait3A_56 : memref<40x128xi32, #tpu.memory_space<hbm>>) dst(%arg7 : memref<40x128xi32, #tpu.memory_space<vmem>>)
      tpu.yield
    }) : () -> ()
    "tpu.region"() ({
      %run_scoped3A = tpu.sem_alloc : memref<!tpu.dma_semaphore, #tpu.memory_space<semaphore_mem>>
      %dma_start3A_42 = arith.constant 40 : i32
      %dma_start3A_43 = arith.constant 0 : i32
      %dma_start3A_44 = tpu.memref_slice %arg4[%add3A, %dma_start3A_42, %dma_start3A_43] : memref<32x80x128xi32, #tpu.memory_space<hbm>> -> memref<1x40x128xi32, #tpu.memory_space<hbm>>
      %dma_start3A_45 = tpu.memref_squeeze %dma_start3A_44 : memref<1x40x128xi32, #tpu.memory_space<hbm>> -> memref<40x128xi32, #tpu.memory_space<hbm>>
      %dma_start3A_46 = arith.constant 40 : i32
      %dma_start3A_47 = arith.constant 0 : i32
      %dma_start3A_48 = tpu.memref_slice %arg4[%add3A, %dma_start3A_46, %dma_start3A_47] : memref<32x80x128xi32, #tpu.memory_space<hbm>> -> memref<1x40x128xi32, #tpu.memory_space<hbm>>
      %dma_start3A_49 = tpu.memref_squeeze %dma_start3A_48 : memref<1x40x128xi32, #tpu.memory_space<hbm>> -> memref<40x128xi32, #tpu.memory_space<hbm>>
      tpu.enqueue_dma source(%dma_start3A_49 : memref<40x128xi32, #tpu.memory_space<hbm>>) target(%arg8 : memref<40x128xi32, #tpu.memory_space<vmem>>) target_semaphore(%run_scoped3A : memref<!tpu.dma_semaphore, #tpu.memory_space<semaphore_mem>>)
      %dma_wait3A = arith.constant 40 : i32
      %dma_wait3A_50 = arith.constant 0 : i32
      %dma_wait3A_51 = tpu.memref_slice %arg4[%add3A, %dma_wait3A, %dma_wait3A_50] : memref<32x80x128xi32, #tpu.memory_space<hbm>> -> memref<1x40x128xi32, #tpu.memory_space<hbm>>
      %dma_wait3A_52 = tpu.memref_squeeze %dma_wait3A_51 : memref<1x40x128xi32, #tpu.memory_space<hbm>> -> memref<40x128xi32, #tpu.memory_space<hbm>>
      %dma_wait3A_53 = arith.constant 40 : i32
      %dma_wait3A_54 = arith.constant 0 : i32
      %dma_wait3A_55 = tpu.memref_slice %arg4[%add3A, %dma_wait3A_53, %dma_wait3A_54] : memref<32x80x128xi32, #tpu.memory_space<hbm>> -> memref<1x40x128xi32, #tpu.memory_space<hbm>>
      %dma_wait3A_56 = tpu.memref_squeeze %dma_wait3A_55 : memref<1x40x128xi32, #tpu.memory_space<hbm>> -> memref<40x128xi32, #tpu.memory_space<hbm>>
      tpu.wait_dma2 semaphore(%run_scoped3A : memref<!tpu.dma_semaphore, #tpu.memory_space<semaphore_mem>>) src(%dma_wait3A_56 : memref<40x128xi32, #tpu.memory_space<hbm>>) dst(%arg8 : memref<40x128xi32, #tpu.memory_space<vmem>>)
      tpu.yield
    }) : () -> ()
    %dma_start3A_19 = arith.constant 0 : i32
    %dma_start3A_20 = arith.constant 0 : i32
    %dma_start3A_21 = arith.constant 0 : i32
    %dma_start3A_22 = arith.constant 0 : i32
    %dma_start3A_23 = tpu.memref_slice %arg9[%dma_start3A_20, %dma_start3A_21, %dma_start3A_22] : memref<2x128x128xf32, #tpu.memory_space<vmem>> -> memref<1x128x128xf32, #tpu.memory_space<vmem>>
    %dma_start3A_24 = tpu.memref_squeeze %dma_start3A_23 : memref<1x128x128xf32, #tpu.memory_space<vmem>> -> memref<128x128xf32, #tpu.memory_space<vmem>>
    %dma_start3A_25 = arith.constant 0 : i32
    %dma_start3A_26 = tpu.memref_slice %arg7[%dma_start3A_19, %dma_start3A_25] : memref<40x128xi32, #tpu.memory_space<vmem>> -> memref<1x128xi32, #tpu.memory_space<vmem>>
    %dma_start3A_27 = tpu.memref_squeeze %dma_start3A_26 : memref<1x128xi32, #tpu.memory_space<vmem>> -> memref<128xi32, #tpu.memory_space<vmem>>
    %dma_start3A_28 = arith.constant 0 : i32
    %dma_start3A_29 = arith.constant 0 : i32
    %dma_start3A_30 = tpu.memref_slice %arg2[%dma_start3A_28, %dma_start3A_29] : memref<10112x128xf32, #tpu.memory_space<hbm>> -> memref<10112x128xf32, #tpu.memory_space<hbm>>
    tpu.enqueue_indirect_dma source(%dma_start3A_30 : memref<10112x128xf32, #tpu.memory_space<hbm>>) target(%dma_start3A_24 : memref<128x128xf32, #tpu.memory_space<vmem>>) offsets(%dma_start3A_27 : memref<128xi32, #tpu.memory_space<vmem>>) semaphore(%arg11 : memref<!tpu.dma_semaphore, #tpu.memory_space<semaphore_mem>>)
    %scan3A_31 = arith.constant 0 : i32
    %scan3A_32 = arith.constant 0 : i32
    %scan3A_33 = arith.constant 20 : i32
    %scan3A_34 = arith.addi %scan3A_32, %scan3A_33 : i32
    %scan3A_35 = arith.constant 1 : i32
    scf.for %scan3A_42 = %scan3A_32 to %scan3A_34 step %scan3A_35  : i32 {
      %mul3A_43 = arith.constant 2 : i32
      %mul3A_44 = arith.muli %scan3A_42, %mul3A_43 : i32
      %dma_wait3A = arith.constant 0 : i32
      %dma_wait3A_45 = arith.constant 0 : i32
      %dma_wait3A_46 = arith.constant 0 : i32
      %dma_wait3A_47 = tpu.memref_slice %arg9[%dma_wait3A, %dma_wait3A_45, %dma_wait3A_46] : memref<2x128x128xf32, #tpu.memory_space<vmem>> -> memref<1x128x128xf32, #tpu.memory_space<vmem>>
      %dma_wait3A_48 = tpu.memref_squeeze %dma_wait3A_47 : memref<1x128x128xf32, #tpu.memory_space<vmem>> -> memref<128x128xf32, #tpu.memory_space<vmem>>
      %dma_wait3A_49 = arith.constant 0 : i32
      %dma_wait3A_50 = tpu.memref_slice %arg7[%mul3A_44, %dma_wait3A_49] : memref<40x128xi32, #tpu.memory_space<vmem>> -> memref<1x128xi32, #tpu.memory_space<vmem>>
      %dma_wait3A_51 = tpu.memref_squeeze %dma_wait3A_50 : memref<1x128xi32, #tpu.memory_space<vmem>> -> memref<128xi32, #tpu.memory_space<vmem>>
      %dma_wait3A_52 = arith.constant 0 : i32
      %dma_wait3A_53 = arith.constant 0 : i32
      %dma_wait3A_54 = tpu.memref_slice %arg2[%dma_wait3A_52, %dma_wait3A_53] : memref<10112x128xf32, #tpu.memory_space<hbm>> -> memref<10112x128xf32, #tpu.memory_space<hbm>>
      tpu.wait_indirect_dma semaphore(%arg11 : memref<!tpu.dma_semaphore, #tpu.memory_space<semaphore_mem>>) src(%dma_wait3A_54 : memref<10112x128xf32, #tpu.memory_space<hbm>>) dst(%dma_wait3A_48 : memref<128x128xf32, #tpu.memory_space<vmem>>)
      %add3A_55 = arith.constant 1 : i32
      %add3A_56 = arith.addi %mul3A_44, %add3A_55 : i32
      %dma_start3A_57 = arith.constant 1 : i32
      %dma_start3A_58 = arith.constant 0 : i32
      %dma_start3A_59 = arith.constant 0 : i32
      %dma_start3A_60 = tpu.memref_slice %arg9[%dma_start3A_57, %dma_start3A_58, %dma_start3A_59] : memref<2x128x128xf32, #tpu.memory_space<vmem>> -> memref<1x128x128xf32, #tpu.memory_space<vmem>>
      %dma_start3A_61 = tpu.memref_squeeze %dma_start3A_60 : memref<1x128x128xf32, #tpu.memory_space<vmem>> -> memref<128x128xf32, #tpu.memory_space<vmem>>
      %dma_start3A_62 = arith.constant 0 : i32
      %dma_start3A_63 = tpu.memref_slice %arg7[%add3A_56, %dma_start3A_62] : memref<40x128xi32, #tpu.memory_space<vmem>> -> memref<1x128xi32, #tpu.memory_space<vmem>>
      %dma_start3A_64 = tpu.memref_squeeze %dma_start3A_63 : memref<1x128xi32, #tpu.memory_space<vmem>> -> memref<128xi32, #tpu.memory_space<vmem>>
      %dma_start3A_65 = arith.constant 0 : i32
      %dma_start3A_66 = arith.constant 0 : i32
      %dma_start3A_67 = tpu.memref_slice %arg2[%dma_start3A_65, %dma_start3A_66] : memref<10112x128xf32, #tpu.memory_space<hbm>> -> memref<10112x128xf32, #tpu.memory_space<hbm>>
      tpu.enqueue_indirect_dma source(%dma_start3A_67 : memref<10112x128xf32, #tpu.memory_space<hbm>>) target(%dma_start3A_61 : memref<128x128xf32, #tpu.memory_space<vmem>>) offsets(%dma_start3A_64 : memref<128xi32, #tpu.memory_space<vmem>>) semaphore(%arg11 : memref<!tpu.dma_semaphore, #tpu.memory_space<semaphore_mem>>)
      %run_scoped3A = arith.constant 0 : i32
      "tpu.region"() ({
        %run_scoped3A_88 = tpu.sem_alloc : memref<!tpu.dma_semaphore, #tpu.memory_space<semaphore_mem>>
        %dma_start3A_89 = arith.constant 0 : i32
        %dma_start3A_90 = arith.constant 0 : i32
        %dma_start3A_91 = tpu.memref_slice %arg9[%run_scoped3A, %dma_start3A_89, %dma_start3A_90] : memref<2x128x128xf32, #tpu.memory_space<vmem>> -> memref<1x128x128xf32, #tpu.memory_space<vmem>>
        %dma_start3A_92 = tpu.memref_squeeze %dma_start3A_91 : memref<1x128x128xf32, #tpu.memory_space<vmem>> -> memref<128x128xf32, #tpu.memory_space<vmem>>
        %dma_start3A_93 = arith.constant 0 : i32
        %dma_start3A_94 = tpu.memref_slice %arg8[%mul3A_44, %dma_start3A_93] : memref<40x128xi32, #tpu.memory_space<vmem>> -> memref<1x128xi32, #tpu.memory_space<vmem>>
        %dma_start3A_95 = tpu.memref_squeeze %dma_start3A_94 : memref<1x128xi32, #tpu.memory_space<vmem>> -> memref<128xi32, #tpu.memory_space<vmem>>
        %dma_start3A_96 = arith.constant 0 : i32
        %dma_start3A_97 = arith.constant 0 : i32
        %dma_start3A_98 = tpu.memref_slice %arg10[%dma_start3A_96, %dma_start3A_97] : memref<10112x128xf32, #tpu.memory_space<vmem_shared>> -> memref<10112x128xf32, #tpu.memory_space<vmem_shared>>
        tpu.enqueue_indirect_dma source(%dma_start3A_92 : memref<128x128xf32, #tpu.memory_space<vmem>>) target(%dma_start3A_98 : memref<10112x128xf32, #tpu.memory_space<vmem_shared>>) offsets(%dma_start3A_95 : memref<128xi32, #tpu.memory_space<vmem>>) semaphore(%run_scoped3A_88 : memref<!tpu.dma_semaphore, #tpu.memory_space<semaphore_mem>>) {add = true}
        %dma_wait3A_99 = arith.constant 0 : i32
        %dma_wait3A_100 = arith.constant 0 : i32
        %dma_wait3A_101 = tpu.memref_slice %arg9[%run_scoped3A, %dma_wait3A_99, %dma_wait3A_100] : memref<2x128x128xf32, #tpu.memory_space<vmem>> -> memref<1x128x128xf32, #tpu.memory_space<vmem>>
        %dma_wait3A_102 = tpu.memref_squeeze %dma_wait3A_101 : memref<1x128x128xf32, #tpu.memory_space<vmem>> -> memref<128x128xf32, #tpu.memory_space<vmem>>
        %dma_wait3A_103 = arith.constant 0 : i32
        %dma_wait3A_104 = tpu.memref_slice %arg8[%mul3A_44, %dma_wait3A_103] : memref<40x128xi32, #tpu.memory_space<vmem>> -> memref<1x128xi32, #tpu.memory_space<vmem>>
        %dma_wait3A_105 = tpu.memref_squeeze %dma_wait3A_104 : memref<1x128xi32, #tpu.memory_space<vmem>> -> memref<128xi32, #tpu.memory_space<vmem>>
        %dma_wait3A_106 = arith.constant 0 : i32
        %dma_wait3A_107 = arith.constant 0 : i32
        %dma_wait3A_108 = tpu.memref_slice %arg10[%dma_wait3A_106, %dma_wait3A_107] : memref<10112x128xf32, #tpu.memory_space<vmem_shared>> -> memref<10112x128xf32, #tpu.memory_space<vmem_shared>>
        tpu.wait_indirect_dma semaphore(%run_scoped3A_88 : memref<!tpu.dma_semaphore, #tpu.memory_space<semaphore_mem>>) src(%dma_wait3A_102 : memref<128x128xf32, #tpu.memory_space<vmem>>) dst(%dma_wait3A_108 : memref<10112x128xf32, #tpu.memory_space<vmem_shared>>)
        tpu.yield
      }) : () -> ()
      %add3A_68 = arith.constant 1 : i32
      %add3A_69 = arith.addi %mul3A_44, %add3A_68 : i32
      %dma_wait3A_70 = arith.constant 1 : i32
      %dma_wait3A_71 = arith.constant 0 : i32
      %dma_wait3A_72 = arith.constant 0 : i32
      %dma_wait3A_73 = tpu.memref_slice %arg9[%dma_wait3A_70, %dma_wait3A_71, %dma_wait3A_72] : memref<2x128x128xf32, #tpu.memory_space<vmem>> -> memref<1x128x128xf32, #tpu.memory_space<vmem>>
      %dma_wait3A_74 = tpu.memref_squeeze %dma_wait3A_73 : memref<1x128x128xf32, #tpu.memory_space<vmem>> -> memref<128x128xf32, #tpu.memory_space<vmem>>
      %dma_wait3A_75 = arith.constant 0 : i32
      %dma_wait3A_76 = tpu.memref_slice %arg7[%add3A_69, %dma_wait3A_75] : memref<40x128xi32, #tpu.memory_space<vmem>> -> memref<1x128xi32, #tpu.memory_space<vmem>>
      %dma_wait3A_77 = tpu.memref_squeeze %dma_wait3A_76 : memref<1x128xi32, #tpu.memory_space<vmem>> -> memref<128xi32, #tpu.memory_space<vmem>>
      %dma_wait3A_78 = arith.constant 0 : i32
      %dma_wait3A_79 = arith.constant 0 : i32
      %dma_wait3A_80 = tpu.memref_slice %arg2[%dma_wait3A_78, %dma_wait3A_79] : memref<10112x128xf32, #tpu.memory_space<hbm>> -> memref<10112x128xf32, #tpu.memory_space<hbm>>
      tpu.wait_indirect_dma semaphore(%arg11 : memref<!tpu.dma_semaphore, #tpu.memory_space<semaphore_mem>>) src(%dma_wait3A_80 : memref<10112x128xf32, #tpu.memory_space<hbm>>) dst(%dma_wait3A_74 : memref<128x128xf32, #tpu.memory_space<vmem>>)
      %add3A_81 = arith.constant 2 : i32
      %add3A_82 = arith.addi %mul3A_44, %add3A_81 : i32
      %lt3A = arith.constant 40 : i32
      %lt3A_83 = arith.cmpi slt, %add3A_82, %lt3A : i32
      %convert_element_type3A = arith.extui %lt3A_83 : i1 to i32
      %cond3A = arith.constant 0 : i32
      %cond3A_84 = arith.cmpi ne, %convert_element_type3A, %cond3A : i32
      scf.if %cond3A_84 {
        %add3A_88 = arith.constant 2 : i32
        %add3A_89 = arith.addi %mul3A_44, %add3A_88 : i32
        %dma_start3A_90 = arith.constant 0 : i32
        %dma_start3A_91 = arith.constant 0 : i32
        %dma_start3A_92 = arith.constant 0 : i32
        %dma_start3A_93 = tpu.memref_slice %arg9[%dma_start3A_90, %dma_start3A_91, %dma_start3A_92] : memref<2x128x128xf32, #tpu.memory_space<vmem>> -> memref<1x128x128xf32, #tpu.memory_space<vmem>>
        %dma_start3A_94 = tpu.memref_squeeze %dma_start3A_93 : memref<1x128x128xf32, #tpu.memory_space<vmem>> -> memref<128x128xf32, #tpu.memory_space<vmem>>
        %dma_start3A_95 = arith.constant 0 : i32
        %dma_start3A_96 = tpu.memref_slice %arg7[%add3A_89, %dma_start3A_95] : memref<40x128xi32, #tpu.memory_space<vmem>> -> memref<1x128xi32, #tpu.memory_space<vmem>>
        %dma_start3A_97 = tpu.memref_squeeze %dma_start3A_96 : memref<1x128xi32, #tpu.memory_space<vmem>> -> memref<128xi32, #tpu.memory_space<vmem>>
        %dma_start3A_98 = arith.constant 0 : i32
        %dma_start3A_99 = arith.constant 0 : i32
        %dma_start3A_100 = tpu.memref_slice %arg2[%dma_start3A_98, %dma_start3A_99] : memref<10112x128xf32, #tpu.memory_space<hbm>> -> memref<10112x128xf32, #tpu.memory_space<hbm>>
        tpu.enqueue_indirect_dma source(%dma_start3A_100 : memref<10112x128xf32, #tpu.memory_space<hbm>>) target(%dma_start3A_94 : memref<128x128xf32, #tpu.memory_space<vmem>>) offsets(%dma_start3A_97 : memref<128xi32, #tpu.memory_space<vmem>>) semaphore(%arg11 : memref<!tpu.dma_semaphore, #tpu.memory_space<semaphore_mem>>)
      } else {
      }
      %add3A_85 = arith.constant 1 : i32
      %add3A_86 = arith.addi %mul3A_44, %add3A_85 : i32
      %run_scoped3A_87 = arith.constant 1 : i32
      "tpu.region"() ({
        %run_scoped3A_88 = tpu.sem_alloc : memref<!tpu.dma_semaphore, #tpu.memory_space<semaphore_mem>>
        %dma_start3A_89 = arith.constant 0 : i32
        %dma_start3A_90 = arith.constant 0 : i32
        %dma_start3A_91 = tpu.memref_slice %arg9[%run_scoped3A_87, %dma_start3A_89, %dma_start3A_90] : memref<2x128x128xf32, #tpu.memory_space<vmem>> -> memref<1x128x128xf32, #tpu.memory_space<vmem>>
        %dma_start3A_92 = tpu.memref_squeeze %dma_start3A_91 : memref<1x128x128xf32, #tpu.memory_space<vmem>> -> memref<128x128xf32, #tpu.memory_space<vmem>>
        %dma_start3A_93 = arith.constant 0 : i32
        %dma_start3A_94 = tpu.memref_slice %arg8[%add3A_86, %dma_start3A_93] : memref<40x128xi32, #tpu.memory_space<vmem>> -> memref<1x128xi32, #tpu.memory_space<vmem>>
        %dma_start3A_95 = tpu.memref_squeeze %dma_start3A_94 : memref<1x128xi32, #tpu.memory_space<vmem>> -> memref<128xi32, #tpu.memory_space<vmem>>
        %dma_start3A_96 = arith.constant 0 : i32
        %dma_start3A_97 = arith.constant 0 : i32
        %dma_start3A_98 = tpu.memref_slice %arg10[%dma_start3A_96, %dma_start3A_97] : memref<10112x128xf32, #tpu.memory_space<vmem_shared>> -> memref<10112x128xf32, #tpu.memory_space<vmem_shared>>
        tpu.enqueue_indirect_dma source(%dma_start3A_92 : memref<128x128xf32, #tpu.memory_space<vmem>>) target(%dma_start3A_98 : memref<10112x128xf32, #tpu.memory_space<vmem_shared>>) offsets(%dma_start3A_95 : memref<128xi32, #tpu.memory_space<vmem>>) semaphore(%run_scoped3A_88 : memref<!tpu.dma_semaphore, #tpu.memory_space<semaphore_mem>>) {add = true}
        %dma_wait3A_99 = arith.constant 0 : i32
        %dma_wait3A_100 = arith.constant 0 : i32
        %dma_wait3A_101 = tpu.memref_slice %arg9[%run_scoped3A_87, %dma_wait3A_99, %dma_wait3A_100] : memref<2x128x128xf32, #tpu.memory_space<vmem>> -> memref<1x128x128xf32, #tpu.memory_space<vmem>>
        %dma_wait3A_102 = tpu.memref_squeeze %dma_wait3A_101 : memref<1x128x128xf32, #tpu.memory_space<vmem>> -> memref<128x128xf32, #tpu.memory_space<vmem>>
        %dma_wait3A_103 = arith.constant 0 : i32
        %dma_wait3A_104 = tpu.memref_slice %arg8[%add3A_86, %dma_wait3A_103] : memref<40x128xi32, #tpu.memory_space<vmem>> -> memref<1x128xi32, #tpu.memory_space<vmem>>
        %dma_wait3A_105 = tpu.memref_squeeze %dma_wait3A_104 : memref<1x128xi32, #tpu.memory_space<vmem>> -> memref<128xi32, #tpu.memory_space<vmem>>
        %dma_wait3A_106 = arith.constant 0 : i32
        %dma_wait3A_107 = arith.constant 0 : i32
        %dma_wait3A_108 = tpu.memref_slice %arg10[%dma_wait3A_106, %dma_wait3A_107] : memref<10112x128xf32, #tpu.memory_space<vmem_shared>> -> memref<10112x128xf32, #tpu.memory_space<vmem_shared>>
        tpu.wait_indirect_dma semaphore(%run_scoped3A_88 : memref<!tpu.dma_semaphore, #tpu.memory_space<semaphore_mem>>) src(%dma_wait3A_102 : memref<128x128xf32, #tpu.memory_space<vmem>>) dst(%dma_wait3A_108 : memref<10112x128xf32, #tpu.memory_space<vmem_shared>>)
        tpu.yield
      }) : () -> ()
    }
    %scan3A_36 = arith.constant 20 : i32
    %barrier3A_37 = arith.constant 0 : index
    tpu.barrier barrier_id(%barrier3A_37)
    %mul3A_38 = arith.constant 632 : i32
    %mul3A_39 = arith.muli %arg1, %mul3A_38 : i32
    %mul3A_40 = arith.constant 632 : i32
    %mul3A_41 = arith.muli %arg1, %mul3A_40 : i32
    "tpu.region"() ({
      %run_scoped3A = tpu.sem_alloc : memref<!tpu.dma_semaphore, #tpu.memory_space<semaphore_mem>>
      %dma_start3A_42 = arith.constant 0 : i32
      %dma_start3A_43 = tpu.memref_slice %arg6[%arg0, %mul3A_41, %dma_start3A_42] : memref<2x10112x128xf32, #tpu.memory_space<hbm>> -> memref<1x632x128xf32, #tpu.memory_space<hbm>>
      %dma_start3A_44 = tpu.memref_squeeze %dma_start3A_43 : memref<1x632x128xf32, #tpu.memory_space<hbm>> -> memref<632x128xf32, #tpu.memory_space<hbm>>
      %dma_start3A_45 = arith.constant 0 : i32
      %dma_start3A_46 = tpu.memref_slice %arg10[%mul3A_39, %dma_start3A_45] : memref<10112x128xf32, #tpu.memory_space<vmem_shared>> -> memref<632x128xf32, #tpu.memory_space<vmem_shared>>
      tpu.enqueue_dma source(%dma_start3A_46 : memref<632x128xf32, #tpu.memory_space<vmem_shared>>) target(%dma_start3A_44 : memref<632x128xf32, #tpu.memory_space<hbm>>) target_semaphore(%run_scoped3A : memref<!tpu.dma_semaphore, #tpu.memory_space<semaphore_mem>>)
      %dma_wait3A = arith.constant 0 : i32
      %dma_wait3A_47 = tpu.memref_slice %arg6[%arg0, %mul3A_41, %dma_wait3A] : memref<2x10112x128xf32, #tpu.memory_space<hbm>> -> memref<1x632x128xf32, #tpu.memory_space<hbm>>
      %dma_wait3A_48 = tpu.memref_squeeze %dma_wait3A_47 : memref<1x632x128xf32, #tpu.memory_space<hbm>> -> memref<632x128xf32, #tpu.memory_space<hbm>>
      %dma_wait3A_49 = arith.constant 0 : i32
      %dma_wait3A_50 = tpu.memref_slice %arg10[%mul3A_39, %dma_wait3A_49] : memref<10112x128xf32, #tpu.memory_space<vmem_shared>> -> memref<632x128xf32, #tpu.memory_space<vmem_shared>>
      tpu.wait_dma2 semaphore(%run_scoped3A : memref<!tpu.dma_semaphore, #tpu.memory_space<semaphore_mem>>) src(%dma_wait3A_50 : memref<632x128xf32, #tpu.memory_space<vmem_shared>>) dst(%dma_wait3A_48 : memref<632x128xf32, #tpu.memory_space<hbm>>)
      tpu.yield
    }) : () -> ()
    return
  }
}

module attributes {stable_mosaic.version = 14 : i64} {
  func.func @_k1_body(%arg0: i32, %arg1: memref<2528x128xf32, #tpu.memory_space<vmem>>, %arg2: memref<128x128xf32, #tpu.memory_space<vmem>>, %arg3: memref<2528x1xf32, #tpu.memory_space<vmem>>, %arg4: memref<2528x1xf32, #tpu.memory_space<vmem>>, %arg5: memref<2528x128xf32, #tpu.memory_space<vmem>>, %arg6: memref<2528x1xf32, #tpu.memory_space<vmem>>) attributes {dimension_semantics = [#tpu.dimension_semantics<arbitrary>], iteration_bounds = array<i64: 4>, scalar_prefetch = 0 : i64, scratch_operands = 0 : i64, tpu.core_type = #tpu.core_type<tc>, window_params = [{transform_indices = @transform_0, window_bounds = array<i64: 2528, 128>}, {pipeline_mode = #tpu.pipeline_mode<synchronous>, transform_indices = @transform_1, window_bounds = array<i64: 128, 128>}, {transform_indices = @transform_2, window_bounds = array<i64: 2528, 1>}, {transform_indices = @transform_3, window_bounds = array<i64: 2528, 1>}, {transform_indices = @transform_4, window_bounds = array<i64: 2528, 128>}, {transform_indices = @transform_5, window_bounds = array<i64: 2528, 1>}]} {
    %get3A = arith.constant 0 : index
    %get3A_0 = arith.constant 0 : index
    %get3A_1 = vector.load %arg3[%get3A, %get3A_0] : memref<2528x1xf32, #tpu.memory_space<vmem>>, vector<2528x1xf32>
    %get3A_2 = arith.constant 0 : index
    %get3A_3 = arith.constant 0 : index
    %get3A_4 = vector.load %arg4[%get3A_2, %get3A_3] : memref<2528x1xf32, #tpu.memory_space<vmem>>, vector<2528x1xf32>
    %add3A = arith.addf %get3A_1, %get3A_4 : vector<2528x1xf32>
    %add3A_5 = arith.constant 1.000000e+00 : f32
    %add3A_6 = vector.broadcast %add3A_5 : f32 to vector<2528x1xf32>
    %add3A_7 = arith.addf %add3A, %add3A_6 : vector<2528x1xf32>
    %rsqrt3A = math.rsqrt %add3A_7 : vector<2528x1xf32>
    %swap3A = arith.constant 0 : index
    %swap3A_8 = arith.constant 0 : index
    %swap3A_9 = vector.load %arg6[%swap3A, %swap3A_8] : memref<2528x1xf32, #tpu.memory_space<vmem>>, vector<2528x1xf32>
    tpu.vector_store %arg6[%swap3A, %swap3A_8], %rsqrt3A {strides = array<i32>} : memref<2528x1xf32, #tpu.memory_space<vmem>>, vector<2528x1xf32>,
    %get3A_10 = arith.constant 0 : index
    %get3A_11 = arith.constant 0 : index
    %get3A_12 = vector.load %arg1[%get3A_10, %get3A_11] : memref<2528x128xf32, #tpu.memory_space<vmem>>, vector<2528x128xf32>
    %get3A_13 = arith.constant 0 : index
    %get3A_14 = arith.constant 0 : index
    %get3A_15 = vector.load %arg2[%get3A_13, %get3A_14] : memref<128x128xf32, #tpu.memory_space<vmem>>, vector<128x128xf32>
    %dot_general3A = arith.constant dense<0.000000e+00> : vector<2528x128xf32>
    %dot_general3A_16 = tpu.matmul %get3A_12, %get3A_15, %dot_general3A {dimension_numbers = #tpu.dot_dimension_numbers<[1], [0], [0], [1], [0, 0, 1, 1], [], []>, transpose_lhs_hint = false} : vector<2528x128xf32>, vector<128x128xf32>, vector<2528x128xf32> -> vector<2528x128xf32>
    %mul3A = vector.broadcast %rsqrt3A : vector<2528x1xf32> to vector<2528x128xf32>
    %mul3A_17 = arith.mulf %dot_general3A_16, %mul3A : vector<2528x128xf32>
    %swap3A_18 = arith.constant 0 : index
    %swap3A_19 = arith.constant 0 : index
    %swap3A_20 = vector.load %arg5[%swap3A_18, %swap3A_19] : memref<2528x128xf32, #tpu.memory_space<vmem>>, vector<2528x128xf32>
    tpu.vector_store %arg5[%swap3A_18, %swap3A_19], %mul3A_17 {strides = array<i32>} : memref<2528x128xf32, #tpu.memory_space<vmem>>, vector<2528x128xf32>,
    return
  }
  func.func @transform_0(%arg0: i32) -> (i32, i32) {
    %c0_i32 = arith.constant 0 : i32
    %c0_i32_0 = arith.constant 0 : i32
    return %arg0, %c0_i32 : i32, i32
  }
  func.func @transform_1(%arg0: i32) -> (i32, i32) {
    %c0_i32 = arith.constant 0 : i32
    %c0_i32_0 = arith.constant 0 : i32
    %c0_i32_1 = arith.constant 0 : i32
    return %c0_i32, %c0_i32_0 : i32, i32
  }
  func.func @transform_2(%arg0: i32) -> (i32, i32) {
    %c0_i32 = arith.constant 0 : i32
    %c0_i32_0 = arith.constant 0 : i32
    return %arg0, %c0_i32 : i32, i32
  }
  func.func @transform_3(%arg0: i32) -> (i32, i32) {
    %c0_i32 = arith.constant 0 : i32
    %c0_i32_0 = arith.constant 0 : i32
    return %arg0, %c0_i32 : i32, i32
  }
  func.func @transform_4(%arg0: i32) -> (i32, i32) {
    %c0_i32 = arith.constant 0 : i32
    %c0_i32_0 = arith.constant 0 : i32
    return %arg0, %c0_i32 : i32, i32
  }
  func.func @transform_5(%arg0: i32) -> (i32, i32) {
    %c0_i32 = arith.constant 0 : i32
    %c0_i32_0 = arith.constant 0 : i32
    return %arg0, %c0_i32 : i32, i32
  }
}

module attributes {stable_mosaic.version = 14 : i64} {
  func.func @_pre_body(%arg0: i32, %arg1: memref<2528x128xf32, #tpu.memory_space<vmem>>, %arg2: memref<2528x128xf32, #tpu.memory_space<vmem>>, %arg3: memref<2528x128xf32, #tpu.memory_space<vmem>>, %arg4: memref<2528x1xf32, #tpu.memory_space<vmem>>, %arg5: memref<1x128xf32, #tpu.memory_space<vmem>>, %arg6: memref<2528x128xf32, #tpu.memory_space<vmem>>) attributes {dimension_semantics = [#tpu.dimension_semantics<arbitrary>], iteration_bounds = array<i64: 4>, scalar_prefetch = 0 : i64, scratch_operands = 0 : i64, tpu.core_type = #tpu.core_type<tc>, window_params = [{transform_indices = @transform_0, window_bounds = array<i64: 2528, 128>}, {transform_indices = @transform_1, window_bounds = array<i64: 2528, 128>}, {transform_indices = @transform_2, window_bounds = array<i64: 2528, 128>}, {transform_indices = @transform_3, window_bounds = array<i64: 2528, 1>}, {pipeline_mode = #tpu.pipeline_mode<synchronous>, transform_indices = @transform_4, window_bounds = array<i64: 1, 128>}, {transform_indices = @transform_5, window_bounds = array<i64: 2528, 128>}]} {
    %get3A = arith.constant 0 : index
    %get3A_0 = arith.constant 0 : index
    %get3A_1 = vector.load %arg1[%get3A, %get3A_0] : memref<2528x128xf32, #tpu.memory_space<vmem>>, vector<2528x128xf32>
    %get3A_2 = arith.constant 0 : index
    %get3A_3 = arith.constant 0 : index
    %get3A_4 = vector.load %arg2[%get3A_2, %get3A_3] : memref<2528x128xf32, #tpu.memory_space<vmem>>, vector<2528x128xf32>
    %add3A = arith.addf %get3A_1, %get3A_4 : vector<2528x128xf32>
    %get3A_5 = arith.constant 0 : index
    %get3A_6 = arith.constant 0 : index
    %get3A_7 = vector.load %arg3[%get3A_5, %get3A_6] : memref<2528x128xf32, #tpu.memory_space<vmem>>, vector<2528x128xf32>
    %add3A_8 = arith.addf %add3A, %get3A_7 : vector<2528x128xf32>
    %get3A_9 = arith.constant 0 : index
    %get3A_10 = arith.constant 0 : index
    %get3A_11 = vector.load %arg4[%get3A_9, %get3A_10] : memref<2528x1xf32, #tpu.memory_space<vmem>>, vector<2528x1xf32>
    %mul3A = vector.broadcast %get3A_11 : vector<2528x1xf32> to vector<2528x128xf32>
    %mul3A_12 = arith.mulf %add3A_8, %mul3A : vector<2528x128xf32>
    %get3A_13 = arith.constant 0 : index
    %get3A_14 = arith.constant 0 : index
    %get3A_15 = vector.load %arg5[%get3A_13, %get3A_14] : memref<1x128xf32, #tpu.memory_space<vmem>>, vector<1x128xf32>
    %add3A_16 = vector.broadcast %get3A_15 : vector<1x128xf32> to vector<2528x128xf32>
    %add3A_17 = arith.addf %mul3A_12, %add3A_16 : vector<2528x128xf32>
    %swap3A = arith.constant 0 : index
    %swap3A_18 = arith.constant 0 : index
    %swap3A_19 = vector.load %arg6[%swap3A, %swap3A_18] : memref<2528x128xf32, #tpu.memory_space<vmem>>, vector<2528x128xf32>
    tpu.vector_store %arg6[%swap3A, %swap3A_18], %add3A_17 {strides = array<i32>} : memref<2528x128xf32, #tpu.memory_space<vmem>>, vector<2528x128xf32>,
    return
  }
  func.func @transform_0(%arg0: i32) -> (i32, i32) {
    %c0_i32 = arith.constant 0 : i32
    %c0_i32_0 = arith.constant 0 : i32
    return %arg0, %c0_i32 : i32, i32
  }
  func.func @transform_1(%arg0: i32) -> (i32, i32) {
    %c0_i32 = arith.constant 0 : i32
    %c0_i32_0 = arith.constant 0 : i32
    return %arg0, %c0_i32 : i32, i32
  }
  func.func @transform_2(%arg0: i32) -> (i32, i32) {
    %c0_i32 = arith.constant 0 : i32
    %c0_i32_0 = arith.constant 0 : i32
    return %arg0, %c0_i32 : i32, i32
  }
  func.func @transform_3(%arg0: i32) -> (i32, i32) {
    %c0_i32 = arith.constant 0 : i32
    %c0_i32_0 = arith.constant 0 : i32
    return %arg0, %c0_i32 : i32, i32
  }
  func.func @transform_4(%arg0: i32) -> (i32, i32) {
    %c0_i32 = arith.constant 0 : i32
    %c0_i32_0 = arith.constant 0 : i32
    %c0_i32_1 = arith.constant 0 : i32
    return %c0_i32, %c0_i32_0 : i32, i32
  }
  func.func @transform_5(%arg0: i32) -> (i32, i32) {
    %c0_i32 = arith.constant 0 : i32
    %c0_i32_0 = arith.constant 0 : i32
    return %arg0, %c0_i32 : i32, i32
  }
}

module attributes {stable_mosaic.version = 14 : i64} {
  func.func @_bn_mm_body(%arg0: memref<10112x128xf32, #tpu.memory_space<vmem>>, %arg1: memref<10112x1xf32, #tpu.memory_space<vmem>>, %arg2: memref<1x128xf32, #tpu.memory_space<vmem>>, %arg3: memref<1x128xf32, #tpu.memory_space<vmem>>, %arg4: memref<128x128xf32, #tpu.memory_space<vmem>>, %arg5: memref<10112x128xf32, #tpu.memory_space<vmem>>) attributes {dimension_semantics = [], scalar_prefetch = 0 : i64, scratch_operands = 0 : i64, tpu.core_type = #tpu.core_type<tc>} {
    %get3A = arith.constant 0 : index
    %get3A_0 = arith.constant 0 : index
    %get3A_1 = vector.load %arg0[%get3A, %get3A_0] : memref<10112x128xf32, #tpu.memory_space<vmem>>, vector<10112x128xf32>
    %iota3A = tpu.iota {dimensions = array<i32: 0>} : vector<10112x1xi32>
    %lt3A = arith.constant 10000 : i32
    %lt3A_2 = vector.broadcast %lt3A : i32 to vector<10112x1xi32>
    %lt3A_3 = arith.cmpi slt, %iota3A, %lt3A_2 : vector<10112x1xi32>
    %jit3A = arith.constant 0.000000e+00 : f32
    %broadcast_in_dim3A = vector.shape_cast %lt3A_3 : vector<10112x1xi1> to vector<10112x1xi1>
    %broadcast_in_dim3A_4 = vector.broadcast %broadcast_in_dim3A : vector<10112x1xi1> to vector<10112x128xi1>
    %broadcast_in_dim3A_5 = vector.broadcast %jit3A : f32 to vector<10112x128xf32>
    %select_n3A = arith.select %broadcast_in_dim3A_4, %get3A_1, %broadcast_in_dim3A_5 : vector<10112x128xi1>, vector<10112x128xf32>
    %reduce_sum3A = arith.constant dense<0.000000e+00> : vector<128xf32>
    %reduce_sum3A_6 = vector.multi_reduction <add>, %select_n3A, %reduce_sum3A [0] : vector<10112x128xf32> to vector<128xf32>
    %broadcast_in_dim3A_7 = vector.shape_cast %reduce_sum3A_6 : vector<128xf32> to vector<1x128xf32>
    %mul3A = arith.constant 9.99999974E-5 : f32
    %mul3A_8 = vector.broadcast %mul3A : f32 to vector<1x128xf32>
    %mul3A_9 = arith.mulf %broadcast_in_dim3A_7, %mul3A_8 : vector<1x128xf32>
    %mul3A_10 = arith.mulf %get3A_1, %get3A_1 : vector<10112x128xf32>
    %jit3A_11 = arith.constant 0.000000e+00 : f32
    %broadcast_in_dim3A_12 = vector.shape_cast %lt3A_3 : vector<10112x1xi1> to vector<10112x1xi1>
    %broadcast_in_dim3A_13 = vector.broadcast %broadcast_in_dim3A_12 : vector<10112x1xi1> to vector<10112x128xi1>
    %broadcast_in_dim3A_14 = vector.broadcast %jit3A_11 : f32 to vector<10112x128xf32>
    %select_n3A_15 = arith.select %broadcast_in_dim3A_13, %mul3A_10, %broadcast_in_dim3A_14 : vector<10112x128xi1>, vector<10112x128xf32>
    %reduce_sum3A_16 = arith.constant dense<0.000000e+00> : vector<128xf32>
    %reduce_sum3A_17 = vector.multi_reduction <add>, %select_n3A_15, %reduce_sum3A_16 [0] : vector<10112x128xf32> to vector<128xf32>
    %broadcast_in_dim3A_18 = vector.shape_cast %reduce_sum3A_17 : vector<128xf32> to vector<1x128xf32>
    %mul3A_19 = arith.constant 9.99999974E-5 : f32
    %mul3A_20 = vector.broadcast %mul3A_19 : f32 to vector<1x128xf32>
    %mul3A_21 = arith.mulf %broadcast_in_dim3A_18, %mul3A_20 : vector<1x128xf32>
    %mul3A_22 = arith.mulf %mul3A_9, %mul3A_9 : vector<1x128xf32>
    %sub3A = arith.subf %mul3A_21, %mul3A_22 : vector<1x128xf32>
    %sub3A_23 = vector.broadcast %mul3A_9 : vector<1x128xf32> to vector<10112x128xf32>
    %sub3A_24 = arith.subf %get3A_1, %sub3A_23 : vector<10112x128xf32>
    %add3A = arith.constant 9.99999974E-6 : f32
    %add3A_25 = vector.broadcast %add3A : f32 to vector<1x128xf32>
    %add3A_26 = arith.addf %sub3A, %add3A_25 : vector<1x128xf32>
    %rsqrt3A = math.rsqrt %add3A_26 : vector<1x128xf32>
    %mul3A_27 = vector.broadcast %rsqrt3A : vector<1x128xf32> to vector<10112x128xf32>
    %mul3A_28 = arith.mulf %sub3A_24, %mul3A_27 : vector<10112x128xf32>
    %get3A_29 = arith.constant 0 : index
    %get3A_30 = arith.constant 0 : index
    %get3A_31 = vector.load %arg2[%get3A_29, %get3A_30] : memref<1x128xf32, #tpu.memory_space<vmem>>, vector<1x128xf32>
    %mul3A_32 = vector.broadcast %get3A_31 : vector<1x128xf32> to vector<10112x128xf32>
    %mul3A_33 = arith.mulf %mul3A_28, %mul3A_32 : vector<10112x128xf32>
    %get3A_34 = arith.constant 0 : index
    %get3A_35 = arith.constant 0 : index
    %get3A_36 = vector.load %arg3[%get3A_34, %get3A_35] : memref<1x128xf32, #tpu.memory_space<vmem>>, vector<1x128xf32>
    %add3A_37 = vector.broadcast %get3A_36 : vector<1x128xf32> to vector<10112x128xf32>
    %add3A_38 = arith.addf %mul3A_33, %add3A_37 : vector<10112x128xf32>
    %max3A = arith.constant 0.000000e+00 : f32
    %max3A_39 = vector.broadcast %max3A : f32 to vector<10112x128xf32>
    %max3A_40 = arith.maximumf %add3A_38, %max3A_39 : vector<10112x128xf32>
    %get3A_41 = arith.constant 0 : index
    %get3A_42 = arith.constant 0 : index
    %get3A_43 = vector.load %arg4[%get3A_41, %get3A_42] : memref<128x128xf32, #tpu.memory_space<vmem>>, vector<128x128xf32>
    %dot_general3A = arith.constant dense<0.000000e+00> : vector<10112x128xf32>
    %dot_general3A_44 = tpu.matmul %max3A_40, %get3A_43, %dot_general3A {dimension_numbers = #tpu.dot_dimension_numbers<[1], [0], [0], [1], [0, 0, 1, 1], [], []>, transpose_lhs_hint = false} : vector<10112x128xf32>, vector<128x128xf32>, vector<10112x128xf32> -> vector<10112x128xf32>
    %get3A_45 = arith.constant 0 : index
    %get3A_46 = arith.constant 0 : index
    %get3A_47 = vector.load %arg1[%get3A_45, %get3A_46] : memref<10112x1xf32, #tpu.memory_space<vmem>>, vector<10112x1xf32>
    %mul3A_48 = vector.broadcast %get3A_47 : vector<10112x1xf32> to vector<10112x128xf32>
    %mul3A_49 = arith.mulf %dot_general3A_44, %mul3A_48 : vector<10112x128xf32>
    %swap3A = arith.constant 0 : index
    %swap3A_50 = arith.constant 0 : index
    %swap3A_51 = vector.load %arg5[%swap3A, %swap3A_50] : memref<10112x128xf32, #tpu.memory_space<vmem>>, vector<10112x128xf32>
    tpu.vector_store %arg5[%swap3A, %swap3A_50], %mul3A_49 {strides = array<i32>} : memref<10112x128xf32, #tpu.memory_space<vmem>>, vector<10112x128xf32>,
    return
  }
}

module attributes {stable_mosaic.version = 14 : i64} {
  func.func @_heads_body(%arg0: i32, %arg1: memref<2528x128xf32, #tpu.memory_space<vmem>>, %arg2: memref<2528x128xf32, #tpu.memory_space<vmem>>, %arg3: memref<2528x128xf32, #tpu.memory_space<vmem>>, %arg4: memref<2528x1xf32, #tpu.memory_space<vmem>>, %arg5: memref<1x128xf32, #tpu.memory_space<vmem>>, %arg6: memref<128x64xf32, #tpu.memory_space<vmem>>, %arg7: memref<1x64xf32, #tpu.memory_space<vmem>>, %arg8: memref<64x64xf32, #tpu.memory_space<vmem>>, %arg9: memref<1x64xf32, #tpu.memory_space<vmem>>, %arg10: memref<128x64xf32, #tpu.memory_space<vmem>>, %arg11: memref<1x64xf32, #tpu.memory_space<vmem>>, %arg12: memref<64x512xf32, #tpu.memory_space<vmem>>, %arg13: memref<1x512xf32, #tpu.memory_space<vmem>>, %arg14: memref<2528x64xf32, #tpu.memory_space<vmem>>, %arg15: memref<2528x512xf32, #tpu.memory_space<vmem>>) attributes {dimension_semantics = [#tpu.dimension_semantics<arbitrary>], iteration_bounds = array<i64: 4>, scalar_prefetch = 0 : i64, scratch_operands = 0 : i64, tpu.core_type = #tpu.core_type<tc>, window_params = [{transform_indices = @transform_0, window_bounds = array<i64: 2528, 128>}, {transform_indices = @transform_1, window_bounds = array<i64: 2528, 128>}, {transform_indices = @transform_2, window_bounds = array<i64: 2528, 128>}, {transform_indices = @transform_3, window_bounds = array<i64: 2528, 1>}, {pipeline_mode = #tpu.pipeline_mode<synchronous>, transform_indices = @transform_4, window_bounds = array<i64: 1, 128>}, {pipeline_mode = #tpu.pipeline_mode<synchronous>, transform_indices = @transform_5, window_bounds = array<i64: 128, 64>}, {pipeline_mode = #tpu.pipeline_mode<synchronous>, transform_indices = @transform_6, window_bounds = array<i64: 1, 64>}, {pipeline_mode = #tpu.pipeline_mode<synchronous>, transform_indices = @transform_7, window_bounds = array<i64: 64, 64>}, {pipeline_mode = #tpu.pipeline_mode<synchronous>, transform_indices = @transform_8, window_bounds = array<i64: 1, 64>}, {pipeline_mode = #tpu.pipeline_mode<synchronous>, transform_indices = @transform_9, window_bounds = array<i64: 128, 64>}, {pipeline_mode = #tpu.pipeline_mode<synchronous>, transform_indices = @transform_10, window_bounds = array<i64: 1, 64>}, {pipeline_mode = #tpu.pipeline_mode<synchronous>, transform_indices = @transform_11, window_bounds = array<i64: 64, 512>}, {pipeline_mode = #tpu.pipeline_mode<synchronous>, transform_indices = @transform_12, window_bounds = array<i64: 1, 512>}, {transform_indices = @transform_13, window_bounds = array<i64: 2528, 64>}, {transform_indices = @transform_14, window_bounds = array<i64: 2528, 512>}]} {
    %get3A = arith.constant 0 : index
    %get3A_0 = arith.constant 0 : index
    %get3A_1 = vector.load %arg1[%get3A, %get3A_0] : memref<2528x128xf32, #tpu.memory_space<vmem>>, vector<2528x128xf32>
    %get3A_2 = arith.constant 0 : index
    %get3A_3 = arith.constant 0 : index
    %get3A_4 = vector.load %arg2[%get3A_2, %get3A_3] : memref<2528x128xf32, #tpu.memory_space<vmem>>, vector<2528x128xf32>
    %add3A = arith.addf %get3A_1, %get3A_4 : vector<2528x128xf32>
    %get3A_5 = arith.constant 0 : index
    %get3A_6 = arith.constant 0 : index
    %get3A_7 = vector.load %arg3[%get3A_5, %get3A_6] : memref<2528x128xf32, #tpu.memory_space<vmem>>, vector<2528x128xf32>
    %add3A_8 = arith.addf %add3A, %get3A_7 : vector<2528x128xf32>
    %get3A_9 = arith.constant 0 : index
    %get3A_10 = arith.constant 0 : index
    %get3A_11 = vector.load %arg4[%get3A_9, %get3A_10] : memref<2528x1xf32, #tpu.memory_space<vmem>>, vector<2528x1xf32>
    %mul3A = vector.broadcast %get3A_11 : vector<2528x1xf32> to vector<2528x128xf32>
    %mul3A_12 = arith.mulf %add3A_8, %mul3A : vector<2528x128xf32>
    %get3A_13 = arith.constant 0 : index
    %get3A_14 = arith.constant 0 : index
    %get3A_15 = vector.load %arg5[%get3A_13, %get3A_14] : memref<1x128xf32, #tpu.memory_space<vmem>>, vector<1x128xf32>
    %add3A_16 = vector.broadcast %get3A_15 : vector<1x128xf32> to vector<2528x128xf32>
    %add3A_17 = arith.addf %mul3A_12, %add3A_16 : vector<2528x128xf32>
    %get3A_18 = arith.constant 0 : index
    %get3A_19 = arith.constant 0 : index
    %get3A_20 = vector.load %arg6[%get3A_18, %get3A_19] : memref<128x64xf32, #tpu.memory_space<vmem>>, vector<128x64xf32>
    %dot_general3A = arith.constant dense<0.000000e+00> : vector<2528x64xf32>
    %dot_general3A_21 = tpu.matmul %add3A_17, %get3A_20, %dot_general3A {dimension_numbers = #tpu.dot_dimension_numbers<[1], [0], [0], [1], [0, 0, 1, 1], [], []>, transpose_lhs_hint = false} : vector<2528x128xf32>, vector<128x64xf32>, vector<2528x64xf32> -> vector<2528x64xf32>
    %get3A_22 = arith.constant 0 : index
    %get3A_23 = arith.constant 0 : index
    %get3A_24 = vector.load %arg7[%get3A_22, %get3A_23] : memref<1x64xf32, #tpu.memory_space<vmem>>, vector<1x64xf32>
    %add3A_25 = vector.broadcast %get3A_24 : vector<1x64xf32> to vector<2528x64xf32>
    %add3A_26 = arith.addf %dot_general3A_21, %add3A_25 : vector<2528x64xf32>
    %max3A = arith.constant 0.000000e+00 : f32
    %max3A_27 = vector.broadcast %max3A : f32 to vector<2528x64xf32>
    %max3A_28 = arith.maximumf %add3A_26, %max3A_27 : vector<2528x64xf32>
    %get3A_29 = arith.constant 0 : index
    %get3A_30 = arith.constant 0 : index
    %get3A_31 = vector.load %arg8[%get3A_29, %get3A_30] : memref<64x64xf32, #tpu.memory_space<vmem>>, vector<64x64xf32>
    %dot_general3A_32 = arith.constant dense<0.000000e+00> : vector<2528x64xf32>
    %dot_general3A_33 = tpu.matmul %max3A_28, %get3A_31, %dot_general3A_32 {dimension_numbers = #tpu.dot_dimension_numbers<[1], [0], [0], [1], [0, 0, 1, 1], [], []>, transpose_lhs_hint = false} : vector<2528x64xf32>, vector<64x64xf32>, vector<2528x64xf32> -> vector<2528x64xf32>
    %get3A_34 = arith.constant 0 : index
    %get3A_35 = arith.constant 0 : index
    %get3A_36 = vector.load %arg9[%get3A_34, %get3A_35] : memref<1x64xf32, #tpu.memory_space<vmem>>, vector<1x64xf32>
    %add3A_37 = vector.broadcast %get3A_36 : vector<1x64xf32> to vector<2528x64xf32>
    %add3A_38 = arith.addf %dot_general3A_33, %add3A_37 : vector<2528x64xf32>
    %swap3A = arith.constant 0 : index
    %swap3A_39 = arith.constant 0 : index
    %swap3A_40 = vector.load %arg14[%swap3A, %swap3A_39] : memref<2528x64xf32, #tpu.memory_space<vmem>>, vector<2528x64xf32>
    tpu.vector_store %arg14[%swap3A, %swap3A_39], %add3A_38 {strides = array<i32>} : memref<2528x64xf32, #tpu.memory_space<vmem>>, vector<2528x64xf32>,
    %get3A_41 = arith.constant 0 : index
    %get3A_42 = arith.constant 0 : index
    %get3A_43 = vector.load %arg10[%get3A_41, %get3A_42] : memref<128x64xf32, #tpu.memory_space<vmem>>, vector<128x64xf32>
    %dot_general3A_44 = arith.constant dense<0.000000e+00> : vector<2528x64xf32>
    %dot_general3A_45 = tpu.matmul %add3A_17, %get3A_43, %dot_general3A_44 {dimension_numbers = #tpu.dot_dimension_numbers<[1], [0], [0], [1], [0, 0, 1, 1], [], []>, transpose_lhs_hint = false} : vector<2528x128xf32>, vector<128x64xf32>, vector<2528x64xf32> -> vector<2528x64xf32>
    %get3A_46 = arith.constant 0 : index
    %get3A_47 = arith.constant 0 : index
    %get3A_48 = vector.load %arg11[%get3A_46, %get3A_47] : memref<1x64xf32, #tpu.memory_space<vmem>>, vector<1x64xf32>
    %add3A_49 = vector.broadcast %get3A_48 : vector<1x64xf32> to vector<2528x64xf32>
    %add3A_50 = arith.addf %dot_general3A_45, %add3A_49 : vector<2528x64xf32>
    %max3A_51 = arith.constant 0.000000e+00 : f32
    %max3A_52 = vector.broadcast %max3A_51 : f32 to vector<2528x64xf32>
    %max3A_53 = arith.maximumf %add3A_50, %max3A_52 : vector<2528x64xf32>
    %get3A_54 = arith.constant 0 : index
    %get3A_55 = arith.constant 0 : index
    %get3A_56 = vector.load %arg12[%get3A_54, %get3A_55] : memref<64x512xf32, #tpu.memory_space<vmem>>, vector<64x512xf32>
    %dot_general3A_57 = arith.constant dense<0.000000e+00> : vector<2528x512xf32>
    %dot_general3A_58 = tpu.matmul %max3A_53, %get3A_56, %dot_general3A_57 {dimension_numbers = #tpu.dot_dimension_numbers<[1], [0], [0], [1], [0, 0, 1, 1], [], []>, transpose_lhs_hint = false} : vector<2528x64xf32>, vector<64x512xf32>, vector<2528x512xf32> -> vector<2528x512xf32>
    %get3A_59 = arith.constant 0 : index
    %get3A_60 = arith.constant 0 : index
    %get3A_61 = vector.load %arg13[%get3A_59, %get3A_60] : memref<1x512xf32, #tpu.memory_space<vmem>>, vector<1x512xf32>
    %add3A_62 = vector.broadcast %get3A_61 : vector<1x512xf32> to vector<2528x512xf32>
    %add3A_63 = arith.addf %dot_general3A_58, %add3A_62 : vector<2528x512xf32>
    %swap3A_64 = arith.constant 0 : index
    %swap3A_65 = arith.constant 0 : index
    %swap3A_66 = vector.load %arg15[%swap3A_64, %swap3A_65] : memref<2528x512xf32, #tpu.memory_space<vmem>>, vector<2528x512xf32>
    tpu.vector_store %arg15[%swap3A_64, %swap3A_65], %add3A_63 {strides = array<i32>} : memref<2528x512xf32, #tpu.memory_space<vmem>>, vector<2528x512xf32>,
    return
  }
  func.func @transform_0(%arg0: i32) -> (i32, i32) {
    %c0_i32 = arith.constant 0 : i32
    %c0_i32_0 = arith.constant 0 : i32
    return %arg0, %c0_i32 : i32, i32
  }
  func.func @transform_1(%arg0: i32) -> (i32, i32) {
    %c0_i32 = arith.constant 0 : i32
    %c0_i32_0 = arith.constant 0 : i32
    return %arg0, %c0_i32 : i32, i32
  }
  func.func @transform_2(%arg0: i32) -> (i32, i32) {
    %c0_i32 = arith.constant 0 : i32
    %c0_i32_0 = arith.constant 0 : i32
    return %arg0, %c0_i32 : i32, i32
  }
  func.func @transform_3(%arg0: i32) -> (i32, i32) {
    %c0_i32 = arith.constant 0 : i32
    %c0_i32_0 = arith.constant 0 : i32
    return %arg0, %c0_i32 : i32, i32
  }
  func.func @transform_4(%arg0: i32) -> (i32, i32) {
    %c0_i32 = arith.constant 0 : i32
    %c0_i32_0 = arith.constant 0 : i32
    %c0_i32_1 = arith.constant 0 : i32
    return %c0_i32, %c0_i32_0 : i32, i32
  }
  func.func @transform_5(%arg0: i32) -> (i32, i32) {
    %c0_i32 = arith.constant 0 : i32
    %c0_i32_0 = arith.constant 0 : i32
    %c0_i32_1 = arith.constant 0 : i32
    return %c0_i32, %c0_i32_0 : i32, i32
  }
  func.func @transform_6(%arg0: i32) -> (i32, i32) {
    %c0_i32 = arith.constant 0 : i32
    %c0_i32_0 = arith.constant 0 : i32
    %c0_i32_1 = arith.constant 0 : i32
    return %c0_i32, %c0_i32_0 : i32, i32
  }
  func.func @transform_7(%arg0: i32) -> (i32, i32) {
    %c0_i32 = arith.constant 0 : i32
    %c0_i32_0 = arith.constant 0 : i32
    %c0_i32_1 = arith.constant 0 : i32
    return %c0_i32, %c0_i32_0 : i32, i32
  }
  func.func @transform_8(%arg0: i32) -> (i32, i32) {
    %c0_i32 = arith.constant 0 : i32
    %c0_i32_0 = arith.constant 0 : i32
    %c0_i32_1 = arith.constant 0 : i32
    return %c0_i32, %c0_i32_0 : i32, i32
  }
  func.func @transform_9(%arg0: i32) -> (i32, i32) {
    %c0_i32 = arith.constant 0 : i32
    %c0_i32_0 = arith.constant 0 : i32
    %c0_i32_1 = arith.constant 0 : i32
    return %c0_i32, %c0_i32_0 : i32, i32
  }
  func.func @transform_10(%arg0: i32) -> (i32, i32) {
    %c0_i32 = arith.constant 0 : i32
    %c0_i32_0 = arith.constant 0 : i32
    %c0_i32_1 = arith.constant 0 : i32
    return %c0_i32, %c0_i32_0 : i32, i32
  }
  func.func @transform_11(%arg0: i32) -> (i32, i32) {
    %c0_i32 = arith.constant 0 : i32
    %c0_i32_0 = arith.constant 0 : i32
    %c0_i32_1 = arith.constant 0 : i32
    return %c0_i32, %c0_i32_0 : i32, i32
  }
  func.func @transform_12(%arg0: i32) -> (i32, i32) {
    %c0_i32 = arith.constant 0 : i32
    %c0_i32_0 = arith.constant 0 : i32
    %c0_i32_1 = arith.constant 0 : i32
    return %c0_i32, %c0_i32_0 : i32, i32
  }
  func.func @transform_13(%arg0: i32) -> (i32, i32) {
    %c0_i32 = arith.constant 0 : i32
    %c0_i32_0 = arith.constant 0 : i32
    return %arg0, %c0_i32 : i32, i32
  }
  func.func @transform_14(%arg0: i32) -> (i32, i32) {
    %c0_i32 = arith.constant 0 : i32
    %c0_i32_0 = arith.constant 0 : i32
    return %arg0, %c0_i32 : i32, i32
  }
}

</mosaic_0001>

<sc_bundles>
// kernel: kernel.12.cloned.1.call-start
scs
__scs_entry_jumppad:
0x0: {  	(pc) =	sbr.rel $0x88, $3  }
0x1: {  	(tag) =	ssettag $0x0;
	lr =	simm.s32 $0x1  }
0x2: {  	[smem:$0x3F8D] =	sst lr;
	_ =	strace $0xD0000000  }
0x3: {  	_ = 	snop  }
0x4: {  	_ = 	snop  }
0x5: {  	_ = 	snop  }
0x6: {  	_ = 	snop  }
0x7: {  	_ = 	snop  }
__scs_overlays_trampoline_lowered:
0x8: {  	[smem:$0x3F9C] =	sst s0  }
0x9: {  	[smem:$0x3F9D] =	sst s1  }
0xa: {  	[smem:$0x3F9E] =	sst s2  }
0xb: {  	[smem:$0x3F9F] =	sst s3  }
0xc: {  	[smem:$0x3FA0] =	sst s4  }
0xd: {  	[smem:$0x3FA1] =	sst s5  }
0xe: {  	[smem:$0x3FA2] =	sst s6  }
0xf: {  	[smem:$0x3FA3] =	sst s7  }
0x10: {  	[smem:$0x3FA4] =	sst s8  }
0x11: {  	[smem:$0x3FA5] =	sst s9;
	s0 =	simm.s32 @!p0 $0x0  }
0x12: {  	s1 =	sld [smem:$0x3F8B];
	s0 =	simm.s32 @p0 $0x1  }
0x13: {  	[smem:$0x3FA6] =	sst s0;
	s0 =	simm.s32 @!p1 $0x0  }
0x14: {  	s2 =	sld [smem:$0x3F8A];
	s0 =	simm.s32 @p1 $0x1  }
0x15: {  	[smem:$0x3FA7] =	sst s0;
	s0 =	simm.s32 @!p2 $0x0  }
0x16: {  	s3 =	sld [smem:$0x3FDB];
	s0 =	simm.s32 @p2 $0x1  }
0x17: {  	s4 =	simm.s32 $0x1BF5;
	[smem:$0x3FA9] =	sst s0  }
0x18: {  	s0 =	sld [smem:$0x3F8C];
	_ =	swait.ge [sflag:s4], $0x0  }
0x19: {  	s7 =	sld [smem:$0x3F8D]  }
0x1a: {  	s8 =	sadd.s32 $0xFFFFE003, lr  }
0x1b: {  	s9 =	sadd.s32 $0xFFFFFEF7, lr;
	s5 =	simm.s32 $0xFFFFFFFF;
	p2 =	slt.u32 s8, $0xFFFFF086  }
0x1c: {  	p1 =	slt.u32 s9, $0xF7A;
	s5 =	simm.s32 @!p2 $0x0  }
0x1d: {  	s5 =	simm.s32 @p1 $0x1;
	p0 =	seq.s32 s7, s2  }
0x1e: {  	s7 =	smul.u32 @!p0 $0xF7A, s2;
	p2 =	seq.s32 @!p0 s5, $0x0  }
0x1f: {  	s9 =	smul.u32 $0xF7A, s1;
	s8 =	simm.s32 @!p0 $0x1BF5;
	p2 =	por !p2, p0  }
0x20: {  	[sflag:s8] =	ssyncset.s32 @!p0 $0xFFFFF086;
	s6 =	sadd.s32 @!p0 s3, s7;
	s7 =	simm.s32 @!p0 $0x108  }
0x21: {  	s3 =	sadd.s32 s3, s9;
	s6 =	sadd.s32 @!p0 $0x88, s6;
	s7 =	simm.s32 @p2 $0x1082  }
0x22: {  	[simem:s7], [sflag:s8] =	dma.local @!p0 [hbm:s6], $0xF7A  }
0x23: {  	s9 =	sor.u32 $0xD0000000, s2;
	s6 =	simm.s32 $0x108;
	_ =	swait.ge @!p0 [sflag:s8], $0x0  }
0x24: {  	s3 =	sadd.s32 $0x88, s3;
	s6 =	simm.s32 @!p1 $0x1082;
	[sflag:s4] =	ssyncset.s32 $0xFFFFF086  }
0x25: {  	[simem:s6], [sflag:s4] =	dma.local [hbm:s3], $0xF7A  }
0x26: {  	[smem:$0x3F8D] =	sst s1;
	(tag) =	ssettag s2;
	_ =	strace s9  }
0x27: {  	s1 =	sld [smem:$0x3F9D]  }
0x28: {  	s2 =	sld [smem:$0x3F9E]  }
0x29: {  	s4 =	sld [smem:$0x3FA0]  }
0x2a: {  	p0 =	seq.s32 s5, $0x0;
	s5 =	sld [smem:$0x3FA1]  }
0x2b: {  	s6 =	sld [smem:$0x3FA2]  }
0x2c: {  	s7 =	sld [smem:$0x3FA3]  }
0x2d: {  	s3 =	simm.s32 $0x108;
	s8 =	sld [smem:$0x3FA4]  }
0x2e: {  	s3 =	simm.s32 @!p0 $0x1082;
	s9 =	sld [smem:$0x3FA5]  }
0x2f: {  	lr =	sadd.s32 s0, s3;
	s0 =	sld [smem:$0x3F9C]  }
0x30: {  	s3 =	sld [smem:$0x3F9F]  }
0x31: {  	[smem:$0x3FA8] =	sst s10  }
0x32: {  	s10 =	sld [smem:$0x3FA6];
	_ =	sdelay $0x3  }
0x33: {  	p0 =	seq.s32 s10, $0x1;
	s10 =	sld [smem:$0x3FA8];
	_ =	sdelay $0x3  }
0x34: {  	[smem:$0x3FA8] =	sst s10  }
0x35: {  	s10 =	sld [smem:$0x3FA7];
	_ =	sdelay $0x3  }
0x36: {  	p1 =	seq.s32 s10, $0x1;
	s10 =	sld [smem:$0x3FA8];
	_ =	sdelay $0x3  }
0x37: {  	[smem:$0x3FA8] =	sst s10  }
0x38: {  	s10 =	sld [smem:$0x3FA9]  }
0x39: {  	_ = 	snop;
	(pc) =	sbr.ind lr, $3  }
0x3a: {  	_ = 	snop  }
0x3b: {  	_ = 	snop  }
0x3c: {  	p2 =	seq.s32 s10, $0x1;
	s10 =	sld [smem:$0x3FA8]  }
0x3d: {  	_ =	shalt  }
0x3e: {  	_ =	shalt  }
0x3f: {  	_ =	shalt  }
0x40: {  	_ =	shalt  }
0x41: {  	_ =	shalt  }
0x42: {  	_ =	shalt  }
0x43: {  	_ =	shalt  }
0x44: {  	_ =	shalt  }
0x45: {  	_ =	shalt  }
0x46: {  	_ =	shalt  }
0x47: {  	_ =	shalt  }
0x48: {  	_ =	shalt  }
0x49: {  	_ =	shalt  }
0x4a: {  	_ =	shalt  }
0x4b: {  	_ =	shalt  }
0x4c: {  	_ =	shalt  }
0x4d: {  	_ =	shalt  }
0x4e: {  	_ =	shalt  }
0x4f: {  	_ =	shalt  }
0x50: {  	_ =	shalt  }
0x51: {  	_ =	shalt  }
0x52: {  	_ =	shalt  }
0x53: {  	_ =	shalt  }
0x54: {  	_ =	shalt  }
0x55: {  	_ =	shalt  }
0x56: {  	_ =	shalt  }
0x57: {  	_ =	shalt  }
0x58: {  	_ =	shalt  }
0x59: {  	_ =	shalt  }
0x5a: {  	_ =	shalt  }
0x5b: {  	_ =	shalt  }
0x5c: {  	_ =	shalt  }
0x5d: {  	_ =	shalt  }
0x5e: {  	_ =	shalt  }
0x5f: {  	_ =	shalt  }
0x60: {  	_ =	shalt  }
0x61: {  	_ =	shalt  }
0x62: {  	_ =	shalt  }
0x63: {  	_ =	shalt  }
0x64: {  	_ =	shalt  }
0x65: {  	_ =	shalt  }
0x66: {  	_ =	shalt  }
0x67: {  	_ =	shalt  }
0x68: {  	_ =	shalt  }
0x69: {  	_ =	shalt  }
0x6a: {  	_ =	shalt  }
0x6b: {  	_ =	shalt  }
0x6c: {  	_ =	shalt  }
0x6d: {  	_ =	shalt  }
0x6e: {  	_ =	shalt  }
0x6f: {  	_ =	shalt  }
0x70: {  	_ =	shalt  }
0x71: {  	_ =	shalt  }
0x72: {  	_ =	shalt  }
0x73: {  	_ =	shalt  }
0x74: {  	_ =	shalt  }
0x75: {  	_ =	shalt  }
0x76: {  	_ =	shalt  }
0x77: {  	_ =	shalt  }
0x78: {  	_ =	shalt  }
0x79: {  	_ =	shalt  }
0x7a: {  	_ =	shalt  }
0x7b: {  	_ =	shalt  }
0x7c: {  	_ =	shalt  }
0x7d: {  	_ =	shalt  }
0x7e: {  	_ =	shalt  }
0x7f: {  	_ =	shalt  }
0x80: {  	_ =	shalt  }
0x81: {  	_ =	shalt  }
0x82: {  	_ =	shalt  }
0x83: {  	_ =	shalt  }
0x84: {  	_ =	shalt  }
0x85: {  	_ =	shalt  }
0x86: {  	_ =	shalt  }
0x87: {  	_ =	shalt  }
.Lfunc_end0:
.L_simem_size_0:
called_computation_lowered:
.L_overlay_start_0:
0x88: {  	s2 =	sld [smem:$0x3FD9]  }
0x89: {  	s3 =	sld [smem:$0x3FFE];
	_ =	sdelay $0x1  }
0x8a: {  	s1 =	srdreg.scid  }
0x8b: {  	s0 =	sand.u32 $0x1, s1  }
0x8c: {  	s14 =	sshll.u32 s0, $0xA;
	s2 =	sadd.s32 s3, s2  }
0x8d: {  	s2 =	sadd.s32 s2, s14  }
0x8e: {  	[smem:$0x3FB4] =	sst s2  }
0x8f: {  	_ = 	snop  }
0x90: {  	s2 =	sld [smem:$0x3FD0];
	_ =	sdelay $0x2  }
0x91: {  	s15 =	simm.s32 $0xA;
	s4 =	simm.s32 $0x10  }
0x92: {  	[smem:s4], [sflag:s15] =	dma.local [hbm:s2], $0x1  }
0x93: {  	_ =	swait.eq [sflag:s15], $0x1  }
0x94: {  	[sflag:s15] =	ssyncset.done $0x0  }
0x95: {  	s16 =	sld [smem:$0x10];
	[sflag:s15] =	ssyncadd.s32 $0xFFFFFFFF  }
0x96: {  	s17 =	sld [smem:$0x11];
	(tm) =	ssettm $0x1  }
0x97: {  	s18 =	sld [smem:$0x3FFB];
	_ =	sdelay $0x3  }
0x98: {  	_ =	strace s18  }
0x99: {  	s4 =	sld [smem:$0x3FFC];
	_ =	sdelay $0x3  }
0x9a: {  	_ =	strace s4  }
0x9b: {  	s4 =	sld [smem:$0x3FFD];
	_ =	sdelay $0x3  }
0x9c: {  	_ =	strace s4  }
0x9d: {  	_ =	strace $0x8FFFFFFF  }
0x9e: {  	s19 =	sld [smem:$0x3FDB];
	_ =	sdelay $0x1  }
0x9f: {  	s5 =	simm.s32 $_scs_section_size  }
0xa0: {  	s6 =	simm.s32 $_size__tile_overlayer_lowered;
	s7 =	simm.s32 $_tile_overlayer_lowered  }
0xa1: {  	s22 =	simm.s32 $0x1BFF;
	s21 =	sshll.u32 s7, $0x1;
	s4 =	sadd.s32 s5, s19  }
0xa2: {  	s8 =	simm.s32 $0x0;
	s20 =	sshll.u32 s6, $0x1;
	s6 =	sadd.s32 s21, s4  }
0xa3: {  	[timem:s8], [sflag:s22] =	dma.local [hbm:s6], s20  }
0xa4: {  	_ =	swait.ge [sflag:s22], s20  }
0xa5: {  	s5 =	ssub.s32 $0x0, s20;
	[sflag:s22] =	ssyncset.done $0x0  }
0xa6: {  	[sflag:s22] =	ssyncadd.s32 s5;
	_ =	sdelay $0x1  }
0xa7: {  	s23 =	simm.s32 $0x1B8B  }
0xa8: {  	_ =	swait.ge [sflag:s23], $0x1  }
0xa9: {  	[sflag:s23] =	ssyncset.done $0x0  }
0xaa: {  	s25 =	simm.s32 $0x1B8E;
	s24 =	sld [smem:$0x3FFE];
	[sflag:s23] =	ssyncadd.s32 $0xFFFFFFFF  }
0xab: {  	s26 =	simm.s32 $execute0_lowered;
	[smem:$0x3FD2] =	sst s25  }
0xac: {  	s6 =	sshll.u32 s26, $0x1;
	_ =	strace $0x80000046;
	[dreg:$0x1] =	wrdreg $0xFFFFFFFF  }
0xad: {  	s28 =	simm.s32 $_size_execute0_lowered;
	s4 =	sadd.s32 s4, s6;
	[dreg:$0x0] =	wrdreg $0x0  }
0xae: {  	s6 =	sshll.u32 s28, $0x1;
	[dreg:$0x2] =	wrdreg s4  }
0xaf: {  	[dreg:$0x3] =	wrdreg s6  }
0xb0: {  	[dreg:$0x4] =	wrdreg $0xC0  }
0xb1: {  	_ =	task [dreg:s8], $0x5FFFF  }
0xb2: {  	[dreg:$0x1] =	wrdreg $0xFFFFFFFF  }
0xb3: {  	[dreg:$0x0] =	wrdreg $0x60  }
0xb4: {  	[dreg:$0x2] =	wrdreg s16  }
0xb5: {  	[dreg:$0x3] =	wrdreg s24  }
0xb6: {  	[dreg:$0x4] =	wrdreg s17  }
0xb7: {  	[dreg:$0x5] =	wrdreg $0x54000  }
0xb8: {  	[dreg:$0x6] =	wrdreg $0x9  }
0xb9: {  	_ =	task.clear_ibuf [dreg:s8], $0x7FFFF;
	_ =	strace $0x90000046  }
0xba: {  	s29 =	simm.s32 $0x9;
	_ =	strace $0x80000048  }
0xbb: {  	_ =	swait.ge [sflag:s29], $0x1  }
0xbc: {  	[sflag:s29] =	ssyncadd.s32 $0xFFFFFFFF  }
0xbd: {  	_ =	strace $0x90000048  }
0xbe: {  	_ =	sfence  }
0xbf: {  	s30 =	sld [smem:$0x0];
	_ =	sdelay $0x2  }
0xc0: {  	s31 =	sshll.u32 s1, $0xD;
	s1 =	sshrl.u32 s1, $0x2  }
0xc1: {  	s3 =	sand.u32 $0x4000, s31;
	s1 =	sadd.s32 s1, s30  }
0xc2: {  	s0 =	sor.u32 s3, s0;
	s1 =	sshll.u32 s1, $0x11  }
0xc3: {  	s0 =	sor.u32 s1, s0  }
0xc4: {  	s0 =	sadd.s32 $0x8F2B, s0  }
0xc5: {  	[sflag:s0] =	ssyncadd.remote.s32 $0x1  }
0xc6: {  	_ =	sfence.sel $0xFFFF  }
0xc7: {  	[dreg:$0x0] =	wrdreg $0xFFFFFFFF;
	(pc) =	sbr.abs _section_cstart, $3  }
0xc8: {  	[dreg:$0x1] =	wrdreg $0xFFFFFFFF  }
0xc9: {  	_ =	task.clear_ibuf [dreg:s8], $0x2FFFF;
	_ =	strace $0x9FFFFFFF  }
0xca: {  	(tm) =	ssettm $0x7FFFFFFF  }
0xcb: {  	_ =	shalt  }
tec
execute0_lowered:
.L_overlay_start_1:
0x0: {  	(tag) =	ssettag $0x1  }
0x1: {  	s6 =	rddreg [dreg:$0x0]  }
0x2: {  	s5 =	rddreg [dreg:$0x1]  }
0x3: {  	s8 =	rddreg [dreg:$0x2]  }
0x4: {  	s0 =	srdreg.scid;
	s2 =	rddreg [dreg:$0x3]  }
0x5: {  	s1 =	stileid.u32;
	s3 =	simm.s32 $0x0;
	s14 =	simm.s32 $0x80  }
0x6: {  	s4 =	sand.u32 $0x1, s0;
	s0 =	rddreg [dreg:$0x4];
	s9 =	smul.u32 $0x4F000, s1  }
0x7: {  	s15 =	simm.s32 $0x0;
	[smem:$0x7FF] =	sst s3;
	s13 =	smul.u32 $0x13C00, s1  }
0x8: {  	s31 =	sshll.u32 s1, $0x6;
	s7 =	sshll.u32 s4, $0x4;
	_ =	strace $0x80000047  }
0x9: {  	s10 =	ssub.s32 $0x2, s4;
	s11 =	smul.u32 $0x13C000, s4;
	s4 =	sadd.s32 $0x7000, s5  }
0xa: {  	s5 =	sadd.s32 $0x7800, s5;
	s7 =	sor.u32 s1, s7;
	s12 =	sshrl.u32 s10, $0x1  }
0xb: {  	s9 =	sshrl.u32 s9, $0x2;
	s7 =	smul.u32 $0x2800, s7;
	s10 =	ssub.s32 s10, s12  }
0xc: {  	s11 =	sadd.s32 s13, s11;
	s29 =	sadd.s32 s9, s2;
	s12 =	sor.u32 $0x1C01, s31  }
0xd: {  	s30 =	sshrl.u32 s11, $0x3;
	s9 =	smax.u32 s10, $0x1;
	s7 =	sshrl.u32 s7, $0x3  }
0xe: {  	s10 =	simm.s32 $0x1400;
	s11 =	simm.s32 $0x1;
	s6 =	sadd.s32 s6, s7  }
0xf: {  	s13 =	sshrl.u32 s29, $0x3;
	s8 =	sadd.s32 s8, s30;
	s7 =	sadd.s32 $0x280, s6  }
.LBB2_1:
0x10: {  	[tilespmem:s10], [sflag:$0x1] =	stream.linear.gather [hbm4b:s4+s3], $0x4000, $0x38;
	[tilespmem:$0x19000] =	vst v63  }
0x11: {  	_ =	swait.ge [sflag:s11], $0x4000  }
0x12: {  	[sflag:s11] =	ssyncset.done $0x0  }
0x13: {  	[sflag:s11] =	ssyncadd.s32 $0xFFFFC000  }
0x14: {  	[spmem:s13], [sflag:s12] =	dma.local [hbm:s5], $0x2780  }
0x15: {  	_ =	swait.ge [sflag:s11], $0x2780  }
0x16: {  	[sflag:s11] =	ssyncset.done $0x0  }
0x17: {  	[sflag:s11] =	ssyncadd.s32 $0xFFFFD880  }
0x18: {  	[bflag:$0x0] =	sbarrier.arrive $0xFFFF  }
0x19: {  	[tilespmem:s3], [sflag:$0x1] =	stream.linear.gather [hbm4b:s6+s3], $0x1400, $0x38;
	[tilespmem:$0x19000] =	vst v63  }
0x1a: {  	_ =	swait.ge [sflag:s11], $0x1400  }
0x1b: {  	[sflag:s11] =	ssyncset.done $0x0  }
0x1c: {  	s16 =	simm.s32 $0x0;
	[sflag:s11] =	ssyncadd.s32 $0xFFFFEC00  }
0x1d: {  	[spmem:s2] =	stream.indirect.scatter.add.f32 [tilespmem:s10], [sflag:$0x1], $0x80, s16, s14, $0xb8;
	[tilespmem:$0x19000] =	vst v63  }
0x1e: {  	_ =	swait.ge [sflag:s11], $0x4000  }
0x1f: {  	s16 =	simm.s32 $0x200;
	[sflag:s11] =	ssyncset.done $0x0  }
.LBB2_2:
0x20: {  	s17 =	sshra.s32 s16, $0x2;
	[sflag:s11] =	ssyncadd.s32 $0xFFFFC000;
	p0 =	sne.s32 s16, $0x4E00  }
0x21: {  	[spmem:s2] =	stream.indirect.scatter.add.f32 [tilespmem:s10], [sflag:$0x1], $0x80, s17, s14, $0xb8;
	[tilespmem:$0x19000] =	vst v63  }
.Ltmp0:
0x22: {  	_ = 	snop;
	(pc) =	sbr.rel @p0 .LBB2_2-.Ltmp0, $4  }
0x23: {  	_ = 	snop  }
0x24: {  	s16 =	sadd.s32 $0x200, s16  }
0x25: {  	_ =	swait.ge [sflag:s11], $0x4000  }
0x26: {  	[sflag:s11] =	ssyncset.done $0x0  }
0x27: {  	[sflag:s11] =	ssyncadd.s32 $0xFFFFC000;
	s16 =	simm.s32 $0x0  }
0x28: {  	[tilespmem:s16], [sflag:$0x1] =	stream.linear.gather [hbm4b:s7+s16], $0x1400, $0x38;
	[tilespmem:$0x19000] =	vst v63  }
0x29: {  	_ =	swait.ge [sflag:s11], $0x1400  }
0x2a: {  	[sflag:s11] =	ssyncset.done $0x0  }
0x2b: {  	s31 =	simm.s32 $0x0;
	[sflag:s11] =	ssyncadd.s32 $0xFFFFEC00  }
0x2c: {  	[spmem:s2] =	stream.indirect.scatter.add.f32 [tilespmem:s10], [sflag:$0x1], $0x80, s31, s14, $0xb8;
	[tilespmem:$0x19000] =	vst v63  }
0x2d: {  	_ =	swait.ge [sflag:s11], $0x4000  }
0x2e: {  	s16 =	simm.s32 $0x200;
	[sflag:s11] =	ssyncset.done $0x0  }
.LBB2_4:
0x2f: {  	s17 =	sshra.s32 s16, $0x2;
	[sflag:s11] =	ssyncadd.s32 $0xFFFFC000;
	p0 =	sne.s32 s16, $0x4E00  }
0x30: {  	[spmem:s2] =	stream.indirect.scatter.add.f32 [tilespmem:s10], [sflag:$0x1], $0x80, s17, s14, $0xb8;
	[tilespmem:$0x19000] =	vst v63  }
.Ltmp1:
0x31: {  	_ = 	snop;
	(pc) =	sbr.rel @p0 .LBB2_4-.Ltmp1, $4  }
0x32: {  	_ = 	snop  }
0x33: {  	s16 =	sadd.s32 $0x200, s16  }
0x34: {  	_ =	swait.ge [sflag:s11], $0x4000  }
0x35: {  	[sflag:s11] =	ssyncset.done $0x0  }
0x36: {  	s15 =	sadd.s32 $0x1, s15  }
0x37: {  	[sflag:s11] =	ssyncadd.s32 $0xFFFFC000;
	p0 =	sne.s32 s15, s9  }
.Ltmp2:
0x38: {  	[bflag:$0x0] =	sbarrier.arrive $0xFFFF;
	(pc) =	sbr.rel @p0 .LBB2_1-.Ltmp2, $4  }
0x39: {  	[hbm:s8], [sflag:s12] =	dma.local [spmem:s13], $0x2780  }
0x3a: {  	_ =	swait.ge [sflag:s11], $0x2780  }
0x3b: {  	[sflag:s11] =	ssyncset.done $0x0  }
0x3c: {  	[sflag:s11] =	ssyncadd.s32 $0xFFFFD880  }
0x3d: {  	_ =	sfence.sel $0x180000  }
0x3e: {  	[bflag:$0x0] =	sbarrier.arrive $0xFFFF  }
0x3f: {  	p0 =	sne.s32 s1, $0x0;
	_ =	strace $0x90000047  }
0x40: {  	s0 =	sadd.s32 @!p0 $0x100000, s0;
	[bflag:$0x2] =	sbarrier.arrive $0xFFFF  }
0x41: {  	[sflag:s0] =	ssyncadd.tile.s32 @!p0 $0x1;
	_ =	shalt  }
.Lfunc_end2:
_tile_overlayer_lowered:
.L_overlay_start_2:
0x42: {  	(tag) =	ssettag $0x2  }
0x43: {  	s0 =	rddreg [dreg:$0x0];
	s2 =	stileid.u32  }
0x44: {  	s1 =	rddreg [dreg:$0x1];
	p0 =	sne.s32 s2, $0x0  }
0x45: {  	s3 =	rddreg [dreg:$0x2];
	[bflag:$0x3] =	sbarrier.arrive $0xFFFF;
	s2 =	simm.s32 @!p0 $0x1C01  }
0x46: {  	[timem:s3], [sflag:s2] =	dma.local @!p0 [hbm:s0], s1  }
0x47: {  	s0 =	simm.s32 @!p0 $0x1  }
0x48: {  	_ =	swait.ge @!p0 [sflag:s0], s1  }
0x49: {  	s1 =	ssub.s32 @!p0 $0x0, s1;
	[sflag:s0] =	ssyncset.done @!p0 $0x0  }
0x4a: {  	[sflag:s0] =	ssyncadd.s32 @!p0 s1  }
0x4b: {  	[bflag:$0x3] =	sbarrier.arrive $0xFFFF  }
0x4c: {  	_ =	shalt  }

// kernel: kernel.15.cloned.1.call-start
scs
__scs_entry_jumppad:
0x0: {  	(pc) =	sbr.rel $0x88, $3  }
0x1: {  	(tag) =	ssettag $0x0;
	lr =	simm.s32 $0x1  }
0x2: {  	[smem:$0x3F8D] =	sst lr;
	_ =	strace $0xD0000000  }
0x3: {  	_ = 	snop  }
0x4: {  	_ = 	snop  }
0x5: {  	_ = 	snop  }
0x6: {  	_ = 	snop  }
0x7: {  	_ = 	snop  }
__scs_overlays_trampoline_lowered:
0x8: {  	[smem:$0x3F9C] =	sst s0  }
0x9: {  	[smem:$0x3F9D] =	sst s1  }
0xa: {  	[smem:$0x3F9E] =	sst s2  }
0xb: {  	[smem:$0x3F9F] =	sst s3  }
0xc: {  	[smem:$0x3FA0] =	sst s4  }
0xd: {  	[smem:$0x3FA1] =	sst s5  }
0xe: {  	[smem:$0x3FA2] =	sst s6  }
0xf: {  	[smem:$0x3FA3] =	sst s7  }
0x10: {  	[smem:$0x3FA4] =	sst s8  }
0x11: {  	[smem:$0x3FA5] =	sst s9;
	s0 =	simm.s32 @!p0 $0x0  }
0x12: {  	s1 =	sld [smem:$0x3F8B];
	s0 =	simm.s32 @p0 $0x1  }
0x13: {  	[smem:$0x3FA6] =	sst s0;
	s0 =	simm.s32 @!p1 $0x0  }
0x14: {  	s2 =	sld [smem:$0x3F8A];
	s0 =	simm.s32 @p1 $0x1  }
0x15: {  	[smem:$0x3FA7] =	sst s0;
	s0 =	simm.s32 @!p2 $0x0  }
0x16: {  	s3 =	sld [smem:$0x3FDB];
	s0 =	simm.s32 @p2 $0x1  }
0x17: {  	s4 =	simm.s32 $0x1BF5;
	[smem:$0x3FA9] =	sst s0  }
0x18: {  	s0 =	sld [smem:$0x3F8C];
	_ =	swait.ge [sflag:s4], $0x0  }
0x19: {  	s7 =	sld [smem:$0x3F8D]  }
0x1a: {  	s8 =	sadd.s32 $0xFFFFE003, lr  }
0x1b: {  	s9 =	sadd.s32 $0xFFFFFEF7, lr;
	s5 =	simm.s32 $0xFFFFFFFF;
	p2 =	slt.u32 s8, $0xFFFFF086  }
0x1c: {  	p1 =	slt.u32 s9, $0xF7A;
	s5 =	simm.s32 @!p2 $0x0  }
0x1d: {  	s5 =	simm.s32 @p1 $0x1;
	p0 =	seq.s32 s7, s2  }
0x1e: {  	s7 =	smul.u32 @!p0 $0xF7A, s2;
	p2 =	seq.s32 @!p0 s5, $0x0  }
0x1f: {  	s9 =	smul.u32 $0xF7A, s1;
	s8 =	simm.s32 @!p0 $0x1BF5;
	p2 =	por !p2, p0  }
0x20: {  	[sflag:s8] =	ssyncset.s32 @!p0 $0xFFFFF086;
	s6 =	sadd.s32 @!p0 s3, s7;
	s7 =	simm.s32 @!p0 $0x108  }
0x21: {  	s3 =	sadd.s32 s3, s9;
	s6 =	sadd.s32 @!p0 $0x88, s6;
	s7 =	simm.s32 @p2 $0x1082  }
0x22: {  	[simem:s7], [sflag:s8] =	dma.local @!p0 [hbm:s6], $0xF7A  }
0x23: {  	s9 =	sor.u32 $0xD0000000, s2;
	s6 =	simm.s32 $0x108;
	_ =	swait.ge @!p0 [sflag:s8], $0x0  }
0x24: {  	s3 =	sadd.s32 $0x88, s3;
	s6 =	simm.s32 @!p1 $0x1082;
	[sflag:s4] =	ssyncset.s32 $0xFFFFF086  }
0x25: {  	[simem:s6], [sflag:s4] =	dma.local [hbm:s3], $0xF7A  }
0x26: {  	[smem:$0x3F8D] =	sst s1;
	(tag) =	ssettag s2;
	_ =	strace s9  }
0x27: {  	s1 =	sld [smem:$0x3F9D]  }
0x28: {  	s2 =	sld [smem:$0x3F9E]  }
0x29: {  	s4 =	sld [smem:$0x3FA0]  }
0x2a: {  	p0 =	seq.s32 s5, $0x0;
	s5 =	sld [smem:$0x3FA1]  }
0x2b: {  	s6 =	sld [smem:$0x3FA2]  }
0x2c: {  	s7 =	sld [smem:$0x3FA3]  }
0x2d: {  	s3 =	simm.s32 $0x108;
	s8 =	sld [smem:$0x3FA4]  }
0x2e: {  	s3 =	simm.s32 @!p0 $0x1082;
	s9 =	sld [smem:$0x3FA5]  }
0x2f: {  	lr =	sadd.s32 s0, s3;
	s0 =	sld [smem:$0x3F9C]  }
0x30: {  	s3 =	sld [smem:$0x3F9F]  }
0x31: {  	[smem:$0x3FA8] =	sst s10  }
0x32: {  	s10 =	sld [smem:$0x3FA6];
	_ =	sdelay $0x3  }
0x33: {  	p0 =	seq.s32 s10, $0x1;
	s10 =	sld [smem:$0x3FA8];
	_ =	sdelay $0x3  }
0x34: {  	[smem:$0x3FA8] =	sst s10  }
0x35: {  	s10 =	sld [smem:$0x3FA7];
	_ =	sdelay $0x3  }
0x36: {  	p1 =	seq.s32 s10, $0x1;
	s10 =	sld [smem:$0x3FA8];
	_ =	sdelay $0x3  }
0x37: {  	[smem:$0x3FA8] =	sst s10  }
0x38: {  	s10 =	sld [smem:$0x3FA9]  }
0x39: {  	_ = 	snop;
	(pc) =	sbr.ind lr, $3  }
0x3a: {  	_ = 	snop  }
0x3b: {  	_ = 	snop  }
0x3c: {  	p2 =	seq.s32 s10, $0x1;
	s10 =	sld [smem:$0x3FA8]  }
0x3d: {  	_ =	shalt  }
0x3e: {  	_ =	shalt  }
0x3f: {  	_ =	shalt  }
0x40: {  	_ =	shalt  }
0x41: {  	_ =	shalt  }
0x42: {  	_ =	shalt  }
0x43: {  	_ =	shalt  }
0x44: {  	_ =	shalt  }
0x45: {  	_ =	shalt  }
0x46: {  	_ =	shalt  }
0x47: {  	_ =	shalt  }
0x48: {  	_ =	shalt  }
0x49: {  	_ =	shalt  }
0x4a: {  	_ =	shalt  }
0x4b: {  	_ =	shalt  }
0x4c: {  	_ =	shalt  }
0x4d: {  	_ =	shalt  }
0x4e: {  	_ =	shalt  }
0x4f: {  	_ =	shalt  }
0x50: {  	_ =	shalt  }
0x51: {  	_ =	shalt  }
0x52: {  	_ =	shalt  }
0x53: {  	_ =	shalt  }
0x54: {  	_ =	shalt  }
0x55: {  	_ =	shalt  }
0x56: {  	_ =	shalt  }
0x57: {  	_ =	shalt  }
0x58: {  	_ =	shalt  }
0x59: {  	_ =	shalt  }
0x5a: {  	_ =	shalt  }
0x5b: {  	_ =	shalt  }
0x5c: {  	_ =	shalt  }
0x5d: {  	_ =	shalt  }
0x5e: {  	_ =	shalt  }
0x5f: {  	_ =	shalt  }
0x60: {  	_ =	shalt  }
0x61: {  	_ =	shalt  }
0x62: {  	_ =	shalt  }
0x63: {  	_ =	shalt  }
0x64: {  	_ =	shalt  }
0x65: {  	_ =	shalt  }
0x66: {  	_ =	shalt  }
0x67: {  	_ =	shalt  }
0x68: {  	_ =	shalt  }
0x69: {  	_ =	shalt  }
0x6a: {  	_ =	shalt  }
0x6b: {  	_ =	shalt  }
0x6c: {  	_ =	shalt  }
0x6d: {  	_ =	shalt  }
0x6e: {  	_ =	shalt  }
0x6f: {  	_ =	shalt  }
0x70: {  	_ =	shalt  }
0x71: {  	_ =	shalt  }
0x72: {  	_ =	shalt  }
0x73: {  	_ =	shalt  }
0x74: {  	_ =	shalt  }
0x75: {  	_ =	shalt  }
0x76: {  	_ =	shalt  }
0x77: {  	_ =	shalt  }
0x78: {  	_ =	shalt  }
0x79: {  	_ =	shalt  }
0x7a: {  	_ =	shalt  }
0x7b: {  	_ =	shalt  }
0x7c: {  	_ =	shalt  }
0x7d: {  	_ =	shalt  }
0x7e: {  	_ =	shalt  }
0x7f: {  	_ =	shalt  }
0x80: {  	_ =	shalt  }
0x81: {  	_ =	shalt  }
0x82: {  	_ =	shalt  }
0x83: {  	_ =	shalt  }
0x84: {  	_ =	shalt  }
0x85: {  	_ =	shalt  }
0x86: {  	_ =	shalt  }
0x87: {  	_ =	shalt  }
.Lfunc_end0:
.L_simem_size_0:
called_computation.1_lowered:
.L_overlay_start_0:
0x88: {  	s2 =	sld [smem:$0x3FD9]  }
0x89: {  	s3 =	sld [smem:$0x3FFE];
	_ =	sdelay $0x1  }
0x8a: {  	s1 =	srdreg.scid  }
0x8b: {  	s0 =	sand.u32 $0x1, s1  }
0x8c: {  	s14 =	sshll.u32 s0, $0xA;
	s2 =	sadd.s32 s3, s2  }
0x8d: {  	s2 =	sadd.s32 s2, s14  }
0x8e: {  	[smem:$0x3FB4] =	sst s2  }
0x8f: {  	_ = 	snop  }
0x90: {  	s2 =	sld [smem:$0x3FD0];
	_ =	sdelay $0x2  }
0x91: {  	s15 =	simm.s32 $0xA;
	s4 =	simm.s32 $0x10  }
0x92: {  	[smem:s4], [sflag:s15] =	dma.local [hbm:s2], $0x1  }
0x93: {  	_ =	swait.eq [sflag:s15], $0x1  }
0x94: {  	[sflag:s15] =	ssyncset.done $0x0  }
0x95: {  	s16 =	sld [smem:$0x10];
	[sflag:s15] =	ssyncadd.s32 $0xFFFFFFFF  }
0x96: {  	s17 =	sld [smem:$0x11];
	(tm) =	ssettm $0x1  }
0x97: {  	s18 =	sld [smem:$0x3FFB];
	_ =	sdelay $0x3  }
0x98: {  	_ =	strace s18  }
0x99: {  	s4 =	sld [smem:$0x3FFC];
	_ =	sdelay $0x3  }
0x9a: {  	_ =	strace s4  }
0x9b: {  	s4 =	sld [smem:$0x3FFD];
	_ =	sdelay $0x3  }
0x9c: {  	_ =	strace s4  }
0x9d: {  	_ =	strace $0x8FFFFFFF  }
0x9e: {  	s19 =	sld [smem:$0x3FDB];
	_ =	sdelay $0x1  }
0x9f: {  	s5 =	simm.s32 $_scs_section_size  }
0xa0: {  	s6 =	simm.s32 $_size__tile_overlayer_lowered;
	s7 =	simm.s32 $_tile_overlayer_lowered  }
0xa1: {  	s22 =	simm.s32 $0x1BFF;
	s21 =	sshll.u32 s7, $0x1;
	s4 =	sadd.s32 s5, s19  }
0xa2: {  	s8 =	simm.s32 $0x0;
	s20 =	sshll.u32 s6, $0x1;
	s6 =	sadd.s32 s21, s4  }
0xa3: {  	[timem:s8], [sflag:s22] =	dma.local [hbm:s6], s20  }
0xa4: {  	_ =	swait.ge [sflag:s22], s20  }
0xa5: {  	s5 =	ssub.s32 $0x0, s20;
	[sflag:s22] =	ssyncset.done $0x0  }
0xa6: {  	[sflag:s22] =	ssyncadd.s32 s5;
	_ =	sdelay $0x1  }
0xa7: {  	s23 =	simm.s32 $0x1B8B  }
0xa8: {  	_ =	swait.ge [sflag:s23], $0x1  }
0xa9: {  	[sflag:s23] =	ssyncset.done $0x0  }
0xaa: {  	s25 =	simm.s32 $0x1B8E;
	s24 =	sld [smem:$0x3FFE];
	[sflag:s23] =	ssyncadd.s32 $0xFFFFFFFF  }
0xab: {  	s26 =	simm.s32 $execute0_lowered;
	[smem:$0x3FD2] =	sst s25  }
0xac: {  	s6 =	sshll.u32 s26, $0x1;
	_ =	strace $0x80000049;
	[dreg:$0x1] =	wrdreg $0xFFFFFFFF  }
0xad: {  	s28 =	simm.s32 $_size_execute0_lowered;
	s4 =	sadd.s32 s4, s6;
	[dreg:$0x0] =	wrdreg $0x0  }
0xae: {  	s6 =	sshll.u32 s28, $0x1;
	[dreg:$0x2] =	wrdreg s4  }
0xaf: {  	[dreg:$0x3] =	wrdreg s6  }
0xb0: {  	[dreg:$0x4] =	wrdreg $0xC0  }
0xb1: {  	_ =	task [dreg:s8], $0x5FFFF  }
0xb2: {  	[dreg:$0x1] =	wrdreg $0xFFFFFFFF  }
0xb3: {  	[dreg:$0x0] =	wrdreg $0x60  }
0xb4: {  	[dreg:$0x2] =	wrdreg s24  }
0xb5: {  	[dreg:$0x3] =	wrdreg s16  }
0xb6: {  	[dreg:$0x4] =	wrdreg s17  }
0xb7: {  	[dreg:$0x5] =	wrdreg $0xA8000  }
0xb8: {  	[dreg:$0x6] =	wrdreg $0x9  }
0xb9: {  	_ =	task.clear_ibuf [dreg:s8], $0x7FFFF;
	_ =	strace $0x90000049  }
0xba: {  	s29 =	simm.s32 $0x9;
	_ =	strace $0x8000004B  }
0xbb: {  	_ =	swait.ge [sflag:s29], $0x1  }
0xbc: {  	[sflag:s29] =	ssyncadd.s32 $0xFFFFFFFF  }
0xbd: {  	_ =	strace $0x9000004B  }
0xbe: {  	_ =	sfence  }
0xbf: {  	s30 =	sld [smem:$0x0];
	_ =	sdelay $0x2  }
0xc0: {  	s31 =	sshll.u32 s1, $0xD;
	s1 =	sshrl.u32 s1, $0x2  }
0xc1: {  	s3 =	sand.u32 $0x4000, s31;
	s1 =	sadd.s32 s1, s30  }
0xc2: {  	s0 =	sor.u32 s3, s0;
	s1 =	sshll.u32 s1, $0x11  }
0xc3: {  	s0 =	sor.u32 s1, s0  }
0xc4: {  	s0 =	sadd.s32 $0x8F2B, s0  }
0xc5: {  	[sflag:s0] =	ssyncadd.remote.s32 $0x1  }
0xc6: {  	_ =	sfence.sel $0xFFFF  }
0xc7: {  	[dreg:$0x0] =	wrdreg $0xFFFFFFFF;
	(pc) =	sbr.abs _section_cstart, $3  }
0xc8: {  	[dreg:$0x1] =	wrdreg $0xFFFFFFFF  }
0xc9: {  	_ =	task.clear_ibuf [dreg:s8], $0x2FFFF;
	_ =	strace $0x9FFFFFFF  }
0xca: {  	(tm) =	ssettm $0x7FFFFFFF  }
0xcb: {  	_ =	shalt  }
tec
execute0_lowered:
.L_overlay_start_1:
0x0: {  	(tag) =	ssettag $0x1  }
0x1: {  	s5 =	rddreg [dreg:$0x0]  }
0x2: {  	s10 =	rddreg [dreg:$0x1]  }
0x3: {  	s11 =	rddreg [dreg:$0x2]  }
0x4: {  	s1 =	rddreg [dreg:$0x3]  }
0x5: {  	s0 =	rddreg [dreg:$0x4];
	s2 =	simm.s32 $0x0  }
0x6: {  	s3 =	srdreg.scid;
	s16 =	simm.s32 $0x80;
	s17 =	simm.s32 $0x2800  }
0x7: {  	s18 =	simm.s32 $0x1;
	s19 =	simm.s32 $0x6800;
	s20 =	simm.s32 $0x1380  }
0x8: {  	s21 =	simm.s32 $0x2700;
	s22 =	simm.s32 $0x2780;
	s23 =	simm.s32 $0x0  }
0x9: {  	[smem:$0x7FF] =	sst s2;
	s6 =	sand.u32 $0x1, s3;
	s3 =	stileid.u32  }
0xa: {  	s4 =	sadd.s32 $0x14000, s5;
	s9 =	sadd.s32 $0xA000, s5;
	s8 =	smul.u32 $0x4F000, s3  }
0xb: {  	s5 =	sadd.s32 $0x7800, s5;
	_ =	strace $0x8000004A;
	s14 =	smul.u32 $0x13C000, s6  }
0xc: {  	s7 =	sshll.u32 s6, $0x4;
	s12 =	ssub.s32 $0x2, s6;
	s29 =	smul.u32 $0x13C00, s3  }
0xd: {  	s31 =	sshll.u32 s3, $0x6;
	s7 =	sor.u32 s3, s7;
	s13 =	sshrl.u32 s12, $0x1  }
0xe: {  	s6 =	sor.u32 $0x1C02, s31;
	s7 =	smul.u32 $0x2800, s7;
	s28 =	sshrl.u32 s8, $0x2  }
0xf: {  	s12 =	ssub.s32 s12, s13;
	s14 =	sadd.s32 s29, s14;
	s30 =	sadd.s32 s28, s1  }
0x10: {  	s14 =	sshrl.u32 s14, $0x3;
	s12 =	smax.u32 s12, $0x1;
	s15 =	sshrl.u32 s7, $0x3  }
0x11: {  	s11 =	sadd.s32 s11, s14;
	s13 =	sshrl.u32 s30, $0x3;
	s14 =	simm.s32 $0x2  }
0x12: {  	s7 =	sadd.s32 s9, s15;
	s8 =	sadd.s32 s10, s15;
	s15 =	sadd.s32 $0x280, s15  }
0x13: {  	s9 =	sadd.s32 s9, s15;
	s10 =	sadd.s32 s10, s15;
	s15 =	simm.s32 $0x1400  }
.LBB2_1:
0x14: {  	[spmem:s13], [sflag:s6] =	dma.local [hbm:s5], $0x2780  }
0x15: {  	_ =	swait.ge [sflag:s14], $0x2780  }
0x16: {  	[sflag:s14] =	ssyncset.done $0x0  }
0x17: {  	[sflag:s14] =	ssyncadd.s32 $0xFFFFD880  }
0x18: {  	[bflag:$0x0] =	sbarrier.arrive $0xFFFF  }
0x19: {  	[tilespmem:s2], [sflag:$0x2] =	stream.linear.gather [hbm4b:s7+s2], $0x1400, $0x38;
	[tilespmem:$0x1E400] =	vst v63  }
0x1a: {  	_ =	swait.ge [sflag:s14], $0x1400  }
0x1b: {  	[sflag:s14] =	ssyncset.done $0x0  }
0x1c: {  	[sflag:s14] =	ssyncadd.s32 $0xFFFFEC00  }
0x1d: {  	[tilespmem:s15], [sflag:$0x2] =	stream.linear.gather [hbm4b:s8+s2], $0x1400, $0x38;
	[tilespmem:$0x1E400] =	vst v63  }
0x1e: {  	_ =	swait.ge [sflag:s14], $0x1400  }
0x1f: {  	[sflag:s14] =	ssyncset.done $0x0  }
0x20: {  	[sflag:s14] =	ssyncadd.s32 $0xFFFFEC00  }
0x21: {  	[tilespmem:s17], [sflag:$0x1] =	stream.indirect.gather [hbm4b:s4+s16], $0x80, s2, s16, $0xb8;
	[tilespmem:$0x1E400] =	vst v63  }
0x22: {  	_ =	swait.ge [sflag:s18], $0x4000  }
0x23: {  	[sflag:s18] =	ssyncset.done $0x0  }
0x24: {  	s24 =	simm.s32 $0x80;
	[sflag:s18] =	ssyncadd.s32 $0xFFFFC000  }
0x25: {  	[tilespmem:s19], [sflag:$0x1] =	stream.indirect.gather [hbm4b:s4+s16], $0x80, s24, s16, $0xb8;
	[tilespmem:$0x1E400] =	vst v63  }
0x26: {  	s29 =	simm.s32 $0x1400  }
0x27: {  	[spmem:s1] =	stream.indirect.scatter.add.f32 [tilespmem:s17], [sflag:$0x2], $0x80, s29, s16, $0xb8;
	[tilespmem:$0x1E400] =	vst v63  }
0x28: {  	_ =	swait.ge [sflag:s14], $0x4000  }
0x29: {  	[sflag:s14] =	ssyncset.done $0x0  }
0x2a: {  	[sflag:s14] =	ssyncadd.s32 $0xFFFFC000  }
0x2b: {  	_ =	swait.ge [sflag:s18], $0x4000  }
0x2c: {  	[sflag:s18] =	ssyncset.done $0x0  }
0x2d: {  	s30 =	simm.s32 $0x100;
	[sflag:s18] =	ssyncadd.s32 $0xFFFFC000  }
0x2e: {  	[tilespmem:s17], [sflag:$0x1] =	stream.indirect.gather [hbm4b:s4+s16], $0x80, s30, s16, $0xb8;
	[tilespmem:$0x1E400] =	vst v63  }
0x2f: {  	s31 =	simm.s32 $0x1480  }
0x30: {  	[spmem:s1] =	stream.indirect.scatter.add.f32 [tilespmem:s19], [sflag:$0x2], $0x80, s31, s16, $0xb8;
	[tilespmem:$0x1E400] =	vst v63  }
0x31: {  	_ =	swait.ge [sflag:s14], $0x4000  }
0x32: {  	s24 =	simm.s32 $0x400;
	[sflag:s14] =	ssyncset.done $0x0  }
.LBB2_2:
0x33: {  	p0 =	sne.s32 s24, $0x4800  }
0x34: {  	[sflag:s14] =	ssyncadd.s32 $0xFFFFC000;
	s25 =	smov.u32 s24;
	s24 =	sadd.s32 $0x400, s24  }
0x35: {  	_ = 	snop  }
0x36: {  	_ =	swait.ge [sflag:s18], $0x4000  }
0x37: {  	s25 =	sshra.s32 s25, $0x2;
	[sflag:s18] =	ssyncset.done $0x0  }
0x38: {  	s26 =	sadd.s32 $0x80, s25;
	[sflag:s18] =	ssyncadd.s32 $0xFFFFC000  }
0x39: {  	[tilespmem:s19], [sflag:$0x1] =	stream.indirect.gather [hbm4b:s4+s16], $0x80, s26, s16, $0xb8;
	[tilespmem:$0x1E400] =	vst v63  }
0x3a: {  	s26 =	sadd.s32 $0x1400, s25  }
0x3b: {  	[spmem:s1] =	stream.indirect.scatter.add.f32 [tilespmem:s17], [sflag:$0x2], $0x80, s26, s16, $0xb8;
	[tilespmem:$0x1E400] =	vst v63  }
0x3c: {  	_ =	swait.ge [sflag:s14], $0x4000  }
0x3d: {  	[sflag:s14] =	ssyncset.done $0x0  }
0x3e: {  	[sflag:s14] =	ssyncadd.s32 $0xFFFFC000  }
0x3f: {  	_ =	swait.ge [sflag:s18], $0x4000  }
0x40: {  	[sflag:s18] =	ssyncset.done $0x0  }
0x41: {  	s26 =	sadd.s32 $0x100, s25;
	[sflag:s18] =	ssyncadd.s32 $0xFFFFC000  }
0x42: {  	[tilespmem:s17], [sflag:$0x1] =	stream.indirect.gather [hbm4b:s4+s16], $0x80, s26, s16, $0xb8;
	[tilespmem:$0x1E400] =	vst v63  }
.Ltmp0:
0x43: {  	_ = 	snop;
	(pc) =	sbr.rel @p0 .LBB2_2-.Ltmp0, $4  }
0x44: {  	s25 =	sadd.s32 $0x1480, s25  }
0x45: {  	[spmem:s1] =	stream.indirect.scatter.add.f32 [tilespmem:s19], [sflag:$0x2], $0x80, s25, s16, $0xb8;
	[tilespmem:$0x1E400] =	vst v63  }
0x46: {  	_ =	swait.ge [sflag:s14], $0x4000  }
0x47: {  	[sflag:s14] =	ssyncset.done $0x0  }
0x48: {  	[sflag:s14] =	ssyncadd.s32 $0xFFFFC000  }
0x49: {  	_ =	swait.ge [sflag:s18], $0x4000  }
0x4a: {  	[sflag:s18] =	ssyncset.done $0x0  }
0x4b: {  	[sflag:s18] =	ssyncadd.s32 $0xFFFFC000  }
0x4c: {  	[tilespmem:s19], [sflag:$0x1] =	stream.indirect.gather [hbm4b:s4+s16], $0x80, s20, s16, $0xb8;
	[tilespmem:$0x1E400] =	vst v63  }
0x4d: {  	_ = 	snop  }
0x4e: {  	[spmem:s1] =	stream.indirect.scatter.add.f32 [tilespmem:s17], [sflag:$0x2], $0x80, s21, s16, $0xb8;
	[tilespmem:$0x1E400] =	vst v63  }
0x4f: {  	_ =	swait.ge [sflag:s14], $0x4000  }
0x50: {  	[sflag:s14] =	ssyncset.done $0x0  }
0x51: {  	[sflag:s14] =	ssyncadd.s32 $0xFFFFC000  }
0x52: {  	_ =	swait.ge [sflag:s18], $0x4000  }
0x53: {  	[sflag:s18] =	ssyncset.done $0x0  }
0x54: {  	[sflag:s18] =	ssyncadd.s32 $0xFFFFC000  }
0x55: {  	[spmem:s1] =	stream.indirect.scatter.add.f32 [tilespmem:s19], [sflag:$0x2], $0x80, s22, s16, $0xb8;
	[tilespmem:$0x1E400] =	vst v63  }
0x56: {  	_ =	swait.ge [sflag:s14], $0x4000  }
0x57: {  	[sflag:s14] =	ssyncset.done $0x0  }
0x58: {  	s24 =	simm.s32 $0x0;
	[sflag:s14] =	ssyncadd.s32 $0xFFFFC000  }
0x59: {  	[tilespmem:s24], [sflag:$0x2] =	stream.linear.gather [hbm4b:s9+s24], $0x1400, $0x38;
	[tilespmem:$0x1E400] =	vst v63  }
0x5a: {  	_ =	swait.ge [sflag:s14], $0x1400  }
0x5b: {  	[sflag:s14] =	ssyncset.done $0x0  }
0x5c: {  	[sflag:s14] =	ssyncadd.s32 $0xFFFFEC00  }
0x5d: {  	[tilespmem:s15], [sflag:$0x2] =	stream.linear.gather [hbm4b:s10+s24], $0x1400, $0x38;
	[tilespmem:$0x1E400] =	vst v63  }
0x5e: {  	_ =	swait.ge [sflag:s14], $0x1400  }
0x5f: {  	[sflag:s14] =	ssyncset.done $0x0  }
0x60: {  	[sflag:s14] =	ssyncadd.s32 $0xFFFFEC00  }
0x61: {  	[tilespmem:s17], [sflag:$0x1] =	stream.indirect.gather [hbm4b:s4+s16], $0x80, s24, s16, $0xb8;
	[tilespmem:$0x1E400] =	vst v63  }
0x62: {  	_ =	swait.ge [sflag:s18], $0x4000  }
0x63: {  	[sflag:s18] =	ssyncset.done $0x0  }
0x64: {  	s28 =	simm.s32 $0x80;
	[sflag:s18] =	ssyncadd.s32 $0xFFFFC000  }
0x65: {  	[tilespmem:s19], [sflag:$0x1] =	stream.indirect.gather [hbm4b:s4+s16], $0x80, s28, s16, $0xb8;
	[tilespmem:$0x1E400] =	vst v63  }
0x66: {  	s29 =	simm.s32 $0x1400  }
0x67: {  	[spmem:s1] =	stream.indirect.scatter.add.f32 [tilespmem:s17], [sflag:$0x2], $0x80, s29, s16, $0xb8;
	[tilespmem:$0x1E400] =	vst v63  }
0x68: {  	_ =	swait.ge [sflag:s14], $0x4000  }
0x69: {  	[sflag:s14] =	ssyncset.done $0x0  }
0x6a: {  	[sflag:s14] =	ssyncadd.s32 $0xFFFFC000  }
0x6b: {  	_ =	swait.ge [sflag:s18], $0x4000  }
0x6c: {  	[sflag:s18] =	ssyncset.done $0x0  }
0x6d: {  	s30 =	simm.s32 $0x100;
	[sflag:s18] =	ssyncadd.s32 $0xFFFFC000  }
0x6e: {  	[tilespmem:s17], [sflag:$0x1] =	stream.indirect.gather [hbm4b:s4+s16], $0x80, s30, s16, $0xb8;
	[tilespmem:$0x1E400] =	vst v63  }
0x6f: {  	s31 =	simm.s32 $0x1480  }
0x70: {  	[spmem:s1] =	stream.indirect.scatter.add.f32 [tilespmem:s19], [sflag:$0x2], $0x80, s31, s16, $0xb8;
	[tilespmem:$0x1E400] =	vst v63  }
0x71: {  	_ =	swait.ge [sflag:s14], $0x4000  }
0x72: {  	s24 =	simm.s32 $0x400;
	[sflag:s14] =	ssyncset.done $0x0  }
.LBB2_4:
0x73: {  	p0 =	sne.s32 s24, $0x4800  }
0x74: {  	[sflag:s14] =	ssyncadd.s32 $0xFFFFC000;
	s25 =	smov.u32 s24;
	s24 =	sadd.s32 $0x400, s24  }
0x75: {  	_ = 	snop  }
0x76: {  	_ =	swait.ge [sflag:s18], $0x4000  }
0x77: {  	s25 =	sshra.s32 s25, $0x2;
	[sflag:s18] =	ssyncset.done $0x0  }
0x78: {  	s26 =	sadd.s32 $0x80, s25;
	[sflag:s18] =	ssyncadd.s32 $0xFFFFC000  }
0x79: {  	[tilespmem:s19], [sflag:$0x1] =	stream.indirect.gather [hbm4b:s4+s16], $0x80, s26, s16, $0xb8;
	[tilespmem:$0x1E400] =	vst v63  }
0x7a: {  	s26 =	sadd.s32 $0x1400, s25  }
0x7b: {  	[spmem:s1] =	stream.indirect.scatter.add.f32 [tilespmem:s17], [sflag:$0x2], $0x80, s26, s16, $0xb8;
	[tilespmem:$0x1E400] =	vst v63  }
0x7c: {  	_ =	swait.ge [sflag:s14], $0x4000  }
0x7d: {  	[sflag:s14] =	ssyncset.done $0x0  }
0x7e: {  	[sflag:s14] =	ssyncadd.s32 $0xFFFFC000  }
0x7f: {  	_ =	swait.ge [sflag:s18], $0x4000  }
0x80: {  	[sflag:s18] =	ssyncset.done $0x0  }
0x81: {  	s26 =	sadd.s32 $0x100, s25;
	[sflag:s18] =	ssyncadd.s32 $0xFFFFC000  }
0x82: {  	[tilespmem:s17], [sflag:$0x1] =	stream.indirect.gather [hbm4b:s4+s16], $0x80, s26, s16, $0xb8;
	[tilespmem:$0x1E400] =	vst v63  }
.Ltmp1:
0x83: {  	_ = 	snop;
	(pc) =	sbr.rel @p0 .LBB2_4-.Ltmp1, $4  }
0x84: {  	s25 =	sadd.s32 $0x1480, s25  }
0x85: {  	[spmem:s1] =	stream.indirect.scatter.add.f32 [tilespmem:s19], [sflag:$0x2], $0x80, s25, s16, $0xb8;
	[tilespmem:$0x1E400] =	vst v63  }
0x86: {  	_ =	swait.ge [sflag:s14], $0x4000  }
0x87: {  	[sflag:s14] =	ssyncset.done $0x0  }
0x88: {  	[sflag:s14] =	ssyncadd.s32 $0xFFFFC000  }
0x89: {  	_ =	swait.ge [sflag:s18], $0x4000  }
0x8a: {  	[sflag:s18] =	ssyncset.done $0x0  }
0x8b: {  	[sflag:s18] =	ssyncadd.s32 $0xFFFFC000  }
0x8c: {  	[tilespmem:s19], [sflag:$0x1] =	stream.indirect.gather [hbm4b:s4+s16], $0x80, s20, s16, $0xb8;
	[tilespmem:$0x1E400] =	vst v63  }
0x8d: {  	_ = 	snop  }
0x8e: {  	[spmem:s1] =	stream.indirect.scatter.add.f32 [tilespmem:s17], [sflag:$0x2], $0x80, s21, s16, $0xb8;
	[tilespmem:$0x1E400] =	vst v63  }
0x8f: {  	_ =	swait.ge [sflag:s14], $0x4000  }
0x90: {  	[sflag:s14] =	ssyncset.done $0x0  }
0x91: {  	[sflag:s14] =	ssyncadd.s32 $0xFFFFC000  }
0x92: {  	_ =	swait.ge [sflag:s18], $0x4000  }
0x93: {  	[sflag:s18] =	ssyncset.done $0x0  }
0x94: {  	[sflag:s18] =	ssyncadd.s32 $0xFFFFC000  }
0x95: {  	[spmem:s1] =	stream.indirect.scatter.add.f32 [tilespmem:s19], [sflag:$0x2], $0x80, s22, s16, $0xb8;
	[tilespmem:$0x1E400] =	vst v63  }
0x96: {  	_ =	swait.ge [sflag:s14], $0x4000  }
0x97: {  	s23 =	sadd.s32 $0x1, s23;
	[sflag:s14] =	ssyncset.done $0x0  }
0x98: {  	p0 =	sne.s32 s23, s12;
	[sflag:s14] =	ssyncadd.s32 $0xFFFFC000  }
.Ltmp2:
0x99: {  	[bflag:$0x0] =	sbarrier.arrive $0xFFFF;
	(pc) =	sbr.rel @p0 .LBB2_1-.Ltmp2, $4  }
0x9a: {  	[hbm:s11], [sflag:s6] =	dma.local [spmem:s13], $0x2780  }
0x9b: {  	_ =	swait.ge [sflag:s14], $0x2780  }
0x9c: {  	[sflag:s14] =	ssyncset.done $0x0  }
0x9d: {  	[sflag:s14] =	ssyncadd.s32 $0xFFFFD880  }
0x9e: {  	_ =	sfence.sel $0x180000  }
0x9f: {  	[bflag:$0x0] =	sbarrier.arrive $0xFFFF  }
0xa0: {  	p0 =	sne.s32 s3, $0x0;
	_ =	strace $0x9000004A  }
0xa1: {  	s0 =	sadd.s32 @!p0 $0x100000, s0;
	[bflag:$0x2] =	sbarrier.arrive $0xFFFF  }
0xa2: {  	[sflag:s0] =	ssyncadd.tile.s32 @!p0 $0x1;
	_ =	shalt  }
.Lfunc_end2:
_tile_overlayer_lowered:
.L_overlay_start_2:
0xa3: {  	(tag) =	ssettag $0x2  }
0xa4: {  	s0 =	rddreg [dreg:$0x0];
	s2 =	stileid.u32  }
0xa5: {  	s1 =	rddreg [dreg:$0x1];
	p0 =	sne.s32 s2, $0x0  }
0xa6: {  	s3 =	rddreg [dreg:$0x2];
	[bflag:$0x3] =	sbarrier.arrive $0xFFFF;
	s2 =	simm.s32 @!p0 $0x1C02  }
0xa7: {  	[timem:s3], [sflag:s2] =	dma.local @!p0 [hbm:s0], s1  }
0xa8: {  	s0 =	simm.s32 @!p0 $0x2  }
0xa9: {  	_ =	swait.ge @!p0 [sflag:s0], s1  }
0xaa: {  	s1 =	ssub.s32 @!p0 $0x0, s1;
	[sflag:s0] =	ssyncset.done @!p0 $0x0  }
0xab: {  	[sflag:s0] =	ssyncadd.s32 @!p0 s1  }
0xac: {  	[bflag:$0x3] =	sbarrier.arrive $0xFFFF  }
0xad: {  	_ =	shalt  }

// kernel: kernel.18.cloned.1.call-start
scs
__scs_entry_jumppad:
0x0: {  	(pc) =	sbr.rel $0x88, $3  }
0x1: {  	(tag) =	ssettag $0x0;
	lr =	simm.s32 $0x1  }
0x2: {  	[smem:$0x3F8D] =	sst lr;
	_ =	strace $0xD0000000  }
0x3: {  	_ = 	snop  }
0x4: {  	_ = 	snop  }
0x5: {  	_ = 	snop  }
0x6: {  	_ = 	snop  }
0x7: {  	_ = 	snop  }
__scs_overlays_trampoline_lowered:
0x8: {  	[smem:$0x3F9C] =	sst s0  }
0x9: {  	[smem:$0x3F9D] =	sst s1  }
0xa: {  	[smem:$0x3F9E] =	sst s2  }
0xb: {  	[smem:$0x3F9F] =	sst s3  }
0xc: {  	[smem:$0x3FA0] =	sst s4  }
0xd: {  	[smem:$0x3FA1] =	sst s5  }
0xe: {  	[smem:$0x3FA2] =	sst s6  }
0xf: {  	[smem:$0x3FA3] =	sst s7  }
0x10: {  	[smem:$0x3FA4] =	sst s8  }
0x11: {  	[smem:$0x3FA5] =	sst s9;
	s0 =	simm.s32 @!p0 $0x0  }
0x12: {  	s1 =	sld [smem:$0x3F8B];
	s0 =	simm.s32 @p0 $0x1  }
0x13: {  	[smem:$0x3FA6] =	sst s0;
	s0 =	simm.s32 @!p1 $0x0  }
0x14: {  	s2 =	sld [smem:$0x3F8A];
	s0 =	simm.s32 @p1 $0x1  }
0x15: {  	[smem:$0x3FA7] =	sst s0;
	s0 =	simm.s32 @!p2 $0x0  }
0x16: {  	s3 =	sld [smem:$0x3FDB];
	s0 =	simm.s32 @p2 $0x1  }
0x17: {  	s4 =	simm.s32 $0x1BF5;
	[smem:$0x3FA9] =	sst s0  }
0x18: {  	s0 =	sld [smem:$0x3F8C];
	_ =	swait.ge [sflag:s4], $0x0  }
0x19: {  	s7 =	sld [smem:$0x3F8D]  }
0x1a: {  	s8 =	sadd.s32 $0xFFFFE003, lr  }
0x1b: {  	s9 =	sadd.s32 $0xFFFFFEF7, lr;
	s5 =	simm.s32 $0xFFFFFFFF;
	p2 =	slt.u32 s8, $0xFFFFF086  }
0x1c: {  	p1 =	slt.u32 s9, $0xF7A;
	s5 =	simm.s32 @!p2 $0x0  }
0x1d: {  	s5 =	simm.s32 @p1 $0x1;
	p0 =	seq.s32 s7, s2  }
0x1e: {  	s7 =	smul.u32 @!p0 $0xF7A, s2;
	p2 =	seq.s32 @!p0 s5, $0x0  }
0x1f: {  	s9 =	smul.u32 $0xF7A, s1;
	s8 =	simm.s32 @!p0 $0x1BF5;
	p2 =	por !p2, p0  }
0x20: {  	[sflag:s8] =	ssyncset.s32 @!p0 $0xFFFFF086;
	s6 =	sadd.s32 @!p0 s3, s7;
	s7 =	simm.s32 @!p0 $0x108  }
0x21: {  	s3 =	sadd.s32 s3, s9;
	s6 =	sadd.s32 @!p0 $0x88, s6;
	s7 =	simm.s32 @p2 $0x1082  }
0x22: {  	[simem:s7], [sflag:s8] =	dma.local @!p0 [hbm:s6], $0xF7A  }
0x23: {  	s9 =	sor.u32 $0xD0000000, s2;
	s6 =	simm.s32 $0x108;
	_ =	swait.ge @!p0 [sflag:s8], $0x0  }
0x24: {  	s3 =	sadd.s32 $0x88, s3;
	s6 =	simm.s32 @!p1 $0x1082;
	[sflag:s4] =	ssyncset.s32 $0xFFFFF086  }
0x25: {  	[simem:s6], [sflag:s4] =	dma.local [hbm:s3], $0xF7A  }
0x26: {  	[smem:$0x3F8D] =	sst s1;
	(tag) =	ssettag s2;
	_ =	strace s9  }
0x27: {  	s1 =	sld [smem:$0x3F9D]  }
0x28: {  	s2 =	sld [smem:$0x3F9E]  }
0x29: {  	s4 =	sld [smem:$0x3FA0]  }
0x2a: {  	p0 =	seq.s32 s5, $0x0;
	s5 =	sld [smem:$0x3FA1]  }
0x2b: {  	s6 =	sld [smem:$0x3FA2]  }
0x2c: {  	s7 =	sld [smem:$0x3FA3]  }
0x2d: {  	s3 =	simm.s32 $0x108;
	s8 =	sld [smem:$0x3FA4]  }
0x2e: {  	s3 =	simm.s32 @!p0 $0x1082;
	s9 =	sld [smem:$0x3FA5]  }
0x2f: {  	lr =	sadd.s32 s0, s3;
	s0 =	sld [smem:$0x3F9C]  }
0x30: {  	s3 =	sld [smem:$0x3F9F]  }
0x31: {  	[smem:$0x3FA8] =	sst s10  }
0x32: {  	s10 =	sld [smem:$0x3FA6];
	_ =	sdelay $0x3  }
0x33: {  	p0 =	seq.s32 s10, $0x1;
	s10 =	sld [smem:$0x3FA8];
	_ =	sdelay $0x3  }
0x34: {  	[smem:$0x3FA8] =	sst s10  }
0x35: {  	s10 =	sld [smem:$0x3FA7];
	_ =	sdelay $0x3  }
0x36: {  	p1 =	seq.s32 s10, $0x1;
	s10 =	sld [smem:$0x3FA8];
	_ =	sdelay $0x3  }
0x37: {  	[smem:$0x3FA8] =	sst s10  }
0x38: {  	s10 =	sld [smem:$0x3FA9]  }
0x39: {  	_ = 	snop;
	(pc) =	sbr.ind lr, $3  }
0x3a: {  	_ = 	snop  }
0x3b: {  	_ = 	snop  }
0x3c: {  	p2 =	seq.s32 s10, $0x1;
	s10 =	sld [smem:$0x3FA8]  }
0x3d: {  	_ =	shalt  }
0x3e: {  	_ =	shalt  }
0x3f: {  	_ =	shalt  }
0x40: {  	_ =	shalt  }
0x41: {  	_ =	shalt  }
0x42: {  	_ =	shalt  }
0x43: {  	_ =	shalt  }
0x44: {  	_ =	shalt  }
0x45: {  	_ =	shalt  }
0x46: {  	_ =	shalt  }
0x47: {  	_ =	shalt  }
0x48: {  	_ =	shalt  }
0x49: {  	_ =	shalt  }
0x4a: {  	_ =	shalt  }
0x4b: {  	_ =	shalt  }
0x4c: {  	_ =	shalt  }
0x4d: {  	_ =	shalt  }
0x4e: {  	_ =	shalt  }
0x4f: {  	_ =	shalt  }
0x50: {  	_ =	shalt  }
0x51: {  	_ =	shalt  }
0x52: {  	_ =	shalt  }
0x53: {  	_ =	shalt  }
0x54: {  	_ =	shalt  }
0x55: {  	_ =	shalt  }
0x56: {  	_ =	shalt  }
0x57: {  	_ =	shalt  }
0x58: {  	_ =	shalt  }
0x59: {  	_ =	shalt  }
0x5a: {  	_ =	shalt  }
0x5b: {  	_ =	shalt  }
0x5c: {  	_ =	shalt  }
0x5d: {  	_ =	shalt  }
0x5e: {  	_ =	shalt  }
0x5f: {  	_ =	shalt  }
0x60: {  	_ =	shalt  }
0x61: {  	_ =	shalt  }
0x62: {  	_ =	shalt  }
0x63: {  	_ =	shalt  }
0x64: {  	_ =	shalt  }
0x65: {  	_ =	shalt  }
0x66: {  	_ =	shalt  }
0x67: {  	_ =	shalt  }
0x68: {  	_ =	shalt  }
0x69: {  	_ =	shalt  }
0x6a: {  	_ =	shalt  }
0x6b: {  	_ =	shalt  }
0x6c: {  	_ =	shalt  }
0x6d: {  	_ =	shalt  }
0x6e: {  	_ =	shalt  }
0x6f: {  	_ =	shalt  }
0x70: {  	_ =	shalt  }
0x71: {  	_ =	shalt  }
0x72: {  	_ =	shalt  }
0x73: {  	_ =	shalt  }
0x74: {  	_ =	shalt  }
0x75: {  	_ =	shalt  }
0x76: {  	_ =	shalt  }
0x77: {  	_ =	shalt  }
0x78: {  	_ =	shalt  }
0x79: {  	_ =	shalt  }
0x7a: {  	_ =	shalt  }
0x7b: {  	_ =	shalt  }
0x7c: {  	_ =	shalt  }
0x7d: {  	_ =	shalt  }
0x7e: {  	_ =	shalt  }
0x7f: {  	_ =	shalt  }
0x80: {  	_ =	shalt  }
0x81: {  	_ =	shalt  }
0x82: {  	_ =	shalt  }
0x83: {  	_ =	shalt  }
0x84: {  	_ =	shalt  }
0x85: {  	_ =	shalt  }
0x86: {  	_ =	shalt  }
0x87: {  	_ =	shalt  }
.Lfunc_end0:
.L_simem_size_0:
called_computation.2_lowered:
.L_overlay_start_0:
0x88: {  	s2 =	sld [smem:$0x3FD9]  }
0x89: {  	s3 =	sld [smem:$0x3FFE];
	_ =	sdelay $0x1  }
0x8a: {  	s1 =	srdreg.scid  }
0x8b: {  	s0 =	sand.u32 $0x1, s1  }
0x8c: {  	s14 =	sshll.u32 s0, $0xA;
	s2 =	sadd.s32 s3, s2  }
0x8d: {  	s2 =	sadd.s32 s2, s14  }
0x8e: {  	[smem:$0x3FB4] =	sst s2  }
0x8f: {  	_ = 	snop  }
0x90: {  	s2 =	sld [smem:$0x3FD0];
	_ =	sdelay $0x2  }
0x91: {  	s15 =	simm.s32 $0xA;
	s4 =	simm.s32 $0x10  }
0x92: {  	[smem:s4], [sflag:s15] =	dma.local [hbm:s2], $0x1  }
0x93: {  	_ =	swait.eq [sflag:s15], $0x1  }
0x94: {  	[sflag:s15] =	ssyncset.done $0x0  }
0x95: {  	s16 =	sld [smem:$0x10];
	[sflag:s15] =	ssyncadd.s32 $0xFFFFFFFF  }
0x96: {  	s17 =	sld [smem:$0x11];
	(tm) =	ssettm $0x1  }
0x97: {  	s18 =	sld [smem:$0x3FFB];
	_ =	sdelay $0x3  }
0x98: {  	_ =	strace s18  }
0x99: {  	s4 =	sld [smem:$0x3FFC];
	_ =	sdelay $0x3  }
0x9a: {  	_ =	strace s4  }
0x9b: {  	s4 =	sld [smem:$0x3FFD];
	_ =	sdelay $0x3  }
0x9c: {  	_ =	strace s4  }
0x9d: {  	_ =	strace $0x8FFFFFFF  }
0x9e: {  	s19 =	sld [smem:$0x3FDB];
	_ =	sdelay $0x1  }
0x9f: {  	s5 =	simm.s32 $_scs_section_size  }
0xa0: {  	s6 =	simm.s32 $_size__tile_overlayer_lowered;
	s7 =	simm.s32 $_tile_overlayer_lowered  }
0xa1: {  	s22 =	simm.s32 $0x1BFF;
	s21 =	sshll.u32 s7, $0x1;
	s4 =	sadd.s32 s5, s19  }
0xa2: {  	s8 =	simm.s32 $0x0;
	s20 =	sshll.u32 s6, $0x1;
	s6 =	sadd.s32 s21, s4  }
0xa3: {  	[timem:s8], [sflag:s22] =	dma.local [hbm:s6], s20  }
0xa4: {  	_ =	swait.ge [sflag:s22], s20  }
0xa5: {  	s5 =	ssub.s32 $0x0, s20;
	[sflag:s22] =	ssyncset.done $0x0  }
0xa6: {  	[sflag:s22] =	ssyncadd.s32 s5;
	_ =	sdelay $0x1  }
0xa7: {  	s23 =	simm.s32 $0x1B8B  }
0xa8: {  	_ =	swait.ge [sflag:s23], $0x1  }
0xa9: {  	[sflag:s23] =	ssyncset.done $0x0  }
0xaa: {  	s25 =	simm.s32 $0x1B8E;
	s24 =	sld [smem:$0x3FFE];
	[sflag:s23] =	ssyncadd.s32 $0xFFFFFFFF  }
0xab: {  	s26 =	simm.s32 $execute0_lowered;
	[smem:$0x3FD2] =	sst s25  }
0xac: {  	s6 =	sshll.u32 s26, $0x1;
	_ =	strace $0x8000004C;
	[dreg:$0x1] =	wrdreg $0xFFFFFFFF  }
0xad: {  	s28 =	simm.s32 $_size_execute0_lowered;
	s4 =	sadd.s32 s4, s6;
	[dreg:$0x0] =	wrdreg $0x0  }
0xae: {  	s6 =	sshll.u32 s28, $0x1;
	[dreg:$0x2] =	wrdreg s4  }
0xaf: {  	[dreg:$0x3] =	wrdreg s6  }
0xb0: {  	[dreg:$0x4] =	wrdreg $0xC0  }
0xb1: {  	_ =	task [dreg:s8], $0x5FFFF  }
0xb2: {  	[dreg:$0x1] =	wrdreg $0xFFFFFFFF  }
0xb3: {  	[dreg:$0x0] =	wrdreg $0x60  }
0xb4: {  	[dreg:$0x2] =	wrdreg s24  }
0xb5: {  	[dreg:$0x3] =	wrdreg s16  }
0xb6: {  	[dreg:$0x4] =	wrdreg s17  }
0xb7: {  	[dreg:$0x5] =	wrdreg $0xA8000  }
0xb8: {  	[dreg:$0x6] =	wrdreg $0x9  }
0xb9: {  	_ =	task.clear_ibuf [dreg:s8], $0x7FFFF;
	_ =	strace $0x9000004C  }
0xba: {  	s29 =	simm.s32 $0x9;
	_ =	strace $0x8000004E  }
0xbb: {  	_ =	swait.ge [sflag:s29], $0x1  }
0xbc: {  	[sflag:s29] =	ssyncadd.s32 $0xFFFFFFFF  }
0xbd: {  	_ =	strace $0x9000004E  }
0xbe: {  	_ =	sfence  }
0xbf: {  	s30 =	sld [smem:$0x0];
	_ =	sdelay $0x2  }
0xc0: {  	s31 =	sshll.u32 s1, $0xD;
	s1 =	sshrl.u32 s1, $0x2  }
0xc1: {  	s3 =	sand.u32 $0x4000, s31;
	s1 =	sadd.s32 s1, s30  }
0xc2: {  	s0 =	sor.u32 s3, s0;
	s1 =	sshll.u32 s1, $0x11  }
0xc3: {  	s0 =	sor.u32 s1, s0  }
0xc4: {  	s0 =	sadd.s32 $0x8F2B, s0  }
0xc5: {  	[sflag:s0] =	ssyncadd.remote.s32 $0x1  }
0xc6: {  	_ =	sfence.sel $0xFFFF  }
0xc7: {  	[dreg:$0x0] =	wrdreg $0xFFFFFFFF;
	(pc) =	sbr.abs _section_cstart, $3  }
0xc8: {  	[dreg:$0x1] =	wrdreg $0xFFFFFFFF  }
0xc9: {  	_ =	task.clear_ibuf [dreg:s8], $0x2FFFF;
	_ =	strace $0x9FFFFFFF  }
0xca: {  	(tm) =	ssettm $0x7FFFFFFF  }
0xcb: {  	_ =	shalt  }
tec
execute0_lowered:
.L_overlay_start_1:
0x0: {  	(tag) =	ssettag $0x1  }
0x1: {  	s5 =	rddreg [dreg:$0x0]  }
0x2: {  	s10 =	rddreg [dreg:$0x1]  }
0x3: {  	s11 =	rddreg [dreg:$0x2]  }
0x4: {  	s1 =	rddreg [dreg:$0x3]  }
0x5: {  	s0 =	rddreg [dreg:$0x4];
	s2 =	simm.s32 $0x0  }
0x6: {  	s3 =	srdreg.scid;
	s16 =	simm.s32 $0x80;
	s17 =	simm.s32 $0x2800  }
0x7: {  	s18 =	simm.s32 $0x1;
	s19 =	simm.s32 $0x6800;
	s20 =	simm.s32 $0x1380  }
0x8: {  	s21 =	simm.s32 $0x2700;
	s22 =	simm.s32 $0x2780;
	s23 =	simm.s32 $0x0  }
0x9: {  	[smem:$0x7FF] =	sst s2;
	s6 =	sand.u32 $0x1, s3;
	s3 =	stileid.u32  }
0xa: {  	s4 =	sadd.s32 $0x14000, s5;
	s9 =	sadd.s32 $0xA000, s5;
	s8 =	smul.u32 $0x4F000, s3  }
0xb: {  	s5 =	sadd.s32 $0x7800, s5;
	_ =	strace $0x8000004D;
	s14 =	smul.u32 $0x13C000, s6  }
0xc: {  	s7 =	sshll.u32 s6, $0x4;
	s12 =	ssub.s32 $0x2, s6;
	s29 =	smul.u32 $0x13C00, s3  }
0xd: {  	s31 =	sshll.u32 s3, $0x6;
	s7 =	sor.u32 s3, s7;
	s13 =	sshrl.u32 s12, $0x1  }
0xe: {  	s6 =	sor.u32 $0x1C02, s31;
	s7 =	smul.u32 $0x2800, s7;
	s28 =	sshrl.u32 s8, $0x2  }
0xf: {  	s12 =	ssub.s32 s12, s13;
	s14 =	sadd.s32 s29, s14;
	s30 =	sadd.s32 s28, s1  }
0x10: {  	s14 =	sshrl.u32 s14, $0x3;
	s12 =	smax.u32 s12, $0x1;
	s15 =	sshrl.u32 s7, $0x3  }
0x11: {  	s11 =	sadd.s32 s11, s14;
	s13 =	sshrl.u32 s30, $0x3;
	s14 =	simm.s32 $0x2  }
0x12: {  	s7 =	sadd.s32 s9, s15;
	s8 =	sadd.s32 s10, s15;
	s15 =	sadd.s32 $0x280, s15  }
0x13: {  	s9 =	sadd.s32 s9, s15;
	s10 =	sadd.s32 s10, s15;
	s15 =	simm.s32 $0x1400  }
.LBB2_1:
0x14: {  	[spmem:s13], [sflag:s6] =	dma.local [hbm:s5], $0x2780  }
0x15: {  	_ =	swait.ge [sflag:s14], $0x2780  }
0x16: {  	[sflag:s14] =	ssyncset.done $0x0  }
0x17: {  	[sflag:s14] =	ssyncadd.s32 $0xFFFFD880  }
0x18: {  	[bflag:$0x0] =	sbarrier.arrive $0xFFFF  }
0x19: {  	[tilespmem:s2], [sflag:$0x2] =	stream.linear.gather [hbm4b:s7+s2], $0x1400, $0x38;
	[tilespmem:$0x1E400] =	vst v63  }
0x1a: {  	_ =	swait.ge [sflag:s14], $0x1400  }
0x1b: {  	[sflag:s14] =	ssyncset.done $0x0  }
0x1c: {  	[sflag:s14] =	ssyncadd.s32 $0xFFFFEC00  }
0x1d: {  	[tilespmem:s15], [sflag:$0x2] =	stream.linear.gather [hbm4b:s8+s2], $0x1400, $0x38;
	[tilespmem:$0x1E400] =	vst v63  }
0x1e: {  	_ =	swait.ge [sflag:s14], $0x1400  }
0x1f: {  	[sflag:s14] =	ssyncset.done $0x0  }
0x20: {  	[sflag:s14] =	ssyncadd.s32 $0xFFFFEC00  }
0x21: {  	[tilespmem:s17], [sflag:$0x1] =	stream.indirect.gather [hbm4b:s4+s16], $0x80, s2, s16, $0xb8;
	[tilespmem:$0x1E400] =	vst v63  }
0x22: {  	_ =	swait.ge [sflag:s18], $0x4000  }
0x23: {  	[sflag:s18] =	ssyncset.done $0x0  }
0x24: {  	s24 =	simm.s32 $0x80;
	[sflag:s18] =	ssyncadd.s32 $0xFFFFC000  }
0x25: {  	[tilespmem:s19], [sflag:$0x1] =	stream.indirect.gather [hbm4b:s4+s16], $0x80, s24, s16, $0xb8;
	[tilespmem:$0x1E400] =	vst v63  }
0x26: {  	s29 =	simm.s32 $0x1400  }
0x27: {  	[spmem:s1] =	stream.indirect.scatter.add.f32 [tilespmem:s17], [sflag:$0x2], $0x80, s29, s16, $0xb8;
	[tilespmem:$0x1E400] =	vst v63  }
0x28: {  	_ =	swait.ge [sflag:s14], $0x4000  }
0x29: {  	[sflag:s14] =	ssyncset.done $0x0  }
0x2a: {  	[sflag:s14] =	ssyncadd.s32 $0xFFFFC000  }
0x2b: {  	_ =	swait.ge [sflag:s18], $0x4000  }
0x2c: {  	[sflag:s18] =	ssyncset.done $0x0  }
0x2d: {  	s30 =	simm.s32 $0x100;
	[sflag:s18] =	ssyncadd.s32 $0xFFFFC000  }
0x2e: {  	[tilespmem:s17], [sflag:$0x1] =	stream.indirect.gather [hbm4b:s4+s16], $0x80, s30, s16, $0xb8;
	[tilespmem:$0x1E400] =	vst v63  }
0x2f: {  	s31 =	simm.s32 $0x1480  }
0x30: {  	[spmem:s1] =	stream.indirect.scatter.add.f32 [tilespmem:s19], [sflag:$0x2], $0x80, s31, s16, $0xb8;
	[tilespmem:$0x1E400] =	vst v63  }
0x31: {  	_ =	swait.ge [sflag:s14], $0x4000  }
0x32: {  	s24 =	simm.s32 $0x400;
	[sflag:s14] =	ssyncset.done $0x0  }
.LBB2_2:
0x33: {  	p0 =	sne.s32 s24, $0x4800  }
0x34: {  	[sflag:s14] =	ssyncadd.s32 $0xFFFFC000;
	s25 =	smov.u32 s24;
	s24 =	sadd.s32 $0x400, s24  }
0x35: {  	_ = 	snop  }
0x36: {  	_ =	swait.ge [sflag:s18], $0x4000  }
0x37: {  	s25 =	sshra.s32 s25, $0x2;
	[sflag:s18] =	ssyncset.done $0x0  }
0x38: {  	s26 =	sadd.s32 $0x80, s25;
	[sflag:s18] =	ssyncadd.s32 $0xFFFFC000  }
0x39: {  	[tilespmem:s19], [sflag:$0x1] =	stream.indirect.gather [hbm4b:s4+s16], $0x80, s26, s16, $0xb8;
	[tilespmem:$0x1E400] =	vst v63  }
0x3a: {  	s26 =	sadd.s32 $0x1400, s25  }
0x3b: {  	[spmem:s1] =	stream.indirect.scatter.add.f32 [tilespmem:s17], [sflag:$0x2], $0x80, s26, s16, $0xb8;
	[tilespmem:$0x1E400] =	vst v63  }
0x3c: {  	_ =	swait.ge [sflag:s14], $0x4000  }
0x3d: {  	[sflag:s14] =	ssyncset.done $0x0  }
0x3e: {  	[sflag:s14] =	ssyncadd.s32 $0xFFFFC000  }
0x3f: {  	_ =	swait.ge [sflag:s18], $0x4000  }
0x40: {  	[sflag:s18] =	ssyncset.done $0x0  }
0x41: {  	s26 =	sadd.s32 $0x100, s25;
	[sflag:s18] =	ssyncadd.s32 $0xFFFFC000  }
0x42: {  	[tilespmem:s17], [sflag:$0x1] =	stream.indirect.gather [hbm4b:s4+s16], $0x80, s26, s16, $0xb8;
	[tilespmem:$0x1E400] =	vst v63  }
.Ltmp0:
0x43: {  	_ = 	snop;
	(pc) =	sbr.rel @p0 .LBB2_2-.Ltmp0, $4  }
0x44: {  	s25 =	sadd.s32 $0x1480, s25  }
0x45: {  	[spmem:s1] =	stream.indirect.scatter.add.f32 [tilespmem:s19], [sflag:$0x2], $0x80, s25, s16, $0xb8;
	[tilespmem:$0x1E400] =	vst v63  }
0x46: {  	_ =	swait.ge [sflag:s14], $0x4000  }
0x47: {  	[sflag:s14] =	ssyncset.done $0x0  }
0x48: {  	[sflag:s14] =	ssyncadd.s32 $0xFFFFC000  }
0x49: {  	_ =	swait.ge [sflag:s18], $0x4000  }
0x4a: {  	[sflag:s18] =	ssyncset.done $0x0  }
0x4b: {  	[sflag:s18] =	ssyncadd.s32 $0xFFFFC000  }
0x4c: {  	[tilespmem:s19], [sflag:$0x1] =	stream.indirect.gather [hbm4b:s4+s16], $0x80, s20, s16, $0xb8;
	[tilespmem:$0x1E400] =	vst v63  }
0x4d: {  	_ = 	snop  }
0x4e: {  	[spmem:s1] =	stream.indirect.scatter.add.f32 [tilespmem:s17], [sflag:$0x2], $0x80, s21, s16, $0xb8;
	[tilespmem:$0x1E400] =	vst v63  }
0x4f: {  	_ =	swait.ge [sflag:s14], $0x4000  }
0x50: {  	[sflag:s14] =	ssyncset.done $0x0  }
0x51: {  	[sflag:s14] =	ssyncadd.s32 $0xFFFFC000  }
0x52: {  	_ =	swait.ge [sflag:s18], $0x4000  }
0x53: {  	[sflag:s18] =	ssyncset.done $0x0  }
0x54: {  	[sflag:s18] =	ssyncadd.s32 $0xFFFFC000  }
0x55: {  	[spmem:s1] =	stream.indirect.scatter.add.f32 [tilespmem:s19], [sflag:$0x2], $0x80, s22, s16, $0xb8;
	[tilespmem:$0x1E400] =	vst v63  }
0x56: {  	_ =	swait.ge [sflag:s14], $0x4000  }
0x57: {  	[sflag:s14] =	ssyncset.done $0x0  }
0x58: {  	s24 =	simm.s32 $0x0;
	[sflag:s14] =	ssyncadd.s32 $0xFFFFC000  }
0x59: {  	[tilespmem:s24], [sflag:$0x2] =	stream.linear.gather [hbm4b:s9+s24], $0x1400, $0x38;
	[tilespmem:$0x1E400] =	vst v63  }
0x5a: {  	_ =	swait.ge [sflag:s14], $0x1400  }
0x5b: {  	[sflag:s14] =	ssyncset.done $0x0  }
0x5c: {  	[sflag:s14] =	ssyncadd.s32 $0xFFFFEC00  }
0x5d: {  	[tilespmem:s15], [sflag:$0x2] =	stream.linear.gather [hbm4b:s10+s24], $0x1400, $0x38;
	[tilespmem:$0x1E400] =	vst v63  }
0x5e: {  	_ =	swait.ge [sflag:s14], $0x1400  }
0x5f: {  	[sflag:s14] =	ssyncset.done $0x0  }
0x60: {  	[sflag:s14] =	ssyncadd.s32 $0xFFFFEC00  }
0x61: {  	[tilespmem:s17], [sflag:$0x1] =	stream.indirect.gather [hbm4b:s4+s16], $0x80, s24, s16, $0xb8;
	[tilespmem:$0x1E400] =	vst v63  }
0x62: {  	_ =	swait.ge [sflag:s18], $0x4000  }
0x63: {  	[sflag:s18] =	ssyncset.done $0x0  }
0x64: {  	s28 =	simm.s32 $0x80;
	[sflag:s18] =	ssyncadd.s32 $0xFFFFC000  }
0x65: {  	[tilespmem:s19], [sflag:$0x1] =	stream.indirect.gather [hbm4b:s4+s16], $0x80, s28, s16, $0xb8;
	[tilespmem:$0x1E400] =	vst v63  }
0x66: {  	s29 =	simm.s32 $0x1400  }
0x67: {  	[spmem:s1] =	stream.indirect.scatter.add.f32 [tilespmem:s17], [sflag:$0x2], $0x80, s29, s16, $0xb8;
	[tilespmem:$0x1E400] =	vst v63  }
0x68: {  	_ =	swait.ge [sflag:s14], $0x4000  }
0x69: {  	[sflag:s14] =	ssyncset.done $0x0  }
0x6a: {  	[sflag:s14] =	ssyncadd.s32 $0xFFFFC000  }
0x6b: {  	_ =	swait.ge [sflag:s18], $0x4000  }
0x6c: {  	[sflag:s18] =	ssyncset.done $0x0  }
0x6d: {  	s30 =	simm.s32 $0x100;
	[sflag:s18] =	ssyncadd.s32 $0xFFFFC000  }
0x6e: {  	[tilespmem:s17], [sflag:$0x1] =	stream.indirect.gather [hbm4b:s4+s16], $0x80, s30, s16, $0xb8;
	[tilespmem:$0x1E400] =	vst v63  }
0x6f: {  	s31 =	simm.s32 $0x1480  }
0x70: {  	[spmem:s1] =	stream.indirect.scatter.add.f32 [tilespmem:s19], [sflag:$0x2], $0x80, s31, s16, $0xb8;
	[tilespmem:$0x1E400] =	vst v63  }
0x71: {  	_ =	swait.ge [sflag:s14], $0x4000  }
0x72: {  	s24 =	simm.s32 $0x400;
	[sflag:s14] =	ssyncset.done $0x0  }
.LBB2_4:
0x73: {  	p0 =	sne.s32 s24, $0x4800  }
0x74: {  	[sflag:s14] =	ssyncadd.s32 $0xFFFFC000;
	s25 =	smov.u32 s24;
	s24 =	sadd.s32 $0x400, s24  }
0x75: {  	_ = 	snop  }
0x76: {  	_ =	swait.ge [sflag:s18], $0x4000  }
0x77: {  	s25 =	sshra.s32 s25, $0x2;
	[sflag:s18] =	ssyncset.done $0x0  }
0x78: {  	s26 =	sadd.s32 $0x80, s25;
	[sflag:s18] =	ssyncadd.s32 $0xFFFFC000  }
0x79: {  	[tilespmem:s19], [sflag:$0x1] =	stream.indirect.gather [hbm4b:s4+s16], $0x80, s26, s16, $0xb8;
	[tilespmem:$0x1E400] =	vst v63  }
0x7a: {  	s26 =	sadd.s32 $0x1400, s25  }
0x7b: {  	[spmem:s1] =	stream.indirect.scatter.add.f32 [tilespmem:s17], [sflag:$0x2], $0x80, s26, s16, $0xb8;
	[tilespmem:$0x1E400] =	vst v63  }
0x7c: {  	_ =	swait.ge [sflag:s14], $0x4000  }
0x7d: {  	[sflag:s14] =	ssyncset.done $0x0  }
0x7e: {  	[sflag:s14] =	ssyncadd.s32 $0xFFFFC000  }
0x7f: {  	_ =	swait.ge [sflag:s18], $0x4000  }
0x80: {  	[sflag:s18] =	ssyncset.done $0x0  }
0x81: {  	s26 =	sadd.s32 $0x100, s25;
	[sflag:s18] =	ssyncadd.s32 $0xFFFFC000  }
0x82: {  	[tilespmem:s17], [sflag:$0x1] =	stream.indirect.gather [hbm4b:s4+s16], $0x80, s26, s16, $0xb8;
	[tilespmem:$0x1E400] =	vst v63  }
.Ltmp1:
0x83: {  	_ = 	snop;
	(pc) =	sbr.rel @p0 .LBB2_4-.Ltmp1, $4  }
0x84: {  	s25 =	sadd.s32 $0x1480, s25  }
0x85: {  	[spmem:s1] =	stream.indirect.scatter.add.f32 [tilespmem:s19], [sflag:$0x2], $0x80, s25, s16, $0xb8;
	[tilespmem:$0x1E400] =	vst v63  }
0x86: {  	_ =	swait.ge [sflag:s14], $0x4000  }
0x87: {  	[sflag:s14] =	ssyncset.done $0x0  }
0x88: {  	[sflag:s14] =	ssyncadd.s32 $0xFFFFC000  }
0x89: {  	_ =	swait.ge [sflag:s18], $0x4000  }
0x8a: {  	[sflag:s18] =	ssyncset.done $0x0  }
0x8b: {  	[sflag:s18] =	ssyncadd.s32 $0xFFFFC000  }
0x8c: {  	[tilespmem:s19], [sflag:$0x1] =	stream.indirect.gather [hbm4b:s4+s16], $0x80, s20, s16, $0xb8;
	[tilespmem:$0x1E400] =	vst v63  }
0x8d: {  	_ = 	snop  }
0x8e: {  	[spmem:s1] =	stream.indirect.scatter.add.f32 [tilespmem:s17], [sflag:$0x2], $0x80, s21, s16, $0xb8;
	[tilespmem:$0x1E400] =	vst v63  }
0x8f: {  	_ =	swait.ge [sflag:s14], $0x4000  }
0x90: {  	[sflag:s14] =	ssyncset.done $0x0  }
0x91: {  	[sflag:s14] =	ssyncadd.s32 $0xFFFFC000  }
0x92: {  	_ =	swait.ge [sflag:s18], $0x4000  }
0x93: {  	[sflag:s18] =	ssyncset.done $0x0  }
0x94: {  	[sflag:s18] =	ssyncadd.s32 $0xFFFFC000  }
0x95: {  	[spmem:s1] =	stream.indirect.scatter.add.f32 [tilespmem:s19], [sflag:$0x2], $0x80, s22, s16, $0xb8;
	[tilespmem:$0x1E400] =	vst v63  }
0x96: {  	_ =	swait.ge [sflag:s14], $0x4000  }
0x97: {  	s23 =	sadd.s32 $0x1, s23;
	[sflag:s14] =	ssyncset.done $0x0  }
0x98: {  	p0 =	sne.s32 s23, s12;
	[sflag:s14] =	ssyncadd.s32 $0xFFFFC000  }
.Ltmp2:
0x99: {  	[bflag:$0x0] =	sbarrier.arrive $0xFFFF;
	(pc) =	sbr.rel @p0 .LBB2_1-.Ltmp2, $4  }
0x9a: {  	[hbm:s11], [sflag:s6] =	dma.local [spmem:s13], $0x2780  }
0x9b: {  	_ =	swait.ge [sflag:s14], $0x2780  }
0x9c: {  	[sflag:s14] =	ssyncset.done $0x0  }
0x9d: {  	[sflag:s14] =	ssyncadd.s32 $0xFFFFD880  }
0x9e: {  	_ =	sfence.sel $0x180000  }
0x9f: {  	[bflag:$0x0] =	sbarrier.arrive $0xFFFF  }
0xa0: {  	p0 =	sne.s32 s3, $0x0;
	_ =	strace $0x9000004D  }
0xa1: {  	s0 =	sadd.s32 @!p0 $0x100000, s0;
	[bflag:$0x2] =	sbarrier.arrive $0xFFFF  }
0xa2: {  	[sflag:s0] =	ssyncadd.tile.s32 @!p0 $0x1;
	_ =	shalt  }
.Lfunc_end2:
_tile_overlayer_lowered:
.L_overlay_start_2:
0xa3: {  	(tag) =	ssettag $0x2  }
0xa4: {  	s0 =	rddreg [dreg:$0x0];
	s2 =	stileid.u32  }
0xa5: {  	s1 =	rddreg [dreg:$0x1];
	p0 =	sne.s32 s2, $0x0  }
0xa6: {  	s3 =	rddreg [dreg:$0x2];
	[bflag:$0x3] =	sbarrier.arrive $0xFFFF;
	s2 =	simm.s32 @!p0 $0x1C02  }
0xa7: {  	[timem:s3], [sflag:s2] =	dma.local @!p0 [hbm:s0], s1  }
0xa8: {  	s0 =	simm.s32 @!p0 $0x2  }
0xa9: {  	_ =	swait.ge @!p0 [sflag:s0], s1  }
0xaa: {  	s1 =	ssub.s32 @!p0 $0x0, s1;
	[sflag:s0] =	ssyncset.done @!p0 $0x0  }
0xab: {  	[sflag:s0] =	ssyncadd.s32 @!p0 s1  }
0xac: {  	[bflag:$0x3] =	sbarrier.arrive $0xFFFF  }
0xad: {  	_ =	shalt  }

// kernel: kernel.21.cloned.1.call-start
scs
__scs_entry_jumppad:
0x0: {  	(pc) =	sbr.rel $0x88, $3  }
0x1: {  	(tag) =	ssettag $0x0;
	lr =	simm.s32 $0x1  }
0x2: {  	[smem:$0x3F8D] =	sst lr;
	_ =	strace $0xD0000000  }
0x3: {  	_ = 	snop  }
0x4: {  	_ = 	snop  }
0x5: {  	_ = 	snop  }
0x6: {  	_ = 	snop  }
0x7: {  	_ = 	snop  }
__scs_overlays_trampoline_lowered:
0x8: {  	[smem:$0x3F9C] =	sst s0  }
0x9: {  	[smem:$0x3F9D] =	sst s1  }
0xa: {  	[smem:$0x3F9E] =	sst s2  }
0xb: {  	[smem:$0x3F9F] =	sst s3  }
0xc: {  	[smem:$0x3FA0] =	sst s4  }
0xd: {  	[smem:$0x3FA1] =	sst s5  }
0xe: {  	[smem:$0x3FA2] =	sst s6  }
0xf: {  	[smem:$0x3FA3] =	sst s7  }
0x10: {  	[smem:$0x3FA4] =	sst s8  }
0x11: {  	[smem:$0x3FA5] =	sst s9;
	s0 =	simm.s32 @!p0 $0x0  }
0x12: {  	s1 =	sld [smem:$0x3F8B];
	s0 =	simm.s32 @p0 $0x1  }
0x13: {  	[smem:$0x3FA6] =	sst s0;
	s0 =	simm.s32 @!p1 $0x0  }
0x14: {  	s2 =	sld [smem:$0x3F8A];
	s0 =	simm.s32 @p1 $0x1  }
0x15: {  	[smem:$0x3FA7] =	sst s0;
	s0 =	simm.s32 @!p2 $0x0  }
0x16: {  	s3 =	sld [smem:$0x3FDB];
	s0 =	simm.s32 @p2 $0x1  }
0x17: {  	s4 =	simm.s32 $0x1BF5;
	[smem:$0x3FA9] =	sst s0  }
0x18: {  	s0 =	sld [smem:$0x3F8C];
	_ =	swait.ge [sflag:s4], $0x0  }
0x19: {  	s7 =	sld [smem:$0x3F8D]  }
0x1a: {  	s8 =	sadd.s32 $0xFFFFE003, lr  }
0x1b: {  	s9 =	sadd.s32 $0xFFFFFEF7, lr;
	s5 =	simm.s32 $0xFFFFFFFF;
	p2 =	slt.u32 s8, $0xFFFFF086  }
0x1c: {  	p1 =	slt.u32 s9, $0xF7A;
	s5 =	simm.s32 @!p2 $0x0  }
0x1d: {  	s5 =	simm.s32 @p1 $0x1;
	p0 =	seq.s32 s7, s2  }
0x1e: {  	s7 =	smul.u32 @!p0 $0xF7A, s2;
	p2 =	seq.s32 @!p0 s5, $0x0  }
0x1f: {  	s9 =	smul.u32 $0xF7A, s1;
	s8 =	simm.s32 @!p0 $0x1BF5;
	p2 =	por !p2, p0  }
0x20: {  	[sflag:s8] =	ssyncset.s32 @!p0 $0xFFFFF086;
	s6 =	sadd.s32 @!p0 s3, s7;
	s7 =	simm.s32 @!p0 $0x108  }
0x21: {  	s3 =	sadd.s32 s3, s9;
	s6 =	sadd.s32 @!p0 $0x88, s6;
	s7 =	simm.s32 @p2 $0x1082  }
0x22: {  	[simem:s7], [sflag:s8] =	dma.local @!p0 [hbm:s6], $0xF7A  }
0x23: {  	s9 =	sor.u32 $0xD0000000, s2;
	s6 =	simm.s32 $0x108;
	_ =	swait.ge @!p0 [sflag:s8], $0x0  }
0x24: {  	s3 =	sadd.s32 $0x88, s3;
	s6 =	simm.s32 @!p1 $0x1082;
	[sflag:s4] =	ssyncset.s32 $0xFFFFF086  }
0x25: {  	[simem:s6], [sflag:s4] =	dma.local [hbm:s3], $0xF7A  }
0x26: {  	[smem:$0x3F8D] =	sst s1;
	(tag) =	ssettag s2;
	_ =	strace s9  }
0x27: {  	s1 =	sld [smem:$0x3F9D]  }
0x28: {  	s2 =	sld [smem:$0x3F9E]  }
0x29: {  	s4 =	sld [smem:$0x3FA0]  }
0x2a: {  	p0 =	seq.s32 s5, $0x0;
	s5 =	sld [smem:$0x3FA1]  }
0x2b: {  	s6 =	sld [smem:$0x3FA2]  }
0x2c: {  	s7 =	sld [smem:$0x3FA3]  }
0x2d: {  	s3 =	simm.s32 $0x108;
	s8 =	sld [smem:$0x3FA4]  }
0x2e: {  	s3 =	simm.s32 @!p0 $0x1082;
	s9 =	sld [smem:$0x3FA5]  }
0x2f: {  	lr =	sadd.s32 s0, s3;
	s0 =	sld [smem:$0x3F9C]  }
0x30: {  	s3 =	sld [smem:$0x3F9F]  }
0x31: {  	[smem:$0x3FA8] =	sst s10  }
0x32: {  	s10 =	sld [smem:$0x3FA6];
	_ =	sdelay $0x3  }
0x33: {  	p0 =	seq.s32 s10, $0x1;
	s10 =	sld [smem:$0x3FA8];
	_ =	sdelay $0x3  }
0x34: {  	[smem:$0x3FA8] =	sst s10  }
0x35: {  	s10 =	sld [smem:$0x3FA7];
	_ =	sdelay $0x3  }
0x36: {  	p1 =	seq.s32 s10, $0x1;
	s10 =	sld [smem:$0x3FA8];
	_ =	sdelay $0x3  }
0x37: {  	[smem:$0x3FA8] =	sst s10  }
0x38: {  	s10 =	sld [smem:$0x3FA9]  }
0x39: {  	_ = 	snop;
	(pc) =	sbr.ind lr, $3  }
0x3a: {  	_ = 	snop  }
0x3b: {  	_ = 	snop  }
0x3c: {  	p2 =	seq.s32 s10, $0x1;
	s10 =	sld [smem:$0x3FA8]  }
0x3d: {  	_ =	shalt  }
0x3e: {  	_ =	shalt  }
0x3f: {  	_ =	shalt  }
0x40: {  	_ =	shalt  }
0x41: {  	_ =	shalt  }
0x42: {  	_ =	shalt  }
0x43: {  	_ =	shalt  }
0x44: {  	_ =	shalt  }
0x45: {  	_ =	shalt  }
0x46: {  	_ =	shalt  }
0x47: {  	_ =	shalt  }
0x48: {  	_ =	shalt  }
0x49: {  	_ =	shalt  }
0x4a: {  	_ =	shalt  }
0x4b: {  	_ =	shalt  }
0x4c: {  	_ =	shalt  }
0x4d: {  	_ =	shalt  }
0x4e: {  	_ =	shalt  }
0x4f: {  	_ =	shalt  }
0x50: {  	_ =	shalt  }
0x51: {  	_ =	shalt  }
0x52: {  	_ =	shalt  }
0x53: {  	_ =	shalt  }
0x54: {  	_ =	shalt  }
0x55: {  	_ =	shalt  }
0x56: {  	_ =	shalt  }
0x57: {  	_ =	shalt  }
0x58: {  	_ =	shalt  }
0x59: {  	_ =	shalt  }
0x5a: {  	_ =	shalt  }
0x5b: {  	_ =	shalt  }
0x5c: {  	_ =	shalt  }
0x5d: {  	_ =	shalt  }
0x5e: {  	_ =	shalt  }
0x5f: {  	_ =	shalt  }
0x60: {  	_ =	shalt  }
0x61: {  	_ =	shalt  }
0x62: {  	_ =	shalt  }
0x63: {  	_ =	shalt  }
0x64: {  	_ =	shalt  }
0x65: {  	_ =	shalt  }
0x66: {  	_ =	shalt  }
0x67: {  	_ =	shalt  }
0x68: {  	_ =	shalt  }
0x69: {  	_ =	shalt  }
0x6a: {  	_ =	shalt  }
0x6b: {  	_ =	shalt  }
0x6c: {  	_ =	shalt  }
0x6d: {  	_ =	shalt  }
0x6e: {  	_ =	shalt  }
0x6f: {  	_ =	shalt  }
0x70: {  	_ =	shalt  }
0x71: {  	_ =	shalt  }
0x72: {  	_ =	shalt  }
0x73: {  	_ =	shalt  }
0x74: {  	_ =	shalt  }
0x75: {  	_ =	shalt  }
0x76: {  	_ =	shalt  }
0x77: {  	_ =	shalt  }
0x78: {  	_ =	shalt  }
0x79: {  	_ =	shalt  }
0x7a: {  	_ =	shalt  }
0x7b: {  	_ =	shalt  }
0x7c: {  	_ =	shalt  }
0x7d: {  	_ =	shalt  }
0x7e: {  	_ =	shalt  }
0x7f: {  	_ =	shalt  }
0x80: {  	_ =	shalt  }
0x81: {  	_ =	shalt  }
0x82: {  	_ =	shalt  }
0x83: {  	_ =	shalt  }
0x84: {  	_ =	shalt  }
0x85: {  	_ =	shalt  }
0x86: {  	_ =	shalt  }
0x87: {  	_ =	shalt  }
.Lfunc_end0:
.L_simem_size_0:
called_computation.3_lowered:
.L_overlay_start_0:
0x88: {  	s2 =	sld [smem:$0x3FD9]  }
0x89: {  	s3 =	sld [smem:$0x3FFE];
	_ =	sdelay $0x1  }
0x8a: {  	s1 =	srdreg.scid  }
0x8b: {  	s0 =	sand.u32 $0x1, s1  }
0x8c: {  	s14 =	sshll.u32 s0, $0xA;
	s2 =	sadd.s32 s3, s2  }
0x8d: {  	s2 =	sadd.s32 s2, s14  }
0x8e: {  	[smem:$0x3FB4] =	sst s2  }
0x8f: {  	_ = 	snop  }
0x90: {  	s2 =	sld [smem:$0x3FD0];
	_ =	sdelay $0x2  }
0x91: {  	s15 =	simm.s32 $0xA;
	s4 =	simm.s32 $0x10  }
0x92: {  	[smem:s4], [sflag:s15] =	dma.local [hbm:s2], $0x1  }
0x93: {  	_ =	swait.eq [sflag:s15], $0x1  }
0x94: {  	[sflag:s15] =	ssyncset.done $0x0  }
0x95: {  	s16 =	sld [smem:$0x10];
	[sflag:s15] =	ssyncadd.s32 $0xFFFFFFFF  }
0x96: {  	s17 =	sld [smem:$0x11];
	(tm) =	ssettm $0x1  }
0x97: {  	s18 =	sld [smem:$0x3FFB];
	_ =	sdelay $0x3  }
0x98: {  	_ =	strace s18  }
0x99: {  	s4 =	sld [smem:$0x3FFC];
	_ =	sdelay $0x3  }
0x9a: {  	_ =	strace s4  }
0x9b: {  	s4 =	sld [smem:$0x3FFD];
	_ =	sdelay $0x3  }
0x9c: {  	_ =	strace s4  }
0x9d: {  	_ =	strace $0x8FFFFFFF  }
0x9e: {  	s19 =	sld [smem:$0x3FDB];
	_ =	sdelay $0x1  }
0x9f: {  	s5 =	simm.s32 $_scs_section_size  }
0xa0: {  	s6 =	simm.s32 $_size__tile_overlayer_lowered;
	s7 =	simm.s32 $_tile_overlayer_lowered  }
0xa1: {  	s22 =	simm.s32 $0x1BFF;
	s21 =	sshll.u32 s7, $0x1;
	s4 =	sadd.s32 s5, s19  }
0xa2: {  	s8 =	simm.s32 $0x0;
	s20 =	sshll.u32 s6, $0x1;
	s6 =	sadd.s32 s21, s4  }
0xa3: {  	[timem:s8], [sflag:s22] =	dma.local [hbm:s6], s20  }
0xa4: {  	_ =	swait.ge [sflag:s22], s20  }
0xa5: {  	s5 =	ssub.s32 $0x0, s20;
	[sflag:s22] =	ssyncset.done $0x0  }
0xa6: {  	[sflag:s22] =	ssyncadd.s32 s5;
	_ =	sdelay $0x1  }
0xa7: {  	s23 =	simm.s32 $0x1B8B  }
0xa8: {  	_ =	swait.ge [sflag:s23], $0x1  }
0xa9: {  	[sflag:s23] =	ssyncset.done $0x0  }
0xaa: {  	s25 =	simm.s32 $0x1B8E;
	s24 =	sld [smem:$0x3FFE];
	[sflag:s23] =	ssyncadd.s32 $0xFFFFFFFF  }
0xab: {  	s26 =	simm.s32 $execute0_lowered;
	[smem:$0x3FD2] =	sst s25  }
0xac: {  	s6 =	sshll.u32 s26, $0x1;
	_ =	strace $0x8000004F;
	[dreg:$0x1] =	wrdreg $0xFFFFFFFF  }
0xad: {  	s28 =	simm.s32 $_size_execute0_lowered;
	s4 =	sadd.s32 s4, s6;
	[dreg:$0x0] =	wrdreg $0x0  }
0xae: {  	s6 =	sshll.u32 s28, $0x1;
	[dreg:$0x2] =	wrdreg s4  }
0xaf: {  	[dreg:$0x3] =	wrdreg s6  }
0xb0: {  	[dreg:$0x4] =	wrdreg $0xC0  }
0xb1: {  	_ =	task [dreg:s8], $0x5FFFF  }
0xb2: {  	[dreg:$0x1] =	wrdreg $0xFFFFFFFF  }
0xb3: {  	[dreg:$0x0] =	wrdreg $0x60  }
0xb4: {  	[dreg:$0x2] =	wrdreg s24  }
0xb5: {  	[dreg:$0x3] =	wrdreg s16  }
0xb6: {  	[dreg:$0x4] =	wrdreg s17  }
0xb7: {  	[dreg:$0x5] =	wrdreg $0xA8000  }
0xb8: {  	[dreg:$0x6] =	wrdreg $0x9  }
0xb9: {  	_ =	task.clear_ibuf [dreg:s8], $0x7FFFF;
	_ =	strace $0x9000004F  }
0xba: {  	s29 =	simm.s32 $0x9;
	_ =	strace $0x80000051  }
0xbb: {  	_ =	swait.ge [sflag:s29], $0x1  }
0xbc: {  	[sflag:s29] =	ssyncadd.s32 $0xFFFFFFFF  }
0xbd: {  	_ =	strace $0x90000051  }
0xbe: {  	_ =	sfence  }
0xbf: {  	s30 =	sld [smem:$0x0];
	_ =	sdelay $0x2  }
0xc0: {  	s31 =	sshll.u32 s1, $0xD;
	s1 =	sshrl.u32 s1, $0x2  }
0xc1: {  	s3 =	sand.u32 $0x4000, s31;
	s1 =	sadd.s32 s1, s30  }
0xc2: {  	s0 =	sor.u32 s3, s0;
	s1 =	sshll.u32 s1, $0x11  }
0xc3: {  	s0 =	sor.u32 s1, s0  }
0xc4: {  	s0 =	sadd.s32 $0x8F2B, s0  }
0xc5: {  	[sflag:s0] =	ssyncadd.remote.s32 $0x1  }
0xc6: {  	_ =	sfence.sel $0xFFFF  }
0xc7: {  	[dreg:$0x0] =	wrdreg $0xFFFFFFFF;
	(pc) =	sbr.abs _section_cstart, $3  }
0xc8: {  	[dreg:$0x1] =	wrdreg $0xFFFFFFFF  }
0xc9: {  	_ =	task.clear_ibuf [dreg:s8], $0x2FFFF;
	_ =	strace $0x9FFFFFFF  }
0xca: {  	(tm) =	ssettm $0x7FFFFFFF  }
0xcb: {  	_ =	shalt  }
tec
execute0_lowered:
.L_overlay_start_1:
0x0: {  	(tag) =	ssettag $0x1  }
0x1: {  	s5 =	rddreg [dreg:$0x0]  }
0x2: {  	s10 =	rddreg [dreg:$0x1]  }
0x3: {  	s11 =	rddreg [dreg:$0x2]  }
0x4: {  	s1 =	rddreg [dreg:$0x3]  }
0x5: {  	s0 =	rddreg [dreg:$0x4];
	s2 =	simm.s32 $0x0  }
0x6: {  	s3 =	srdreg.scid;
	s16 =	simm.s32 $0x80;
	s17 =	simm.s32 $0x2800  }
0x7: {  	s18 =	simm.s32 $0x1;
	s19 =	simm.s32 $0x6800;
	s20 =	simm.s32 $0x1380  }
0x8: {  	s21 =	simm.s32 $0x2700;
	s22 =	simm.s32 $0x2780;
	s23 =	simm.s32 $0x0  }
0x9: {  	[smem:$0x7FF] =	sst s2;
	s6 =	sand.u32 $0x1, s3;
	s3 =	stileid.u32  }
0xa: {  	s4 =	sadd.s32 $0x14000, s5;
	s9 =	sadd.s32 $0xA000, s5;
	s8 =	smul.u32 $0x4F000, s3  }
0xb: {  	s5 =	sadd.s32 $0x7800, s5;
	_ =	strace $0x80000050;
	s14 =	smul.u32 $0x13C000, s6  }
0xc: {  	s7 =	sshll.u32 s6, $0x4;
	s12 =	ssub.s32 $0x2, s6;
	s29 =	smul.u32 $0x13C00, s3  }
0xd: {  	s31 =	sshll.u32 s3, $0x6;
	s7 =	sor.u32 s3, s7;
	s13 =	sshrl.u32 s12, $0x1  }
0xe: {  	s6 =	sor.u32 $0x1C02, s31;
	s7 =	smul.u32 $0x2800, s7;
	s28 =	sshrl.u32 s8, $0x2  }
0xf: {  	s12 =	ssub.s32 s12, s13;
	s14 =	sadd.s32 s29, s14;
	s30 =	sadd.s32 s28, s1  }
0x10: {  	s14 =	sshrl.u32 s14, $0x3;
	s12 =	smax.u32 s12, $0x1;
	s15 =	sshrl.u32 s7, $0x3  }
0x11: {  	s11 =	sadd.s32 s11, s14;
	s13 =	sshrl.u32 s30, $0x3;
	s14 =	simm.s32 $0x2  }
0x12: {  	s7 =	sadd.s32 s9, s15;
	s8 =	sadd.s32 s10, s15;
	s15 =	sadd.s32 $0x280, s15  }
0x13: {  	s9 =	sadd.s32 s9, s15;
	s10 =	sadd.s32 s10, s15;
	s15 =	simm.s32 $0x1400  }
.LBB2_1:
0x14: {  	[spmem:s13], [sflag:s6] =	dma.local [hbm:s5], $0x2780  }
0x15: {  	_ =	swait.ge [sflag:s14], $0x2780  }
0x16: {  	[sflag:s14] =	ssyncset.done $0x0  }
0x17: {  	[sflag:s14] =	ssyncadd.s32 $0xFFFFD880  }
0x18: {  	[bflag:$0x0] =	sbarrier.arrive $0xFFFF  }
0x19: {  	[tilespmem:s2], [sflag:$0x2] =	stream.linear.gather [hbm4b:s7+s2], $0x1400, $0x38;
	[tilespmem:$0x1E400] =	vst v63  }
0x1a: {  	_ =	swait.ge [sflag:s14], $0x1400  }
0x1b: {  	[sflag:s14] =	ssyncset.done $0x0  }
0x1c: {  	[sflag:s14] =	ssyncadd.s32 $0xFFFFEC00  }
0x1d: {  	[tilespmem:s15], [sflag:$0x2] =	stream.linear.gather [hbm4b:s8+s2], $0x1400, $0x38;
	[tilespmem:$0x1E400] =	vst v63  }
0x1e: {  	_ =	swait.ge [sflag:s14], $0x1400  }
0x1f: {  	[sflag:s14] =	ssyncset.done $0x0  }
0x20: {  	[sflag:s14] =	ssyncadd.s32 $0xFFFFEC00  }
0x21: {  	[tilespmem:s17], [sflag:$0x1] =	stream.indirect.gather [hbm4b:s4+s16], $0x80, s2, s16, $0xb8;
	[tilespmem:$0x1E400] =	vst v63  }
0x22: {  	_ =	swait.ge [sflag:s18], $0x4000  }
0x23: {  	[sflag:s18] =	ssyncset.done $0x0  }
0x24: {  	s24 =	simm.s32 $0x80;
	[sflag:s18] =	ssyncadd.s32 $0xFFFFC000  }
0x25: {  	[tilespmem:s19], [sflag:$0x1] =	stream.indirect.gather [hbm4b:s4+s16], $0x80, s24, s16, $0xb8;
	[tilespmem:$0x1E400] =	vst v63  }
0x26: {  	s29 =	simm.s32 $0x1400  }
0x27: {  	[spmem:s1] =	stream.indirect.scatter.add.f32 [tilespmem:s17], [sflag:$0x2], $0x80, s29, s16, $0xb8;
	[tilespmem:$0x1E400] =	vst v63  }
0x28: {  	_ =	swait.ge [sflag:s14], $0x4000  }
0x29: {  	[sflag:s14] =	ssyncset.done $0x0  }
0x2a: {  	[sflag:s14] =	ssyncadd.s32 $0xFFFFC000  }
0x2b: {  	_ =	swait.ge [sflag:s18], $0x4000  }
0x2c: {  	[sflag:s18] =	ssyncset.done $0x0  }
0x2d: {  	s30 =	simm.s32 $0x100;
	[sflag:s18] =	ssyncadd.s32 $0xFFFFC000  }
0x2e: {  	[tilespmem:s17], [sflag:$0x1] =	stream.indirect.gather [hbm4b:s4+s16], $0x80, s30, s16, $0xb8;
	[tilespmem:$0x1E400] =	vst v63  }
0x2f: {  	s31 =	simm.s32 $0x1480  }
0x30: {  	[spmem:s1] =	stream.indirect.scatter.add.f32 [tilespmem:s19], [sflag:$0x2], $0x80, s31, s16, $0xb8;
	[tilespmem:$0x1E400] =	vst v63  }
0x31: {  	_ =	swait.ge [sflag:s14], $0x4000  }
0x32: {  	s24 =	simm.s32 $0x400;
	[sflag:s14] =	ssyncset.done $0x0  }
.LBB2_2:
0x33: {  	p0 =	sne.s32 s24, $0x4800  }
0x34: {  	[sflag:s14] =	ssyncadd.s32 $0xFFFFC000;
	s25 =	smov.u32 s24;
	s24 =	sadd.s32 $0x400, s24  }
0x35: {  	_ = 	snop  }
0x36: {  	_ =	swait.ge [sflag:s18], $0x4000  }
0x37: {  	s25 =	sshra.s32 s25, $0x2;
	[sflag:s18] =	ssyncset.done $0x0  }
0x38: {  	s26 =	sadd.s32 $0x80, s25;
	[sflag:s18] =	ssyncadd.s32 $0xFFFFC000  }
0x39: {  	[tilespmem:s19], [sflag:$0x1] =	stream.indirect.gather [hbm4b:s4+s16], $0x80, s26, s16, $0xb8;
	[tilespmem:$0x1E400] =	vst v63  }
0x3a: {  	s26 =	sadd.s32 $0x1400, s25  }
0x3b: {  	[spmem:s1] =	stream.indirect.scatter.add.f32 [tilespmem:s17], [sflag:$0x2], $0x80, s26, s16, $0xb8;
	[tilespmem:$0x1E400] =	vst v63  }
0x3c: {  	_ =	swait.ge [sflag:s14], $0x4000  }
0x3d: {  	[sflag:s14] =	ssyncset.done $0x0  }
0x3e: {  	[sflag:s14] =	ssyncadd.s32 $0xFFFFC000  }
0x3f: {  	_ =	swait.ge [sflag:s18], $0x4000  }
0x40: {  	[sflag:s18] =	ssyncset.done $0x0  }
0x41: {  	s26 =	sadd.s32 $0x100, s25;
	[sflag:s18] =	ssyncadd.s32 $0xFFFFC000  }
0x42: {  	[tilespmem:s17], [sflag:$0x1] =	stream.indirect.gather [hbm4b:s4+s16], $0x80, s26, s16, $0xb8;
	[tilespmem:$0x1E400] =	vst v63  }
.Ltmp0:
0x43: {  	_ = 	snop;
	(pc) =	sbr.rel @p0 .LBB2_2-.Ltmp0, $4  }
0x44: {  	s25 =	sadd.s32 $0x1480, s25  }
0x45: {  	[spmem:s1] =	stream.indirect.scatter.add.f32 [tilespmem:s19], [sflag:$0x2], $0x80, s25, s16, $0xb8;
	[tilespmem:$0x1E400] =	vst v63  }
0x46: {  	_ =	swait.ge [sflag:s14], $0x4000  }
0x47: {  	[sflag:s14] =	ssyncset.done $0x0  }
0x48: {  	[sflag:s14] =	ssyncadd.s32 $0xFFFFC000  }
0x49: {  	_ =	swait.ge [sflag:s18], $0x4000  }
0x4a: {  	[sflag:s18] =	ssyncset.done $0x0  }
0x4b: {  	[sflag:s18] =	ssyncadd.s32 $0xFFFFC000  }
0x4c: {  	[tilespmem:s19], [sflag:$0x1] =	stream.indirect.gather [hbm4b:s4+s16], $0x80, s20, s16, $0xb8;
	[tilespmem:$0x1E400] =	vst v63  }
0x4d: {  	_ = 	snop  }
0x4e: {  	[spmem:s1] =	stream.indirect.scatter.add.f32 [tilespmem:s17], [sflag:$0x2], $0x80, s21, s16, $0xb8;
	[tilespmem:$0x1E400] =	vst v63  }
0x4f: {  	_ =	swait.ge [sflag:s14], $0x4000  }
0x50: {  	[sflag:s14] =	ssyncset.done $0x0  }
0x51: {  	[sflag:s14] =	ssyncadd.s32 $0xFFFFC000  }
0x52: {  	_ =	swait.ge [sflag:s18], $0x4000  }
0x53: {  	[sflag:s18] =	ssyncset.done $0x0  }
0x54: {  	[sflag:s18] =	ssyncadd.s32 $0xFFFFC000  }
0x55: {  	[spmem:s1] =	stream.indirect.scatter.add.f32 [tilespmem:s19], [sflag:$0x2], $0x80, s22, s16, $0xb8;
	[tilespmem:$0x1E400] =	vst v63  }
0x56: {  	_ =	swait.ge [sflag:s14], $0x4000  }
0x57: {  	[sflag:s14] =	ssyncset.done $0x0  }
0x58: {  	s24 =	simm.s32 $0x0;
	[sflag:s14] =	ssyncadd.s32 $0xFFFFC000  }
0x59: {  	[tilespmem:s24], [sflag:$0x2] =	stream.linear.gather [hbm4b:s9+s24], $0x1400, $0x38;
	[tilespmem:$0x1E400] =	vst v63  }
0x5a: {  	_ =	swait.ge [sflag:s14], $0x1400  }
0x5b: {  	[sflag:s14] =	ssyncset.done $0x0  }
0x5c: {  	[sflag:s14] =	ssyncadd.s32 $0xFFFFEC00  }
0x5d: {  	[tilespmem:s15], [sflag:$0x2] =	stream.linear.gather [hbm4b:s10+s24], $0x1400, $0x38;
	[tilespmem:$0x1E400] =	vst v63  }
0x5e: {  	_ =	swait.ge [sflag:s14], $0x1400  }
0x5f: {  	[sflag:s14] =	ssyncset.done $0x0  }
0x60: {  	[sflag:s14] =	ssyncadd.s32 $0xFFFFEC00  }
0x61: {  	[tilespmem:s17], [sflag:$0x1] =	stream.indirect.gather [hbm4b:s4+s16], $0x80, s24, s16, $0xb8;
	[tilespmem:$0x1E400] =	vst v63  }
0x62: {  	_ =	swait.ge [sflag:s18], $0x4000  }
0x63: {  	[sflag:s18] =	ssyncset.done $0x0  }
0x64: {  	s28 =	simm.s32 $0x80;
	[sflag:s18] =	ssyncadd.s32 $0xFFFFC000  }
0x65: {  	[tilespmem:s19], [sflag:$0x1] =	stream.indirect.gather [hbm4b:s4+s16], $0x80, s28, s16, $0xb8;
	[tilespmem:$0x1E400] =	vst v63  }
0x66: {  	s29 =	simm.s32 $0x1400  }
0x67: {  	[spmem:s1] =	stream.indirect.scatter.add.f32 [tilespmem:s17], [sflag:$0x2], $0x80, s29, s16, $0xb8;
	[tilespmem:$0x1E400] =	vst v63  }
0x68: {  	_ =	swait.ge [sflag:s14], $0x4000  }
0x69: {  	[sflag:s14] =	ssyncset.done $0x0  }
0x6a: {  	[sflag:s14] =	ssyncadd.s32 $0xFFFFC000  }
0x6b: {  	_ =	swait.ge [sflag:s18], $0x4000  }
0x6c: {  	[sflag:s18] =	ssyncset.done $0x0  }
0x6d: {  	s30 =	simm.s32 $0x100;
	[sflag:s18] =	ssyncadd.s32 $0xFFFFC000  }
0x6e: {  	[tilespmem:s17], [sflag:$0x1] =	stream.indirect.gather [hbm4b:s4+s16], $0x80, s30, s16, $0xb8;
	[tilespmem:$0x1E400] =	vst v63  }
0x6f: {  	s31 =	simm.s32 $0x1480  }
0x70: {  	[spmem:s1] =	stream.indirect.scatter.add.f32 [tilespmem:s19], [sflag:$0x2], $0x80, s31, s16, $0xb8;
	[tilespmem:$0x1E400] =	vst v63  }
0x71: {  	_ =	swait.ge [sflag:s14], $0x4000  }
0x72: {  	s24 =	simm.s32 $0x400;
	[sflag:s14] =	ssyncset.done $0x0  }
.LBB2_4:
0x73: {  	p0 =	sne.s32 s24, $0x4800  }
0x74: {  	[sflag:s14] =	ssyncadd.s32 $0xFFFFC000;
	s25 =	smov.u32 s24;
	s24 =	sadd.s32 $0x400, s24  }
0x75: {  	_ = 	snop  }
0x76: {  	_ =	swait.ge [sflag:s18], $0x4000  }
0x77: {  	s25 =	sshra.s32 s25, $0x2;
	[sflag:s18] =	ssyncset.done $0x0  }
0x78: {  	s26 =	sadd.s32 $0x80, s25;
	[sflag:s18] =	ssyncadd.s32 $0xFFFFC000  }
0x79: {  	[tilespmem:s19], [sflag:$0x1] =	stream.indirect.gather [hbm4b:s4+s16], $0x80, s26, s16, $0xb8;
	[tilespmem:$0x1E400] =	vst v63  }
0x7a: {  	s26 =	sadd.s32 $0x1400, s25  }
0x7b: {  	[spmem:s1] =	stream.indirect.scatter.add.f32 [tilespmem:s17], [sflag:$0x2], $0x80, s26, s16, $0xb8;
	[tilespmem:$0x1E400] =	vst v63  }
0x7c: {  	_ =	swait.ge [sflag:s14], $0x4000  }
0x7d: {  	[sflag:s14] =	ssyncset.done $0x0  }
0x7e: {  	[sflag:s14] =	ssyncadd.s32 $0xFFFFC000  }
0x7f: {  	_ =	swait.ge [sflag:s18], $0x4000  }
0x80: {  	[sflag:s18] =	ssyncset.done $0x0  }
0x81: {  	s26 =	sadd.s32 $0x100, s25;
	[sflag:s18] =	ssyncadd.s32 $0xFFFFC000  }
0x82: {  	[tilespmem:s17], [sflag:$0x1] =	stream.indirect.gather [hbm4b:s4+s16], $0x80, s26, s16, $0xb8;
	[tilespmem:$0x1E400] =	vst v63  }
.Ltmp1:
0x83: {  	_ = 	snop;
	(pc) =	sbr.rel @p0 .LBB2_4-.Ltmp1, $4  }
0x84: {  	s25 =	sadd.s32 $0x1480, s25  }
0x85: {  	[spmem:s1] =	stream.indirect.scatter.add.f32 [tilespmem:s19], [sflag:$0x2], $0x80, s25, s16, $0xb8;
	[tilespmem:$0x1E400] =	vst v63  }
0x86: {  	_ =	swait.ge [sflag:s14], $0x4000  }
0x87: {  	[sflag:s14] =	ssyncset.done $0x0  }
0x88: {  	[sflag:s14] =	ssyncadd.s32 $0xFFFFC000  }
0x89: {  	_ =	swait.ge [sflag:s18], $0x4000  }
0x8a: {  	[sflag:s18] =	ssyncset.done $0x0  }
0x8b: {  	[sflag:s18] =	ssyncadd.s32 $0xFFFFC000  }
0x8c: {  	[tilespmem:s19], [sflag:$0x1] =	stream.indirect.gather [hbm4b:s4+s16], $0x80, s20, s16, $0xb8;
	[tilespmem:$0x1E400] =	vst v63  }
0x8d: {  	_ = 	snop  }
0x8e: {  	[spmem:s1] =	stream.indirect.scatter.add.f32 [tilespmem:s17], [sflag:$0x2], $0x80, s21, s16, $0xb8;
	[tilespmem:$0x1E400] =	vst v63  }
0x8f: {  	_ =	swait.ge [sflag:s14], $0x4000  }
0x90: {  	[sflag:s14] =	ssyncset.done $0x0  }
0x91: {  	[sflag:s14] =	ssyncadd.s32 $0xFFFFC000  }
0x92: {  	_ =	swait.ge [sflag:s18], $0x4000  }
0x93: {  	[sflag:s18] =	ssyncset.done $0x0  }
0x94: {  	[sflag:s18] =	ssyncadd.s32 $0xFFFFC000  }
0x95: {  	[spmem:s1] =	stream.indirect.scatter.add.f32 [tilespmem:s19], [sflag:$0x2], $0x80, s22, s16, $0xb8;
	[tilespmem:$0x1E400] =	vst v63  }
0x96: {  	_ =	swait.ge [sflag:s14], $0x4000  }
0x97: {  	s23 =	sadd.s32 $0x1, s23;
	[sflag:s14] =	ssyncset.done $0x0  }
0x98: {  	p0 =	sne.s32 s23, s12;
	[sflag:s14] =	ssyncadd.s32 $0xFFFFC000  }
.Ltmp2:
0x99: {  	[bflag:$0x0] =	sbarrier.arrive $0xFFFF;
	(pc) =	sbr.rel @p0 .LBB2_1-.Ltmp2, $4  }
0x9a: {  	[hbm:s11], [sflag:s6] =	dma.local [spmem:s13], $0x2780  }
0x9b: {  	_ =	swait.ge [sflag:s14], $0x2780  }
0x9c: {  	[sflag:s14] =	ssyncset.done $0x0  }
0x9d: {  	[sflag:s14] =	ssyncadd.s32 $0xFFFFD880  }
0x9e: {  	_ =	sfence.sel $0x180000  }
0x9f: {  	[bflag:$0x0] =	sbarrier.arrive $0xFFFF  }
0xa0: {  	p0 =	sne.s32 s3, $0x0;
	_ =	strace $0x90000050  }
0xa1: {  	s0 =	sadd.s32 @!p0 $0x100000, s0;
	[bflag:$0x2] =	sbarrier.arrive $0xFFFF  }
0xa2: {  	[sflag:s0] =	ssyncadd.tile.s32 @!p0 $0x1;
	_ =	shalt  }
.Lfunc_end2:
_tile_overlayer_lowered:
.L_overlay_start_2:
0xa3: {  	(tag) =	ssettag $0x2  }
0xa4: {  	s0 =	rddreg [dreg:$0x0];
	s2 =	stileid.u32  }
0xa5: {  	s1 =	rddreg [dreg:$0x1];
	p0 =	sne.s32 s2, $0x0  }
0xa6: {  	s3 =	rddreg [dreg:$0x2];
	[bflag:$0x3] =	sbarrier.arrive $0xFFFF;
	s2 =	simm.s32 @!p0 $0x1C02  }
0xa7: {  	[timem:s3], [sflag:s2] =	dma.local @!p0 [hbm:s0], s1  }
0xa8: {  	s0 =	simm.s32 @!p0 $0x2  }
0xa9: {  	_ =	swait.ge @!p0 [sflag:s0], s1  }
0xaa: {  	s1 =	ssub.s32 @!p0 $0x0, s1;
	[sflag:s0] =	ssyncset.done @!p0 $0x0  }
0xab: {  	[sflag:s0] =	ssyncadd.s32 @!p0 s1  }
0xac: {  	[bflag:$0x3] =	sbarrier.arrive $0xFFFF  }
0xad: {  	_ =	shalt  }

</sc_bundles>
